<compile_context>
chip_gen: v7x
topology: tpu7x:2x2x1
jax: 0.10.2.dev20260603
libtpu: 0.0.44.dev20260713+nightly
codegen_flags: <defaults>
</compile_context>

<pallas_src>
import functools

import jax
import jax.numpy as jnp
from jax import lax
from jax.experimental import pallas as pl
from jax.experimental.pallas import tpu as pltpu
from jax.experimental.pallas import tpu_sc as plsc

N = 4096
D = 512
ROWS_PER_BLK = 128
NUM_DEG_BLKS = N // ROWS_PER_BLK
XBLK = 512
NUM_XBLKS = N // XBLK
NUM_TILES = 32
CHUNK = N // NUM_TILES
DEG_PAD = 64


def _sc_deg_kernel(mat_hbm, idx8_hbm, deg2_hbm, row_hbm,
                   idx8_v, irow_v, rows_a, rows_b, pv8, rchunk_v,
                   sem_i, sem_a, sem_b):
    wid = lax.axis_index("s") * 2 + lax.axis_index("c")
    base = wid * CHUNK

    pltpu.sync_copy(idx8_hbm, idx8_v)
    pltpu.async_copy(mat_hbm.at[idx8_v], irow_v, sem_i).wait()
    for c in range(8):
        rchunk_v[pl.ds(c * 16, 16)] = irow_v[0, pl.ds(base + c * 16, 16)]
    pltpu.sync_copy(rchunk_v, row_hbm.at[pl.ds(base, CHUNK)])

    pltpu.async_copy(mat_hbm.at[pl.ds(base, 8)], rows_a, sem_a)
    pltpu.async_copy(mat_hbm.at[pl.ds(base + 8, 8)], rows_b, sem_b)

    def reduce_and_flush(buf, b):
        def cbody(cc, accs):
            for k in range(8):
                accs = tuple(accs[r] + buf[r, pl.ds((cc * 8 + k) * 16, 16)]
                             for r in range(8))
            return accs

        accs = lax.fori_loop(
            1, N // 128, cbody,
            tuple(buf[r, pl.ds(0, 16)] for r in range(8)))
        for cc in range(1, 8):
            accs = tuple(accs[r] + buf[r, pl.ds(cc * 16, 16)]
                         for r in range(8))
        for r in range(8):
            pv8[r, :] = accs[r]
        pltpu.sync_copy(pv8, deg2_hbm.at[pl.ds(base + b * 8, 8)])

    def gbody(g, carry):
        b0 = 2 * g
        pltpu.make_async_copy(
            mat_hbm.at[pl.ds(base + b0 * 8, 8)], rows_a, sem_a).wait()
        reduce_and_flush(rows_a, b0)

        @pl.when(g < 7)
        def _pa():
            pltpu.async_copy(
                mat_hbm.at[pl.ds(base + (b0 + 2) * 8, 8)], rows_a, sem_a)

        pltpu.make_async_copy(
            mat_hbm.at[pl.ds(base + (b0 + 1) * 8, 8)], rows_b, sem_b).wait()
        reduce_and_flush(rows_b, b0 + 1)

        @pl.when(g < 7)
        def _pb():
            pltpu.async_copy(
                mat_hbm.at[pl.ds(base + (b0 + 3) * 8, 8)], rows_b, sem_b)

        return carry

    lax.fori_loop(0, 8, gbody, jnp.int32(0))
    return


def _sc_deg(matrix, idx8):
    mesh = plsc.VectorSubcoreMesh(core_axis_name="c", subcore_axis_name="s")
    run = functools.partial(
        pl.kernel,
        mesh=mesh,
        out_type=[jax.ShapeDtypeStruct((N, 16), jnp.float32),
                  jax.ShapeDtypeStruct((N,), jnp.float32)],
        scratch_types=[
            pltpu.VMEM((8,), jnp.int32),
            pltpu.VMEM((8, N), jnp.float32),
            pltpu.VMEM((8, N), jnp.float32),
            pltpu.VMEM((8, N), jnp.float32),
            pltpu.VMEM((8, 16), jnp.float32),
            pltpu.VMEM((CHUNK,), jnp.float32),
            pltpu.SemaphoreType.DMA,
            pltpu.SemaphoreType.DMA,
            pltpu.SemaphoreType.DMA,
        ],
    )(_sc_deg_kernel)
    return run(matrix, idx8)


def _main_body(spref, deg_ref, row_ref, x_ref, lmT_ref,
               W1_ref, b1_ref, W2_ref, b2_ref, Wp_ref, bp_ref, out_ref,
               A_acc, s_acc, xi_acc, S_acc):
    i = pl.program_id(0)

    @pl.when(i == 0)
    def _init():
        A_acc[...] = jnp.zeros_like(A_acc)
        s_acc[...] = jnp.zeros_like(s_acc)
        xi_acc[...] = jnp.zeros_like(xi_acc)
        S_acc[0, 0] = 0.0

    row = row_ref[...]
    nb = row != 0
    ones16 = jnp.ones((1, 16), dtype=jnp.float32)
    degb = lax.dot_general(ones16, deg_ref[...], (((1,), (1,)), ((), ())),
                           preferred_element_type=jnp.float32)
    wt = jnp.where(nb, lax.rsqrt(jnp.where(nb, degb, 1.0)), 0.0)
    lwT = lmT_ref[...] * wt
    xb = x_ref[...]
    A_acc[...] += jnp.dot(lwT, xb, preferred_element_type=jnp.float32)
    s_acc[...] += jnp.broadcast_to(
        jnp.sum(lwT, axis=1, keepdims=True), s_acc.shape)
    S_acc[0, 0] += jnp.sum(row)
    rel = spref[0] - i * XBLK
    sel = (lax.broadcasted_iota(jnp.int32, (1, XBLK), 1)
           == rel).astype(jnp.float32)
    xi_acc[...] += jnp.dot(sel, xb, preferred_element_type=jnp.float32)

    @pl.when(i == NUM_XBLKS - 1)
    def _final():
        S = S_acc[0, 0]
        rs = jnp.where(S > 0, lax.rsqrt(S), 0.0)
        flagv = spref[1]
        Wsel = jnp.where(flagv == 1, W1_ref[...], W2_ref[...])
        bsel = jnp.where(flagv == 1, b1_ref[...], b2_ref[...])
        A = A_acc[...] * rs
        SB = (s_acc[:, 0:1] * rs) * bsel
        ta = jnp.maximum(
            jnp.dot(A, Wsel, preferred_element_type=jnp.float32) + SB, 0.0)
        XI = xi_acc[...]
        zi = jnp.maximum(
            jnp.dot(XI, Wsel, preferred_element_type=jnp.float32) + bsel, 0.0)
        h = jnp.concatenate(
            [zi] + [ta[l:l + 1, :] for l in range(7)], axis=1)
        P = jnp.maximum(XI, h)
        out_ref[...] = (jnp.dot(P, Wp_ref[...],
                                preferred_element_type=jnp.float32)
                        + bp_ref[...])


def _main_tc(spref, deg_row, mrow, x, lmT8, W1, b1, W2, b2, Wp, bp):
    grid_spec = pltpu.PrefetchScalarGridSpec(
        num_scalar_prefetch=1,
        grid=(NUM_XBLKS,),
        in_specs=[
            pl.BlockSpec((XBLK, 16), lambda i, s: (i, 0)),
            pl.BlockSpec((1, XBLK), lambda i, s: (0, i)),
            pl.BlockSpec((XBLK, D), lambda i, s: (i, 0)),
            pl.BlockSpec((8, XBLK), lambda i, s: (0, i)),
            pl.BlockSpec((D, 64), lambda i, s: (0, 0)),
            pl.BlockSpec((1, 64), lambda i, s: (0, 0)),
            pl.BlockSpec((D, 64), lambda i, s: (0, 0)),
            pl.BlockSpec((1, 64), lambda i, s: (0, 0)),
            pl.BlockSpec((D, 7), lambda i, s: (0, 0)),
            pl.BlockSpec((1, 7), lambda i, s: (0, 0)),
        ],
        out_specs=pl.BlockSpec((1, 7), lambda i, s: (0, 0)),
        scratch_shapes=[
            pltpu.VMEM((8, D), jnp.float32),
            pltpu.VMEM((8, 128), jnp.float32),
            pltpu.VMEM((1, D), jnp.float32),
            pltpu.SMEM((1, 1), jnp.float32),
        ],
    )
    return pl.pallas_call(
        _main_body,
        grid_spec=grid_spec,
        out_shape=jax.ShapeDtypeStruct((1, 7), jnp.float32),
    )(spref, deg_row, mrow, x, lmT8, W1, b1, W2, b2, Wp, bp)


def kernel(flag, index, matrix, x_features, x_labels, W1, b1, W2, b2, Wp, bp):
    spref = jnp.array([index, flag]).astype(jnp.int32)
    idx8 = jnp.broadcast_to(jnp.asarray(index, jnp.int32), (8,))
    deg2, row_flat = _sc_deg(matrix, idx8)
    mrow = row_flat.reshape(1, N)
    lmT = (x_labels != 0).astype(jnp.float32).T
    lmT8 = jnp.concatenate(
        [lmT, jnp.zeros((1, N), jnp.float32)], axis=0)
    out = _main_tc(spref, deg2, mrow, x_features, lmT8,
                   W1, b1.reshape(1, 64), W2, b2.reshape(1, 64),
                   Wp, bp.reshape(1, 7))
    return out

# --- scband reference (transcript-rebuilt; emitter-appended) ---
"""Pipeline reference for scband-labelwisepassing-61770219651594 (READ-ONLY COPY).

The authoritative reference and input builder live on the scoring server;
editing this copy changes nothing except your own understanding.
"""

import jax, jax.numpy as jnp
import numpy as np

N = 4096
DIM_IN = 512

def setup_inputs(seed: int = 0):
    key = jax.random.key(seed)
    ks = jax.random.split(key, 8)
    matrix = jax.random.randint(ks[0], (N, N), 0, 2).astype(jnp.float32)
    x_features = jax.random.normal(ks[1], (N, DIM_IN), dtype=jnp.float32)
    x_labels = jax.random.randint(ks[2], (N, 7), 0, 2).astype(jnp.int32)
    W1 = jax.random.normal(ks[3], (DIM_IN, 64), dtype=jnp.float32) * 0.05
    b1 = jnp.zeros((64,), dtype=jnp.float32)
    W2 = jax.random.normal(ks[4], (512, 64), dtype=jnp.float32) * 0.05
    b2 = jnp.zeros((64,), dtype=jnp.float32)
    Wp = jax.random.normal(ks[5], (512, 7), dtype=jnp.float32) * 0.05
    bp = jnp.zeros((7,), dtype=jnp.float32)
    return {"flag": 2, "index": 123, "matrix": matrix, "x_features": x_features, "x_labels": x_labels, "W1": W1, "b1": b1, "W2": W2, "b2": b2, "Wp": Wp, "bp": bp}

def reference(flag, index, matrix, x_features, x_labels, W1, b1, W2, b2, Wp, bp):
    # z = trans1(x) or trans2(x)
    z = jnp.where(flag == 1, x_features @ W1 + b1, x_features @ W2 + b2)
    row = matrix[index]
    # numpy semantics: indices = matrix[index].nonzero() -> tuple, used as fancy index
    is_nb = row != 0
    # para = 1/sqrt(deg(neighbors) * deg(index))  (detached in the original via torch.tensor)
    deg = matrix.sum(axis=1)
    denom = jnp.where(is_nb, deg * jnp.sum(row), 1.0)
    w = jnp.where(is_nb, 1.0 / jnp.sqrt(denom), 0.0)          # [N], para on neighbors, 0 elsewhere
    label_mask = (x_labels != 0).astype(jnp.float32)          # [N, 7]
    tmp_a = (label_mask * w[:, None]).T @ z                   # [7, 64]
    tmp_a = tmp_a.astype(jnp.float32)
    h = jnp.concatenate([z[index][None, :], tmp_a.reshape(1, -1)], axis=1)  # [1, 512]
    h = jax.nn.relu(h)
    # flag is always 2 in setup_inputs; the flag==1 return path has a different
    # output shape, so the flag!=1 branch is taken statically (flag is still
    # consumed above in the selection of z).
    h_combi = jnp.stack([x_features[index][None, :], h], axis=0)  # [2, 1, 512]
    hc = jnp.squeeze(h_combi)                                     # [2, 512]
    # MaxPool1d(2) on [512, 2] -> [512, 1]
    pooled = jnp.max(hc.transpose(1, 0), axis=1, keepdims=True)   # [512, 1]
    out = pooled.transpose(1, 0) @ Wp + bp                        # [1, 7]
    return out

if __name__ == "__main__":
    import jax
    _d = setup_inputs()
    print(jax.jit(kernel)(*tuple(_d.values())))

</pallas_src>

<mosaic_0001>
#map = affine_map<(d0, d1) -> (0, 0)>
#map1 = affine_map<(d0, d1) -> (0)>
module attributes {stable_mosaic.version = 14 : i64} {
  func.func @_sc_deg_kernel(%arg0: i32, %arg1: i32, %arg2: memref<4096x4096xf32, #tpu.memory_space<hbm>>, %arg3: memref<8xi32, #tpu.memory_space<hbm>>, %arg4: memref<4096x16xf32, #tpu.memory_space<hbm>>, %arg5: memref<4096xf32, #tpu.memory_space<hbm>>, %arg6: memref<8xi32, #tpu.memory_space<vmem>>, %arg7: memref<8x4096xf32, #tpu.memory_space<vmem>>, %arg8: memref<8x4096xf32, #tpu.memory_space<vmem>>, %arg9: memref<8x4096xf32, #tpu.memory_space<vmem>>, %arg10: memref<8x16xf32, #tpu.memory_space<vmem>>, %arg11: memref<128xf32, #tpu.memory_space<vmem>>, %arg12: memref<!tpu.dma_semaphore, #tpu.memory_space<semaphore_mem>>, %arg13: memref<!tpu.dma_semaphore, #tpu.memory_space<semaphore_mem>>, %arg14: memref<!tpu.dma_semaphore, #tpu.memory_space<semaphore_mem>>) attributes {dimension_semantics = [#tpu.dimension_semantics<core_parallel>, #tpu.dimension_semantics<subcore_parallel>], iteration_bounds = array<i64: 2, 16>, scalar_prefetch = 0 : i64, scratch_operands = 9 : i64, tpu.core_type = #tpu.core_type<sc_vector_subcore>, window_params = [{transform_indices = #map}, {transform_indices = #map1}, {transform_indices = #map}, {transform_indices = #map1}]} {
    %mul3A = arith.constant 2 : i32
    %mul3A_0 = arith.muli %arg1, %mul3A : i32
    %add3A = arith.addi %mul3A_0, %arg0 : i32
    %mul3A_1 = arith.constant 128 : i32
    %mul3A_2 = arith.muli %add3A, %mul3A_1 : i32
    "tpu.region"() ({
      %run_scoped3A = tpu.sem_alloc : memref<!tpu.dma_semaphore, #tpu.memory_space<semaphore_mem>>
      tpu.enqueue_dma source(%arg3 : memref<8xi32, #tpu.memory_space<hbm>>) target(%arg6 : memref<8xi32, #tpu.memory_space<vmem>>) target_semaphore(%run_scoped3A : memref<!tpu.dma_semaphore, #tpu.memory_space<semaphore_mem>>)
      tpu.wait_dma2 semaphore(%run_scoped3A : memref<!tpu.dma_semaphore, #tpu.memory_space<semaphore_mem>>) src(%arg3 : memref<8xi32, #tpu.memory_space<hbm>>) dst(%arg6 : memref<8xi32, #tpu.memory_space<vmem>>)
      tpu.yield
    }) : () -> ()
    %dma_start3A = arith.constant 0 : i32
    %dma_start3A_3 = arith.constant 0 : i32
    %dma_start3A_4 = tpu.memref_slice %arg2[%dma_start3A, %dma_start3A_3] : memref<4096x4096xf32, #tpu.memory_space<hbm>> -> memref<4096x4096xf32, #tpu.memory_space<hbm>>
    tpu.enqueue_indirect_dma source(%dma_start3A_4 : memref<4096x4096xf32, #tpu.memory_space<hbm>>) target(%arg7 : memref<8x4096xf32, #tpu.memory_space<vmem>>) offsets(%arg6 : memref<8xi32, #tpu.memory_space<vmem>>) semaphore(%arg12 : memref<!tpu.dma_semaphore, #tpu.memory_space<semaphore_mem>>)
    %dma_wait3A = arith.constant 0 : i32
    %dma_wait3A_5 = arith.constant 0 : i32
    %dma_wait3A_6 = tpu.memref_slice %arg2[%dma_wait3A, %dma_wait3A_5] : memref<4096x4096xf32, #tpu.memory_space<hbm>> -> memref<4096x4096xf32, #tpu.memory_space<hbm>>
    tpu.wait_indirect_dma semaphore(%arg12 : memref<!tpu.dma_semaphore, #tpu.memory_space<semaphore_mem>>) src(%dma_wait3A_6 : memref<4096x4096xf32, #tpu.memory_space<hbm>>) dst(%arg7 : memref<8x4096xf32, #tpu.memory_space<vmem>>)
    %add3A_7 = arith.constant 0 : i32
    %add3A_8 = arith.addi %mul3A_2, %add3A_7 : i32
    %get3A = arith.constant 0 : i32
    %get3A_9 = arith.index_cast %get3A : i32 to index
    %get3A_10 = arith.index_cast %add3A_8 : i32 to index
    %get3A_11 = tpu.vector_load %arg7[%get3A_9, %get3A_10] {strides = array<i32>} : memref<8x4096xf32, #tpu.memory_space<vmem>>, vector<1x16xf32>,
    %get3A_12 = vector.shape_cast %get3A_11 : vector<1x16xf32> to vector<16xf32>
    %swap3A = arith.constant 0 : index
    %swap3A_13 = tpu.vector_load %arg11[%swap3A] {strides = array<i32>} : memref<128xf32, #tpu.memory_space<vmem>>, vector<16xf32>,
    %swap3A_14 = vector.shape_cast %swap3A_13 : vector<16xf32> to vector<16xf32>
    %swap3A_15 = vector.shape_cast %get3A_12 : vector<16xf32> to vector<16xf32>
    tpu.vector_store %arg11[%swap3A], %swap3A_15 {strides = array<i32>} : memref<128xf32, #tpu.memory_space<vmem>>, vector<16xf32>,
    %add3A_16 = arith.constant 16 : i32
    %add3A_17 = arith.addi %mul3A_2, %add3A_16 : i32
    %get3A_18 = arith.constant 0 : i32
    %get3A_19 = arith.index_cast %get3A_18 : i32 to index
    %get3A_20 = arith.index_cast %add3A_17 : i32 to index
    %get3A_21 = tpu.vector_load %arg7[%get3A_19, %get3A_20] {strides = array<i32>} : memref<8x4096xf32, #tpu.memory_space<vmem>>, vector<1x16xf32>,
    %get3A_22 = vector.shape_cast %get3A_21 : vector<1x16xf32> to vector<16xf32>
    %swap3A_23 = arith.constant 16 : index
    %swap3A_24 = tpu.vector_load %arg11[%swap3A_23] {strides = array<i32>} : memref<128xf32, #tpu.memory_space<vmem>>, vector<16xf32>,
    %swap3A_25 = vector.shape_cast %swap3A_24 : vector<16xf32> to vector<16xf32>
    %swap3A_26 = vector.shape_cast %get3A_22 : vector<16xf32> to vector<16xf32>
    tpu.vector_store %arg11[%swap3A_23], %swap3A_26 {strides = array<i32>} : memref<128xf32, #tpu.memory_space<vmem>>, vector<16xf32>,
    %add3A_27 = arith.constant 32 : i32
    %add3A_28 = arith.addi %mul3A_2, %add3A_27 : i32
    %get3A_29 = arith.constant 0 : i32
    %get3A_30 = arith.index_cast %get3A_29 : i32 to index
    %get3A_31 = arith.index_cast %add3A_28 : i32 to index
    %get3A_32 = tpu.vector_load %arg7[%get3A_30, %get3A_31] {strides = array<i32>} : memref<8x4096xf32, #tpu.memory_space<vmem>>, vector<1x16xf32>,
    %get3A_33 = vector.shape_cast %get3A_32 : vector<1x16xf32> to vector<16xf32>
    %swap3A_34 = arith.constant 32 : index
    %swap3A_35 = tpu.vector_load %arg11[%swap3A_34] {strides = array<i32>} : memref<128xf32, #tpu.memory_space<vmem>>, vector<16xf32>,
    %swap3A_36 = vector.shape_cast %swap3A_35 : vector<16xf32> to vector<16xf32>
    %swap3A_37 = vector.shape_cast %get3A_33 : vector<16xf32> to vector<16xf32>
    tpu.vector_store %arg11[%swap3A_34], %swap3A_37 {strides = array<i32>} : memref<128xf32, #tpu.memory_space<vmem>>, vector<16xf32>,
    %add3A_38 = arith.constant 48 : i32
    %add3A_39 = arith.addi %mul3A_2, %add3A_38 : i32
    %get3A_40 = arith.constant 0 : i32
    %get3A_41 = arith.index_cast %get3A_40 : i32 to index
    %get3A_42 = arith.index_cast %add3A_39 : i32 to index
    %get3A_43 = tpu.vector_load %arg7[%get3A_41, %get3A_42] {strides = array<i32>} : memref<8x4096xf32, #tpu.memory_space<vmem>>, vector<1x16xf32>,
    %get3A_44 = vector.shape_cast %get3A_43 : vector<1x16xf32> to vector<16xf32>
    %swap3A_45 = arith.constant 48 : index
    %swap3A_46 = tpu.vector_load %arg11[%swap3A_45] {strides = array<i32>} : memref<128xf32, #tpu.memory_space<vmem>>, vector<16xf32>,
    %swap3A_47 = vector.shape_cast %swap3A_46 : vector<16xf32> to vector<16xf32>
    %swap3A_48 = vector.shape_cast %get3A_44 : vector<16xf32> to vector<16xf32>
    tpu.vector_store %arg11[%swap3A_45], %swap3A_48 {strides = array<i32>} : memref<128xf32, #tpu.memory_space<vmem>>, vector<16xf32>,
    %add3A_49 = arith.constant 64 : i32
    %add3A_50 = arith.addi %mul3A_2, %add3A_49 : i32
    %get3A_51 = arith.constant 0 : i32
    %get3A_52 = arith.index_cast %get3A_51 : i32 to index
    %get3A_53 = arith.index_cast %add3A_50 : i32 to index
    %get3A_54 = tpu.vector_load %arg7[%get3A_52, %get3A_53] {strides = array<i32>} : memref<8x4096xf32, #tpu.memory_space<vmem>>, vector<1x16xf32>,
    %get3A_55 = vector.shape_cast %get3A_54 : vector<1x16xf32> to vector<16xf32>
    %swap3A_56 = arith.constant 64 : index
    %swap3A_57 = tpu.vector_load %arg11[%swap3A_56] {strides = array<i32>} : memref<128xf32, #tpu.memory_space<vmem>>, vector<16xf32>,
    %swap3A_58 = vector.shape_cast %swap3A_57 : vector<16xf32> to vector<16xf32>
    %swap3A_59 = vector.shape_cast %get3A_55 : vector<16xf32> to vector<16xf32>
    tpu.vector_store %arg11[%swap3A_56], %swap3A_59 {strides = array<i32>} : memref<128xf32, #tpu.memory_space<vmem>>, vector<16xf32>,
    %add3A_60 = arith.constant 80 : i32
    %add3A_61 = arith.addi %mul3A_2, %add3A_60 : i32
    %get3A_62 = arith.constant 0 : i32
    %get3A_63 = arith.index_cast %get3A_62 : i32 to index
    %get3A_64 = arith.index_cast %add3A_61 : i32 to index
    %get3A_65 = tpu.vector_load %arg7[%get3A_63, %get3A_64] {strides = array<i32>} : memref<8x4096xf32, #tpu.memory_space<vmem>>, vector<1x16xf32>,
    %get3A_66 = vector.shape_cast %get3A_65 : vector<1x16xf32> to vector<16xf32>
    %swap3A_67 = arith.constant 80 : index
    %swap3A_68 = tpu.vector_load %arg11[%swap3A_67] {strides = array<i32>} : memref<128xf32, #tpu.memory_space<vmem>>, vector<16xf32>,
    %swap3A_69 = vector.shape_cast %swap3A_68 : vector<16xf32> to vector<16xf32>
    %swap3A_70 = vector.shape_cast %get3A_66 : vector<16xf32> to vector<16xf32>
    tpu.vector_store %arg11[%swap3A_67], %swap3A_70 {strides = array<i32>} : memref<128xf32, #tpu.memory_space<vmem>>, vector<16xf32>,
    %add3A_71 = arith.constant 96 : i32
    %add3A_72 = arith.addi %mul3A_2, %add3A_71 : i32
    %get3A_73 = arith.constant 0 : i32
    %get3A_74 = arith.index_cast %get3A_73 : i32 to index
    %get3A_75 = arith.index_cast %add3A_72 : i32 to index
    %get3A_76 = tpu.vector_load %arg7[%get3A_74, %get3A_75] {strides = array<i32>} : memref<8x4096xf32, #tpu.memory_space<vmem>>, vector<1x16xf32>,
    %get3A_77 = vector.shape_cast %get3A_76 : vector<1x16xf32> to vector<16xf32>
    %swap3A_78 = arith.constant 96 : index
    %swap3A_79 = tpu.vector_load %arg11[%swap3A_78] {strides = array<i32>} : memref<128xf32, #tpu.memory_space<vmem>>, vector<16xf32>,
    %swap3A_80 = vector.shape_cast %swap3A_79 : vector<16xf32> to vector<16xf32>
    %swap3A_81 = vector.shape_cast %get3A_77 : vector<16xf32> to vector<16xf32>
    tpu.vector_store %arg11[%swap3A_78], %swap3A_81 {strides = array<i32>} : memref<128xf32, #tpu.memory_space<vmem>>, vector<16xf32>,
    %add3A_82 = arith.constant 112 : i32
    %add3A_83 = arith.addi %mul3A_2, %add3A_82 : i32
    %get3A_84 = arith.constant 0 : i32
    %get3A_85 = arith.index_cast %get3A_84 : i32 to index
    %get3A_86 = arith.index_cast %add3A_83 : i32 to index
    %get3A_87 = tpu.vector_load %arg7[%get3A_85, %get3A_86] {strides = array<i32>} : memref<8x4096xf32, #tpu.memory_space<vmem>>, vector<1x16xf32>,
    %get3A_88 = vector.shape_cast %get3A_87 : vector<1x16xf32> to vector<16xf32>
    %swap3A_89 = arith.constant 112 : index
    %swap3A_90 = tpu.vector_load %arg11[%swap3A_89] {strides = array<i32>} : memref<128xf32, #tpu.memory_space<vmem>>, vector<16xf32>,
    %swap3A_91 = vector.shape_cast %swap3A_90 : vector<16xf32> to vector<16xf32>
    %swap3A_92 = vector.shape_cast %get3A_88 : vector<16xf32> to vector<16xf32>
    tpu.vector_store %arg11[%swap3A_89], %swap3A_92 {strides = array<i32>} : memref<128xf32, #tpu.memory_space<vmem>>, vector<16xf32>,
    "tpu.region"() ({
      %run_scoped3A = tpu.sem_alloc : memref<!tpu.dma_semaphore, #tpu.memory_space<semaphore_mem>>
      %dma_start3A_108 = tpu.memref_slice %arg5[%mul3A_2] : memref<4096xf32, #tpu.memory_space<hbm>> -> memref<128xf32, #tpu.memory_space<hbm>>
      %dma_start3A_109 = tpu.memref_slice %arg5[%mul3A_2] : memref<4096xf32, #tpu.memory_space<hbm>> -> memref<128xf32, #tpu.memory_space<hbm>>
      tpu.enqueue_dma source(%arg11 : memref<128xf32, #tpu.memory_space<vmem>>) target(%dma_start3A_109 : memref<128xf32, #tpu.memory_space<hbm>>) target_semaphore(%run_scoped3A : memref<!tpu.dma_semaphore, #tpu.memory_space<semaphore_mem>>)
      %dma_wait3A_110 = tpu.memref_slice %arg5[%mul3A_2] : memref<4096xf32, #tpu.memory_space<hbm>> -> memref<128xf32, #tpu.memory_space<hbm>>
      %dma_wait3A_111 = tpu.memref_slice %arg5[%mul3A_2] : memref<4096xf32, #tpu.memory_space<hbm>> -> memref<128xf32, #tpu.memory_space<hbm>>
      tpu.wait_dma2 semaphore(%run_scoped3A : memref<!tpu.dma_semaphore, #tpu.memory_space<semaphore_mem>>) src(%arg11 : memref<128xf32, #tpu.memory_space<vmem>>) dst(%dma_wait3A_111 : memref<128xf32, #tpu.memory_space<hbm>>)
      tpu.yield
    }) : () -> ()
    %dma_start3A_93 = arith.constant 0 : i32
    %dma_start3A_94 = tpu.memref_slice %arg2[%mul3A_2, %dma_start3A_93] : memref<4096x4096xf32, #tpu.memory_space<hbm>> -> memref<8x4096xf32, #tpu.memory_space<hbm>>
    %dma_start3A_95 = arith.constant 0 : i32
    %dma_start3A_96 = tpu.memref_slice %arg2[%mul3A_2, %dma_start3A_95] : memref<4096x4096xf32, #tpu.memory_space<hbm>> -> memref<8x4096xf32, #tpu.memory_space<hbm>>
    tpu.enqueue_dma source(%dma_start3A_96 : memref<8x4096xf32, #tpu.memory_space<hbm>>) target(%arg8 : memref<8x4096xf32, #tpu.memory_space<vmem>>) target_semaphore(%arg13 : memref<!tpu.dma_semaphore, #tpu.memory_space<semaphore_mem>>)
    %add3A_97 = arith.constant 8 : i32
    %add3A_98 = arith.addi %mul3A_2, %add3A_97 : i32
    %dma_start3A_99 = arith.constant 0 : i32
    %dma_start3A_100 = tpu.memref_slice %arg2[%add3A_98, %dma_start3A_99] : memref<4096x4096xf32, #tpu.memory_space<hbm>> -> memref<8x4096xf32, #tpu.memory_space<hbm>>
    %dma_start3A_101 = arith.constant 0 : i32
    %dma_start3A_102 = tpu.memref_slice %arg2[%add3A_98, %dma_start3A_101] : memref<4096x4096xf32, #tpu.memory_space<hbm>> -> memref<8x4096xf32, #tpu.memory_space<hbm>>
    tpu.enqueue_dma source(%dma_start3A_102 : memref<8x4096xf32, #tpu.memory_space<hbm>>) target(%arg9 : memref<8x4096xf32, #tpu.memory_space<vmem>>) target_semaphore(%arg14 : memref<!tpu.dma_semaphore, #tpu.memory_space<semaphore_mem>>)
    %scan3A = arith.constant 0 : i32
    %scan3A_103 = arith.constant 0 : i32
    %scan3A_104 = arith.constant 8 : i32
    %scan3A_105 = arith.addi %scan3A_103, %scan3A_104 : i32
    %scan3A_106 = arith.constant 1 : i32
    scf.for %scan3A_108 = %scan3A_103 to %scan3A_105 step %scan3A_106  : i32 {
      %mul3A_109 = arith.constant 2 : i32
      %mul3A_110 = arith.muli %mul3A_109, %scan3A_108 : i32
      %mul3A_111 = arith.constant 8 : i32
      %mul3A_112 = arith.muli %mul3A_110, %mul3A_111 : i32
      %add3A_113 = arith.addi %mul3A_2, %mul3A_112 : i32
      %dma_wait3A_114 = arith.constant 0 : i32
      %dma_wait3A_115 = tpu.memref_slice %arg2[%add3A_113, %dma_wait3A_114] : memref<4096x4096xf32, #tpu.memory_space<hbm>> -> memref<8x4096xf32, #tpu.memory_space<hbm>>
      %dma_wait3A_116 = arith.constant 0 : i32
      %dma_wait3A_117 = tpu.memref_slice %arg2[%add3A_113, %dma_wait3A_116] : memref<4096x4096xf32, #tpu.memory_space<hbm>> -> memref<8x4096xf32, #tpu.memory_space<hbm>>
      tpu.wait_dma2 semaphore(%arg13 : memref<!tpu.dma_semaphore, #tpu.memory_space<semaphore_mem>>) src(%dma_wait3A_117 : memref<8x4096xf32, #tpu.memory_space<hbm>>) dst(%arg8 : memref<8x4096xf32, #tpu.memory_space<vmem>>)
      %get3A_118 = arith.constant 0 : i32
      %get3A_119 = arith.index_cast %get3A_118 : i32 to index
      %get3A_120 = arith.constant 0 : index
      %get3A_121 = tpu.vector_load %arg8[%get3A_119, %get3A_120] {strides = array<i32>} : memref<8x4096xf32, #tpu.memory_space<vmem>>, vector<1x16xf32>,
      %get3A_122 = vector.shape_cast %get3A_121 : vector<1x16xf32> to vector<16xf32>
      %get3A_123 = arith.constant 1 : i32
      %get3A_124 = arith.index_cast %get3A_123 : i32 to index
      %get3A_125 = arith.constant 0 : index
      %get3A_126 = tpu.vector_load %arg8[%get3A_124, %get3A_125] {strides = array<i32>} : memref<8x4096xf32, #tpu.memory_space<vmem>>, vector<1x16xf32>,
      %get3A_127 = vector.shape_cast %get3A_126 : vector<1x16xf32> to vector<16xf32>
      %get3A_128 = arith.constant 2 : i32
      %get3A_129 = arith.index_cast %get3A_128 : i32 to index
      %get3A_130 = arith.constant 0 : index
      %get3A_131 = tpu.vector_load %arg8[%get3A_129, %get3A_130] {strides = array<i32>} : memref<8x4096xf32, #tpu.memory_space<vmem>>, vector<1x16xf32>,
      %get3A_132 = vector.shape_cast %get3A_131 : vector<1x16xf32> to vector<16xf32>
      %get3A_133 = arith.constant 3 : i32
      %get3A_134 = arith.index_cast %get3A_133 : i32 to index
      %get3A_135 = arith.constant 0 : index
      %get3A_136 = tpu.vector_load %arg8[%get3A_134, %get3A_135] {strides = array<i32>} : memref<8x4096xf32, #tpu.memory_space<vmem>>, vector<1x16xf32>,
      %get3A_137 = vector.shape_cast %get3A_136 : vector<1x16xf32> to vector<16xf32>
      %get3A_138 = arith.constant 4 : i32
      %get3A_139 = arith.index_cast %get3A_138 : i32 to index
      %get3A_140 = arith.constant 0 : index
      %get3A_141 = tpu.vector_load %arg8[%get3A_139, %get3A_140] {strides = array<i32>} : memref<8x4096xf32, #tpu.memory_space<vmem>>, vector<1x16xf32>,
      %get3A_142 = vector.shape_cast %get3A_141 : vector<1x16xf32> to vector<16xf32>
      %get3A_143 = arith.constant 5 : i32
      %get3A_144 = arith.index_cast %get3A_143 : i32 to index
      %get3A_145 = arith.constant 0 : index
      %get3A_146 = tpu.vector_load %arg8[%get3A_144, %get3A_145] {strides = array<i32>} : memref<8x4096xf32, #tpu.memory_space<vmem>>, vector<1x16xf32>,
      %get3A_147 = vector.shape_cast %get3A_146 : vector<1x16xf32> to vector<16xf32>
      %get3A_148 = arith.constant 6 : i32
      %get3A_149 = arith.index_cast %get3A_148 : i32 to index
      %get3A_150 = arith.constant 0 : index
      %get3A_151 = tpu.vector_load %arg8[%get3A_149, %get3A_150] {strides = array<i32>} : memref<8x4096xf32, #tpu.memory_space<vmem>>, vector<1x16xf32>,
      %get3A_152 = vector.shape_cast %get3A_151 : vector<1x16xf32> to vector<16xf32>
      %get3A_153 = arith.constant 7 : i32
      %get3A_154 = arith.index_cast %get3A_153 : i32 to index
      %get3A_155 = arith.constant 0 : index
      %get3A_156 = tpu.vector_load %arg8[%get3A_154, %get3A_155] {strides = array<i32>} : memref<8x4096xf32, #tpu.memory_space<vmem>>, vector<1x16xf32>,
      %get3A_157 = vector.shape_cast %get3A_156 : vector<1x16xf32> to vector<16xf32>
      %scan3A_158 = arith.constant 1 : i32
      %scan3A_159 = arith.constant 31 : i32
      %scan3A_160 = arith.addi %scan3A_158, %scan3A_159 : i32
      %scan3A_161 = arith.constant 1 : i32
      %scan3A_162:8 = scf.for %scan3A_1002 = %scan3A_158 to %scan3A_160 step %scan3A_161 iter_args(%scan3A_1003 = %get3A_122, %scan3A_1004 = %get3A_127, %scan3A_1005 = %get3A_132, %scan3A_1006 = %get3A_137, %scan3A_1007 = %get3A_142, %scan3A_1008 = %get3A_147, %scan3A_1009 = %get3A_152, %scan3A_1010 = %get3A_157) -> (vector<16xf32>, vector<16xf32>, vector<16xf32>, vector<16xf32>, vector<16xf32>, vector<16xf32>, vector<16xf32>, vector<16xf32>)  : i32 {
        %mul3A_1011 = arith.constant 8 : i32
        %mul3A_1012 = arith.muli %scan3A_1002, %mul3A_1011 : i32
        %add3A_1013 = arith.constant 0 : i32
        %add3A_1014 = arith.addi %mul3A_1012, %add3A_1013 : i32
        %mul3A_1015 = arith.constant 16 : i32
        %mul3A_1016 = arith.muli %add3A_1014, %mul3A_1015 : i32
        %get3A_1017 = arith.constant 0 : i32
        %get3A_1018 = arith.index_cast %get3A_1017 : i32 to index
        %get3A_1019 = arith.index_cast %mul3A_1016 : i32 to index
        %get3A_1020 = tpu.vector_load %arg8[%get3A_1018, %get3A_1019] {strides = array<i32>} : memref<8x4096xf32, #tpu.memory_space<vmem>>, vector<1x16xf32>,
        %get3A_1021 = vector.shape_cast %get3A_1020 : vector<1x16xf32> to vector<16xf32>
        %add3A_1022 = arith.addf %scan3A_1003, %get3A_1021 : vector<16xf32>
        %mul3A_1023 = arith.constant 8 : i32
        %mul3A_1024 = arith.muli %scan3A_1002, %mul3A_1023 : i32
        %add3A_1025 = arith.constant 0 : i32
        %add3A_1026 = arith.addi %mul3A_1024, %add3A_1025 : i32
        %mul3A_1027 = arith.constant 16 : i32
        %mul3A_1028 = arith.muli %add3A_1026, %mul3A_1027 : i32
        %get3A_1029 = arith.constant 1 : i32
        %get3A_1030 = arith.index_cast %get3A_1029 : i32 to index
        %get3A_1031 = arith.index_cast %mul3A_1028 : i32 to index
        %get3A_1032 = tpu.vector_load %arg8[%get3A_1030, %get3A_1031] {strides = array<i32>} : memref<8x4096xf32, #tpu.memory_space<vmem>>, vector<1x16xf32>,
        %get3A_1033 = vector.shape_cast %get3A_1032 : vector<1x16xf32> to vector<16xf32>
        %add3A_1034 = arith.addf %scan3A_1004, %get3A_1033 : vector<16xf32>
        %mul3A_1035 = arith.constant 8 : i32
        %mul3A_1036 = arith.muli %scan3A_1002, %mul3A_1035 : i32
        %add3A_1037 = arith.constant 0 : i32
        %add3A_1038 = arith.addi %mul3A_1036, %add3A_1037 : i32
        %mul3A_1039 = arith.constant 16 : i32
        %mul3A_1040 = arith.muli %add3A_1038, %mul3A_1039 : i32
        %get3A_1041 = arith.constant 2 : i32
        %get3A_1042 = arith.index_cast %get3A_1041 : i32 to index
        %get3A_1043 = arith.index_cast %mul3A_1040 : i32 to index
        %get3A_1044 = tpu.vector_load %arg8[%get3A_1042, %get3A_1043] {strides = array<i32>} : memref<8x4096xf32, #tpu.memory_space<vmem>>, vector<1x16xf32>,
        %get3A_1045 = vector.shape_cast %get3A_1044 : vector<1x16xf32> to vector<16xf32>
        %add3A_1046 = arith.addf %scan3A_1005, %get3A_1045 : vector<16xf32>
        %mul3A_1047 = arith.constant 8 : i32
        %mul3A_1048 = arith.muli %scan3A_1002, %mul3A_1047 : i32
        %add3A_1049 = arith.constant 0 : i32
        %add3A_1050 = arith.addi %mul3A_1048, %add3A_1049 : i32
        %mul3A_1051 = arith.constant 16 : i32
        %mul3A_1052 = arith.muli %add3A_1050, %mul3A_1051 : i32
        %get3A_1053 = arith.constant 3 : i32
        %get3A_1054 = arith.index_cast %get3A_1053 : i32 to index
        %get3A_1055 = arith.index_cast %mul3A_1052 : i32 to index
        %get3A_1056 = tpu.vector_load %arg8[%get3A_1054, %get3A_1055] {strides = array<i32>} : memref<8x4096xf32, #tpu.memory_space<vmem>>, vector<1x16xf32>,
        %get3A_1057 = vector.shape_cast %get3A_1056 : vector<1x16xf32> to vector<16xf32>
        %add3A_1058 = arith.addf %scan3A_1006, %get3A_1057 : vector<16xf32>
        %mul3A_1059 = arith.constant 8 : i32
        %mul3A_1060 = arith.muli %scan3A_1002, %mul3A_1059 : i32
        %add3A_1061 = arith.constant 0 : i32
        %add3A_1062 = arith.addi %mul3A_1060, %add3A_1061 : i32
        %mul3A_1063 = arith.constant 16 : i32
        %mul3A_1064 = arith.muli %add3A_1062, %mul3A_1063 : i32
        %get3A_1065 = arith.constant 4 : i32
        %get3A_1066 = arith.index_cast %get3A_1065 : i32 to index
        %get3A_1067 = arith.index_cast %mul3A_1064 : i32 to index
        %get3A_1068 = tpu.vector_load %arg8[%get3A_1066, %get3A_1067] {strides = array<i32>} : memref<8x4096xf32, #tpu.memory_space<vmem>>, vector<1x16xf32>,
        %get3A_1069 = vector.shape_cast %get3A_1068 : vector<1x16xf32> to vector<16xf32>
        %add3A_1070 = arith.addf %scan3A_1007, %get3A_1069 : vector<16xf32>
        %mul3A_1071 = arith.constant 8 : i32
        %mul3A_1072 = arith.muli %scan3A_1002, %mul3A_1071 : i32
        %add3A_1073 = arith.constant 0 : i32
        %add3A_1074 = arith.addi %mul3A_1072, %add3A_1073 : i32
        %mul3A_1075 = arith.constant 16 : i32
        %mul3A_1076 = arith.muli %add3A_1074, %mul3A_1075 : i32
        %get3A_1077 = arith.constant 5 : i32
        %get3A_1078 = arith.index_cast %get3A_1077 : i32 to index
        %get3A_1079 = arith.index_cast %mul3A_1076 : i32 to index
        %get3A_1080 = tpu.vector_load %arg8[%get3A_1078, %get3A_1079] {strides = array<i32>} : memref<8x4096xf32, #tpu.memory_space<vmem>>, vector<1x16xf32>,
        %get3A_1081 = vector.shape_cast %get3A_1080 : vector<1x16xf32> to vector<16xf32>
        %add3A_1082 = arith.addf %scan3A_1008, %get3A_1081 : vector<16xf32>
        %mul3A_1083 = arith.constant 8 : i32
        %mul3A_1084 = arith.muli %scan3A_1002, %mul3A_1083 : i32
        %add3A_1085 = arith.constant 0 : i32
        %add3A_1086 = arith.addi %mul3A_1084, %add3A_1085 : i32
        %mul3A_1087 = arith.constant 16 : i32
        %mul3A_1088 = arith.muli %add3A_1086, %mul3A_1087 : i32
        %get3A_1089 = arith.constant 6 : i32
        %get3A_1090 = arith.index_cast %get3A_1089 : i32 to index
        %get3A_1091 = arith.index_cast %mul3A_1088 : i32 to index
        %get3A_1092 = tpu.vector_load %arg8[%get3A_1090, %get3A_1091] {strides = array<i32>} : memref<8x4096xf32, #tpu.memory_space<vmem>>, vector<1x16xf32>,
        %get3A_1093 = vector.shape_cast %get3A_1092 : vector<1x16xf32> to vector<16xf32>
        %add3A_1094 = arith.addf %scan3A_1009, %get3A_1093 : vector<16xf32>
        %mul3A_1095 = arith.constant 8 : i32
        %mul3A_1096 = arith.muli %scan3A_1002, %mul3A_1095 : i32
        %add3A_1097 = arith.constant 0 : i32
        %add3A_1098 = arith.addi %mul3A_1096, %add3A_1097 : i32
        %mul3A_1099 = arith.constant 16 : i32
        %mul3A_1100 = arith.muli %add3A_1098, %mul3A_1099 : i32
        %get3A_1101 = arith.constant 7 : i32
        %get3A_1102 = arith.index_cast %get3A_1101 : i32 to index
        %get3A_1103 = arith.index_cast %mul3A_1100 : i32 to index
        %get3A_1104 = tpu.vector_load %arg8[%get3A_1102, %get3A_1103] {strides = array<i32>} : memref<8x4096xf32, #tpu.memory_space<vmem>>, vector<1x16xf32>,
        %get3A_1105 = vector.shape_cast %get3A_1104 : vector<1x16xf32> to vector<16xf32>
        %add3A_1106 = arith.addf %scan3A_1010, %get3A_1105 : vector<16xf32>
        %mul3A_1107 = arith.constant 8 : i32
        %mul3A_1108 = arith.muli %scan3A_1002, %mul3A_1107 : i32
        %add3A_1109 = arith.constant 1 : i32
        %add3A_1110 = arith.addi %mul3A_1108, %add3A_1109 : i32
        %mul3A_1111 = arith.constant 16 : i32
        %mul3A_1112 = arith.muli %add3A_1110, %mul3A_1111 : i32
        %get3A_1113 = arith.constant 0 : i32
        %get3A_1114 = arith.index_cast %get3A_1113 : i32 to index
        %get3A_1115 = arith.index_cast %mul3A_1112 : i32 to index
        %get3A_1116 = tpu.vector_load %arg8[%get3A_1114, %get3A_1115] {strides = array<i32>} : memref<8x4096xf32, #tpu.memory_space<vmem>>, vector<1x16xf32>,
        %get3A_1117 = vector.shape_cast %get3A_1116 : vector<1x16xf32> to vector<16xf32>
        %add3A_1118 = arith.addf %add3A_1022, %get3A_1117 : vector<16xf32>
        %mul3A_1119 = arith.constant 8 : i32
        %mul3A_1120 = arith.muli %scan3A_1002, %mul3A_1119 : i32
        %add3A_1121 = arith.constant 1 : i32
        %add3A_1122 = arith.addi %mul3A_1120, %add3A_1121 : i32
        %mul3A_1123 = arith.constant 16 : i32
        %mul3A_1124 = arith.muli %add3A_1122, %mul3A_1123 : i32
        %get3A_1125 = arith.constant 1 : i32
        %get3A_1126 = arith.index_cast %get3A_1125 : i32 to index
        %get3A_1127 = arith.index_cast %mul3A_1124 : i32 to index
        %get3A_1128 = tpu.vector_load %arg8[%get3A_1126, %get3A_1127] {strides = array<i32>} : memref<8x4096xf32, #tpu.memory_space<vmem>>, vector<1x16xf32>,
        %get3A_1129 = vector.shape_cast %get3A_1128 : vector<1x16xf32> to vector<16xf32>
        %add3A_1130 = arith.addf %add3A_1034, %get3A_1129 : vector<16xf32>
        %mul3A_1131 = arith.constant 8 : i32
        %mul3A_1132 = arith.muli %scan3A_1002, %mul3A_1131 : i32
        %add3A_1133 = arith.constant 1 : i32
        %add3A_1134 = arith.addi %mul3A_1132, %add3A_1133 : i32
        %mul3A_1135 = arith.constant 16 : i32
        %mul3A_1136 = arith.muli %add3A_1134, %mul3A_1135 : i32
        %get3A_1137 = arith.constant 2 : i32
        %get3A_1138 = arith.index_cast %get3A_1137 : i32 to index
        %get3A_1139 = arith.index_cast %mul3A_1136 : i32 to index
        %get3A_1140 = tpu.vector_load %arg8[%get3A_1138, %get3A_1139] {strides = array<i32>} : memref<8x4096xf32, #tpu.memory_space<vmem>>, vector<1x16xf32>,
        %get3A_1141 = vector.shape_cast %get3A_1140 : vector<1x16xf32> to vector<16xf32>
        %add3A_1142 = arith.addf %add3A_1046, %get3A_1141 : vector<16xf32>
        %mul3A_1143 = arith.constant 8 : i32
        %mul3A_1144 = arith.muli %scan3A_1002, %mul3A_1143 : i32
        %add3A_1145 = arith.constant 1 : i32
        %add3A_1146 = arith.addi %mul3A_1144, %add3A_1145 : i32
        %mul3A_1147 = arith.constant 16 : i32
        %mul3A_1148 = arith.muli %add3A_1146, %mul3A_1147 : i32
        %get3A_1149 = arith.constant 3 : i32
        %get3A_1150 = arith.index_cast %get3A_1149 : i32 to index
        %get3A_1151 = arith.index_cast %mul3A_1148 : i32 to index
        %get3A_1152 = tpu.vector_load %arg8[%get3A_1150, %get3A_1151] {strides = array<i32>} : memref<8x4096xf32, #tpu.memory_space<vmem>>, vector<1x16xf32>,
        %get3A_1153 = vector.shape_cast %get3A_1152 : vector<1x16xf32> to vector<16xf32>
        %add3A_1154 = arith.addf %add3A_1058, %get3A_1153 : vector<16xf32>
        %mul3A_1155 = arith.constant 8 : i32
        %mul3A_1156 = arith.muli %scan3A_1002, %mul3A_1155 : i32
        %add3A_1157 = arith.constant 1 : i32
        %add3A_1158 = arith.addi %mul3A_1156, %add3A_1157 : i32
        %mul3A_1159 = arith.constant 16 : i32
        %mul3A_1160 = arith.muli %add3A_1158, %mul3A_1159 : i32
        %get3A_1161 = arith.constant 4 : i32
        %get3A_1162 = arith.index_cast %get3A_1161 : i32 to index
        %get3A_1163 = arith.index_cast %mul3A_1160 : i32 to index
        %get3A_1164 = tpu.vector_load %arg8[%get3A_1162, %get3A_1163] {strides = array<i32>} : memref<8x4096xf32, #tpu.memory_space<vmem>>, vector<1x16xf32>,
        %get3A_1165 = vector.shape_cast %get3A_1164 : vector<1x16xf32> to vector<16xf32>
        %add3A_1166 = arith.addf %add3A_1070, %get3A_1165 : vector<16xf32>
        %mul3A_1167 = arith.constant 8 : i32
        %mul3A_1168 = arith.muli %scan3A_1002, %mul3A_1167 : i32
        %add3A_1169 = arith.constant 1 : i32
        %add3A_1170 = arith.addi %mul3A_1168, %add3A_1169 : i32
        %mul3A_1171 = arith.constant 16 : i32
        %mul3A_1172 = arith.muli %add3A_1170, %mul3A_1171 : i32
        %get3A_1173 = arith.constant 5 : i32
        %get3A_1174 = arith.index_cast %get3A_1173 : i32 to index
        %get3A_1175 = arith.index_cast %mul3A_1172 : i32 to index
        %get3A_1176 = tpu.vector_load %arg8[%get3A_1174, %get3A_1175] {strides = array<i32>} : memref<8x4096xf32, #tpu.memory_space<vmem>>, vector<1x16xf32>,
        %get3A_1177 = vector.shape_cast %get3A_1176 : vector<1x16xf32> to vector<16xf32>
        %add3A_1178 = arith.addf %add3A_1082, %get3A_1177 : vector<16xf32>
        %mul3A_1179 = arith.constant 8 : i32
        %mul3A_1180 = arith.muli %scan3A_1002, %mul3A_1179 : i32
        %add3A_1181 = arith.constant 1 : i32
        %add3A_1182 = arith.addi %mul3A_1180, %add3A_1181 : i32
        %mul3A_1183 = arith.constant 16 : i32
        %mul3A_1184 = arith.muli %add3A_1182, %mul3A_1183 : i32
        %get3A_1185 = arith.constant 6 : i32
        %get3A_1186 = arith.index_cast %get3A_1185 : i32 to index
        %get3A_1187 = arith.index_cast %mul3A_1184 : i32 to index
        %get3A_1188 = tpu.vector_load %arg8[%get3A_1186, %get3A_1187] {strides = array<i32>} : memref<8x4096xf32, #tpu.memory_space<vmem>>, vector<1x16xf32>,
        %get3A_1189 = vector.shape_cast %get3A_1188 : vector<1x16xf32> to vector<16xf32>
        %add3A_1190 = arith.addf %add3A_1094, %get3A_1189 : vector<16xf32>
        %mul3A_1191 = arith.constant 8 : i32
        %mul3A_1192 = arith.muli %scan3A_1002, %mul3A_1191 : i32
        %add3A_1193 = arith.constant 1 : i32
        %add3A_1194 = arith.addi %mul3A_1192, %add3A_1193 : i32
        %mul3A_1195 = arith.constant 16 : i32
        %mul3A_1196 = arith.muli %add3A_1194, %mul3A_1195 : i32
        %get3A_1197 = arith.constant 7 : i32
        %get3A_1198 = arith.index_cast %get3A_1197 : i32 to index
        %get3A_1199 = arith.index_cast %mul3A_1196 : i32 to index
        %get3A_1200 = tpu.vector_load %arg8[%get3A_1198, %get3A_1199] {strides = array<i32>} : memref<8x4096xf32, #tpu.memory_space<vmem>>, vector<1x16xf32>,
        %get3A_1201 = vector.shape_cast %get3A_1200 : vector<1x16xf32> to vector<16xf32>
        %add3A_1202 = arith.addf %add3A_1106, %get3A_1201 : vector<16xf32>
        %mul3A_1203 = arith.constant 8 : i32
        %mul3A_1204 = arith.muli %scan3A_1002, %mul3A_1203 : i32
        %add3A_1205 = arith.constant 2 : i32
        %add3A_1206 = arith.addi %mul3A_1204, %add3A_1205 : i32
        %mul3A_1207 = arith.constant 16 : i32
        %mul3A_1208 = arith.muli %add3A_1206, %mul3A_1207 : i32
        %get3A_1209 = arith.constant 0 : i32
        %get3A_1210 = arith.index_cast %get3A_1209 : i32 to index
        %get3A_1211 = arith.index_cast %mul3A_1208 : i32 to index
        %get3A_1212 = tpu.vector_load %arg8[%get3A_1210, %get3A_1211] {strides = array<i32>} : memref<8x4096xf32, #tpu.memory_space<vmem>>, vector<1x16xf32>,
        %get3A_1213 = vector.shape_cast %get3A_1212 : vector<1x16xf32> to vector<16xf32>
        %add3A_1214 = arith.addf %add3A_1118, %get3A_1213 : vector<16xf32>
        %mul3A_1215 = arith.constant 8 : i32
        %mul3A_1216 = arith.muli %scan3A_1002, %mul3A_1215 : i32
        %add3A_1217 = arith.constant 2 : i32
        %add3A_1218 = arith.addi %mul3A_1216, %add3A_1217 : i32
        %mul3A_1219 = arith.constant 16 : i32
        %mul3A_1220 = arith.muli %add3A_1218, %mul3A_1219 : i32
        %get3A_1221 = arith.constant 1 : i32
        %get3A_1222 = arith.index_cast %get3A_1221 : i32 to index
        %get3A_1223 = arith.index_cast %mul3A_1220 : i32 to index
        %get3A_1224 = tpu.vector_load %arg8[%get3A_1222, %get3A_1223] {strides = array<i32>} : memref<8x4096xf32, #tpu.memory_space<vmem>>, vector<1x16xf32>,
        %get3A_1225 = vector.shape_cast %get3A_1224 : vector<1x16xf32> to vector<16xf32>
        %add3A_1226 = arith.addf %add3A_1130, %get3A_1225 : vector<16xf32>
        %mul3A_1227 = arith.constant 8 : i32
        %mul3A_1228 = arith.muli %scan3A_1002, %mul3A_1227 : i32
        %add3A_1229 = arith.constant 2 : i32
        %add3A_1230 = arith.addi %mul3A_1228, %add3A_1229 : i32
        %mul3A_1231 = arith.constant 16 : i32
        %mul3A_1232 = arith.muli %add3A_1230, %mul3A_1231 : i32
        %get3A_1233 = arith.constant 2 : i32
        %get3A_1234 = arith.index_cast %get3A_1233 : i32 to index
        %get3A_1235 = arith.index_cast %mul3A_1232 : i32 to index
        %get3A_1236 = tpu.vector_load %arg8[%get3A_1234, %get3A_1235] {strides = array<i32>} : memref<8x4096xf32, #tpu.memory_space<vmem>>, vector<1x16xf32>,
        %get3A_1237 = vector.shape_cast %get3A_1236 : vector<1x16xf32> to vector<16xf32>
        %add3A_1238 = arith.addf %add3A_1142, %get3A_1237 : vector<16xf32>
        %mul3A_1239 = arith.constant 8 : i32
        %mul3A_1240 = arith.muli %scan3A_1002, %mul3A_1239 : i32
        %add3A_1241 = arith.constant 2 : i32
        %add3A_1242 = arith.addi %mul3A_1240, %add3A_1241 : i32
        %mul3A_1243 = arith.constant 16 : i32
        %mul3A_1244 = arith.muli %add3A_1242, %mul3A_1243 : i32
        %get3A_1245 = arith.constant 3 : i32
        %get3A_1246 = arith.index_cast %get3A_1245 : i32 to index
        %get3A_1247 = arith.index_cast %mul3A_1244 : i32 to index
        %get3A_1248 = tpu.vector_load %arg8[%get3A_1246, %get3A_1247] {strides = array<i32>} : memref<8x4096xf32, #tpu.memory_space<vmem>>, vector<1x16xf32>,
        %get3A_1249 = vector.shape_cast %get3A_1248 : vector<1x16xf32> to vector<16xf32>
        %add3A_1250 = arith.addf %add3A_1154, %get3A_1249 : vector<16xf32>
        %mul3A_1251 = arith.constant 8 : i32
        %mul3A_1252 = arith.muli %scan3A_1002, %mul3A_1251 : i32
        %add3A_1253 = arith.constant 2 : i32
        %add3A_1254 = arith.addi %mul3A_1252, %add3A_1253 : i32
        %mul3A_1255 = arith.constant 16 : i32
        %mul3A_1256 = arith.muli %add3A_1254, %mul3A_1255 : i32
        %get3A_1257 = arith.constant 4 : i32
        %get3A_1258 = arith.index_cast %get3A_1257 : i32 to index
        %get3A_1259 = arith.index_cast %mul3A_1256 : i32 to index
        %get3A_1260 = tpu.vector_load %arg8[%get3A_1258, %get3A_1259] {strides = array<i32>} : memref<8x4096xf32, #tpu.memory_space<vmem>>, vector<1x16xf32>,
        %get3A_1261 = vector.shape_cast %get3A_1260 : vector<1x16xf32> to vector<16xf32>
        %add3A_1262 = arith.addf %add3A_1166, %get3A_1261 : vector<16xf32>
        %mul3A_1263 = arith.constant 8 : i32
        %mul3A_1264 = arith.muli %scan3A_1002, %mul3A_1263 : i32
        %add3A_1265 = arith.constant 2 : i32
        %add3A_1266 = arith.addi %mul3A_1264, %add3A_1265 : i32
        %mul3A_1267 = arith.constant 16 : i32
        %mul3A_1268 = arith.muli %add3A_1266, %mul3A_1267 : i32
        %get3A_1269 = arith.constant 5 : i32
        %get3A_1270 = arith.index_cast %get3A_1269 : i32 to index
        %get3A_1271 = arith.index_cast %mul3A_1268 : i32 to index
        %get3A_1272 = tpu.vector_load %arg8[%get3A_1270, %get3A_1271] {strides = array<i32>} : memref<8x4096xf32, #tpu.memory_space<vmem>>, vector<1x16xf32>,
        %get3A_1273 = vector.shape_cast %get3A_1272 : vector<1x16xf32> to vector<16xf32>
        %add3A_1274 = arith.addf %add3A_1178, %get3A_1273 : vector<16xf32>
        %mul3A_1275 = arith.constant 8 : i32
        %mul3A_1276 = arith.muli %scan3A_1002, %mul3A_1275 : i32
        %add3A_1277 = arith.constant 2 : i32
        %add3A_1278 = arith.addi %mul3A_1276, %add3A_1277 : i32
        %mul3A_1279 = arith.constant 16 : i32
        %mul3A_1280 = arith.muli %add3A_1278, %mul3A_1279 : i32
        %get3A_1281 = arith.constant 6 : i32
        %get3A_1282 = arith.index_cast %get3A_1281 : i32 to index
        %get3A_1283 = arith.index_cast %mul3A_1280 : i32 to index
        %get3A_1284 = tpu.vector_load %arg8[%get3A_1282, %get3A_1283] {strides = array<i32>} : memref<8x4096xf32, #tpu.memory_space<vmem>>, vector<1x16xf32>,
        %get3A_1285 = vector.shape_cast %get3A_1284 : vector<1x16xf32> to vector<16xf32>
        %add3A_1286 = arith.addf %add3A_1190, %get3A_1285 : vector<16xf32>
        %mul3A_1287 = arith.constant 8 : i32
        %mul3A_1288 = arith.muli %scan3A_1002, %mul3A_1287 : i32
        %add3A_1289 = arith.constant 2 : i32
        %add3A_1290 = arith.addi %mul3A_1288, %add3A_1289 : i32
        %mul3A_1291 = arith.constant 16 : i32
        %mul3A_1292 = arith.muli %add3A_1290, %mul3A_1291 : i32
        %get3A_1293 = arith.constant 7 : i32
        %get3A_1294 = arith.index_cast %get3A_1293 : i32 to index
        %get3A_1295 = arith.index_cast %mul3A_1292 : i32 to index
        %get3A_1296 = tpu.vector_load %arg8[%get3A_1294, %get3A_1295] {strides = array<i32>} : memref<8x4096xf32, #tpu.memory_space<vmem>>, vector<1x16xf32>,
        %get3A_1297 = vector.shape_cast %get3A_1296 : vector<1x16xf32> to vector<16xf32>
        %add3A_1298 = arith.addf %add3A_1202, %get3A_1297 : vector<16xf32>
        %mul3A_1299 = arith.constant 8 : i32
        %mul3A_1300 = arith.muli %scan3A_1002, %mul3A_1299 : i32
        %add3A_1301 = arith.constant 3 : i32
        %add3A_1302 = arith.addi %mul3A_1300, %add3A_1301 : i32
        %mul3A_1303 = arith.constant 16 : i32
        %mul3A_1304 = arith.muli %add3A_1302, %mul3A_1303 : i32
        %get3A_1305 = arith.constant 0 : i32
        %get3A_1306 = arith.index_cast %get3A_1305 : i32 to index
        %get3A_1307 = arith.index_cast %mul3A_1304 : i32 to index
        %get3A_1308 = tpu.vector_load %arg8[%get3A_1306, %get3A_1307] {strides = array<i32>} : memref<8x4096xf32, #tpu.memory_space<vmem>>, vector<1x16xf32>,
        %get3A_1309 = vector.shape_cast %get3A_1308 : vector<1x16xf32> to vector<16xf32>
        %add3A_1310 = arith.addf %add3A_1214, %get3A_1309 : vector<16xf32>
        %mul3A_1311 = arith.constant 8 : i32
        %mul3A_1312 = arith.muli %scan3A_1002, %mul3A_1311 : i32
        %add3A_1313 = arith.constant 3 : i32
        %add3A_1314 = arith.addi %mul3A_1312, %add3A_1313 : i32
        %mul3A_1315 = arith.constant 16 : i32
        %mul3A_1316 = arith.muli %add3A_1314, %mul3A_1315 : i32
        %get3A_1317 = arith.constant 1 : i32
        %get3A_1318 = arith.index_cast %get3A_1317 : i32 to index
        %get3A_1319 = arith.index_cast %mul3A_1316 : i32 to index
        %get3A_1320 = tpu.vector_load %arg8[%get3A_1318, %get3A_1319] {strides = array<i32>} : memref<8x4096xf32, #tpu.memory_space<vmem>>, vector<1x16xf32>,
        %get3A_1321 = vector.shape_cast %get3A_1320 : vector<1x16xf32> to vector<16xf32>
        %add3A_1322 = arith.addf %add3A_1226, %get3A_1321 : vector<16xf32>
        %mul3A_1323 = arith.constant 8 : i32
        %mul3A_1324 = arith.muli %scan3A_1002, %mul3A_1323 : i32
        %add3A_1325 = arith.constant 3 : i32
        %add3A_1326 = arith.addi %mul3A_1324, %add3A_1325 : i32
        %mul3A_1327 = arith.constant 16 : i32
        %mul3A_1328 = arith.muli %add3A_1326, %mul3A_1327 : i32
        %get3A_1329 = arith.constant 2 : i32
        %get3A_1330 = arith.index_cast %get3A_1329 : i32 to index
        %get3A_1331 = arith.index_cast %mul3A_1328 : i32 to index
        %get3A_1332 = tpu.vector_load %arg8[%get3A_1330, %get3A_1331] {strides = array<i32>} : memref<8x4096xf32, #tpu.memory_space<vmem>>, vector<1x16xf32>,
        %get3A_1333 = vector.shape_cast %get3A_1332 : vector<1x16xf32> to vector<16xf32>
        %add3A_1334 = arith.addf %add3A_1238, %get3A_1333 : vector<16xf32>
        %mul3A_1335 = arith.constant 8 : i32
        %mul3A_1336 = arith.muli %scan3A_1002, %mul3A_1335 : i32
        %add3A_1337 = arith.constant 3 : i32
        %add3A_1338 = arith.addi %mul3A_1336, %add3A_1337 : i32
        %mul3A_1339 = arith.constant 16 : i32
        %mul3A_1340 = arith.muli %add3A_1338, %mul3A_1339 : i32
        %get3A_1341 = arith.constant 3 : i32
        %get3A_1342 = arith.index_cast %get3A_1341 : i32 to index
        %get3A_1343 = arith.index_cast %mul3A_1340 : i32 to index
        %get3A_1344 = tpu.vector_load %arg8[%get3A_1342, %get3A_1343] {strides = array<i32>} : memref<8x4096xf32, #tpu.memory_space<vmem>>, vector<1x16xf32>,
        %get3A_1345 = vector.shape_cast %get3A_1344 : vector<1x16xf32> to vector<16xf32>
        %add3A_1346 = arith.addf %add3A_1250, %get3A_1345 : vector<16xf32>
        %mul3A_1347 = arith.constant 8 : i32
        %mul3A_1348 = arith.muli %scan3A_1002, %mul3A_1347 : i32
        %add3A_1349 = arith.constant 3 : i32
        %add3A_1350 = arith.addi %mul3A_1348, %add3A_1349 : i32
        %mul3A_1351 = arith.constant 16 : i32
        %mul3A_1352 = arith.muli %add3A_1350, %mul3A_1351 : i32
        %get3A_1353 = arith.constant 4 : i32
        %get3A_1354 = arith.index_cast %get3A_1353 : i32 to index
        %get3A_1355 = arith.index_cast %mul3A_1352 : i32 to index
        %get3A_1356 = tpu.vector_load %arg8[%get3A_1354, %get3A_1355] {strides = array<i32>} : memref<8x4096xf32, #tpu.memory_space<vmem>>, vector<1x16xf32>,
        %get3A_1357 = vector.shape_cast %get3A_1356 : vector<1x16xf32> to vector<16xf32>
        %add3A_1358 = arith.addf %add3A_1262, %get3A_1357 : vector<16xf32>
        %mul3A_1359 = arith.constant 8 : i32
        %mul3A_1360 = arith.muli %scan3A_1002, %mul3A_1359 : i32
        %add3A_1361 = arith.constant 3 : i32
        %add3A_1362 = arith.addi %mul3A_1360, %add3A_1361 : i32
        %mul3A_1363 = arith.constant 16 : i32
        %mul3A_1364 = arith.muli %add3A_1362, %mul3A_1363 : i32
        %get3A_1365 = arith.constant 5 : i32
        %get3A_1366 = arith.index_cast %get3A_1365 : i32 to index
        %get3A_1367 = arith.index_cast %mul3A_1364 : i32 to index
        %get3A_1368 = tpu.vector_load %arg8[%get3A_1366, %get3A_1367] {strides = array<i32>} : memref<8x4096xf32, #tpu.memory_space<vmem>>, vector<1x16xf32>,
        %get3A_1369 = vector.shape_cast %get3A_1368 : vector<1x16xf32> to vector<16xf32>
        %add3A_1370 = arith.addf %add3A_1274, %get3A_1369 : vector<16xf32>
        %mul3A_1371 = arith.constant 8 : i32
        %mul3A_1372 = arith.muli %scan3A_1002, %mul3A_1371 : i32
        %add3A_1373 = arith.constant 3 : i32
        %add3A_1374 = arith.addi %mul3A_1372, %add3A_1373 : i32
        %mul3A_1375 = arith.constant 16 : i32
        %mul3A_1376 = arith.muli %add3A_1374, %mul3A_1375 : i32
        %get3A_1377 = arith.constant 6 : i32
        %get3A_1378 = arith.index_cast %get3A_1377 : i32 to index
        %get3A_1379 = arith.index_cast %mul3A_1376 : i32 to index
        %get3A_1380 = tpu.vector_load %arg8[%get3A_1378, %get3A_1379] {strides = array<i32>} : memref<8x4096xf32, #tpu.memory_space<vmem>>, vector<1x16xf32>,
        %get3A_1381 = vector.shape_cast %get3A_1380 : vector<1x16xf32> to vector<16xf32>
        %add3A_1382 = arith.addf %add3A_1286, %get3A_1381 : vector<16xf32>
        %mul3A_1383 = arith.constant 8 : i32
        %mul3A_1384 = arith.muli %scan3A_1002, %mul3A_1383 : i32
        %add3A_1385 = arith.constant 3 : i32
        %add3A_1386 = arith.addi %mul3A_1384, %add3A_1385 : i32
        %mul3A_1387 = arith.constant 16 : i32
        %mul3A_1388 = arith.muli %add3A_1386, %mul3A_1387 : i32
        %get3A_1389 = arith.constant 7 : i32
        %get3A_1390 = arith.index_cast %get3A_1389 : i32 to index
        %get3A_1391 = arith.index_cast %mul3A_1388 : i32 to index
        %get3A_1392 = tpu.vector_load %arg8[%get3A_1390, %get3A_1391] {strides = array<i32>} : memref<8x4096xf32, #tpu.memory_space<vmem>>, vector<1x16xf32>,
        %get3A_1393 = vector.shape_cast %get3A_1392 : vector<1x16xf32> to vector<16xf32>
        %add3A_1394 = arith.addf %add3A_1298, %get3A_1393 : vector<16xf32>
        %mul3A_1395 = arith.constant 8 : i32
        %mul3A_1396 = arith.muli %scan3A_1002, %mul3A_1395 : i32
        %add3A_1397 = arith.constant 4 : i32
        %add3A_1398 = arith.addi %mul3A_1396, %add3A_1397 : i32
        %mul3A_1399 = arith.constant 16 : i32
        %mul3A_1400 = arith.muli %add3A_1398, %mul3A_1399 : i32
        %get3A_1401 = arith.constant 0 : i32
        %get3A_1402 = arith.index_cast %get3A_1401 : i32 to index
        %get3A_1403 = arith.index_cast %mul3A_1400 : i32 to index
        %get3A_1404 = tpu.vector_load %arg8[%get3A_1402, %get3A_1403] {strides = array<i32>} : memref<8x4096xf32, #tpu.memory_space<vmem>>, vector<1x16xf32>,
        %get3A_1405 = vector.shape_cast %get3A_1404 : vector<1x16xf32> to vector<16xf32>
        %add3A_1406 = arith.addf %add3A_1310, %get3A_1405 : vector<16xf32>
        %mul3A_1407 = arith.constant 8 : i32
        %mul3A_1408 = arith.muli %scan3A_1002, %mul3A_1407 : i32
        %add3A_1409 = arith.constant 4 : i32
        %add3A_1410 = arith.addi %mul3A_1408, %add3A_1409 : i32
        %mul3A_1411 = arith.constant 16 : i32
        %mul3A_1412 = arith.muli %add3A_1410, %mul3A_1411 : i32
        %get3A_1413 = arith.constant 1 : i32
        %get3A_1414 = arith.index_cast %get3A_1413 : i32 to index
        %get3A_1415 = arith.index_cast %mul3A_1412 : i32 to index
        %get3A_1416 = tpu.vector_load %arg8[%get3A_1414, %get3A_1415] {strides = array<i32>} : memref<8x4096xf32, #tpu.memory_space<vmem>>, vector<1x16xf32>,
        %get3A_1417 = vector.shape_cast %get3A_1416 : vector<1x16xf32> to vector<16xf32>
        %add3A_1418 = arith.addf %add3A_1322, %get3A_1417 : vector<16xf32>
        %mul3A_1419 = arith.constant 8 : i32
        %mul3A_1420 = arith.muli %scan3A_1002, %mul3A_1419 : i32
        %add3A_1421 = arith.constant 4 : i32
        %add3A_1422 = arith.addi %mul3A_1420, %add3A_1421 : i32
        %mul3A_1423 = arith.constant 16 : i32
        %mul3A_1424 = arith.muli %add3A_1422, %mul3A_1423 : i32
        %get3A_1425 = arith.constant 2 : i32
        %get3A_1426 = arith.index_cast %get3A_1425 : i32 to index
        %get3A_1427 = arith.index_cast %mul3A_1424 : i32 to index
        %get3A_1428 = tpu.vector_load %arg8[%get3A_1426, %get3A_1427] {strides = array<i32>} : memref<8x4096xf32, #tpu.memory_space<vmem>>, vector<1x16xf32>,
        %get3A_1429 = vector.shape_cast %get3A_1428 : vector<1x16xf32> to vector<16xf32>
        %add3A_1430 = arith.addf %add3A_1334, %get3A_1429 : vector<16xf32>
        %mul3A_1431 = arith.constant 8 : i32
        %mul3A_1432 = arith.muli %scan3A_1002, %mul3A_1431 : i32
        %add3A_1433 = arith.constant 4 : i32
        %add3A_1434 = arith.addi %mul3A_1432, %add3A_1433 : i32
        %mul3A_1435 = arith.constant 16 : i32
        %mul3A_1436 = arith.muli %add3A_1434, %mul3A_1435 : i32
        %get3A_1437 = arith.constant 3 : i32
        %get3A_1438 = arith.index_cast %get3A_1437 : i32 to index
        %get3A_1439 = arith.index_cast %mul3A_1436 : i32 to index
        %get3A_1440 = tpu.vector_load %arg8[%get3A_1438, %get3A_1439] {strides = array<i32>} : memref<8x4096xf32, #tpu.memory_space<vmem>>, vector<1x16xf32>,
        %get3A_1441 = vector.shape_cast %get3A_1440 : vector<1x16xf32> to vector<16xf32>
        %add3A_1442 = arith.addf %add3A_1346, %get3A_1441 : vector<16xf32>
        %mul3A_1443 = arith.constant 8 : i32
        %mul3A_1444 = arith.muli %scan3A_1002, %mul3A_1443 : i32
        %add3A_1445 = arith.constant 4 : i32
        %add3A_1446 = arith.addi %mul3A_1444, %add3A_1445 : i32
        %mul3A_1447 = arith.constant 16 : i32
        %mul3A_1448 = arith.muli %add3A_1446, %mul3A_1447 : i32
        %get3A_1449 = arith.constant 4 : i32
        %get3A_1450 = arith.index_cast %get3A_1449 : i32 to index
        %get3A_1451 = arith.index_cast %mul3A_1448 : i32 to index
        %get3A_1452 = tpu.vector_load %arg8[%get3A_1450, %get3A_1451] {strides = array<i32>} : memref<8x4096xf32, #tpu.memory_space<vmem>>, vector<1x16xf32>,
        %get3A_1453 = vector.shape_cast %get3A_1452 : vector<1x16xf32> to vector<16xf32>
        %add3A_1454 = arith.addf %add3A_1358, %get3A_1453 : vector<16xf32>
        %mul3A_1455 = arith.constant 8 : i32
        %mul3A_1456 = arith.muli %scan3A_1002, %mul3A_1455 : i32
        %add3A_1457 = arith.constant 4 : i32
        %add3A_1458 = arith.addi %mul3A_1456, %add3A_1457 : i32
        %mul3A_1459 = arith.constant 16 : i32
        %mul3A_1460 = arith.muli %add3A_1458, %mul3A_1459 : i32
        %get3A_1461 = arith.constant 5 : i32
        %get3A_1462 = arith.index_cast %get3A_1461 : i32 to index
        %get3A_1463 = arith.index_cast %mul3A_1460 : i32 to index
        %get3A_1464 = tpu.vector_load %arg8[%get3A_1462, %get3A_1463] {strides = array<i32>} : memref<8x4096xf32, #tpu.memory_space<vmem>>, vector<1x16xf32>,
        %get3A_1465 = vector.shape_cast %get3A_1464 : vector<1x16xf32> to vector<16xf32>
        %add3A_1466 = arith.addf %add3A_1370, %get3A_1465 : vector<16xf32>
        %mul3A_1467 = arith.constant 8 : i32
        %mul3A_1468 = arith.muli %scan3A_1002, %mul3A_1467 : i32
        %add3A_1469 = arith.constant 4 : i32
        %add3A_1470 = arith.addi %mul3A_1468, %add3A_1469 : i32
        %mul3A_1471 = arith.constant 16 : i32
        %mul3A_1472 = arith.muli %add3A_1470, %mul3A_1471 : i32
        %get3A_1473 = arith.constant 6 : i32
        %get3A_1474 = arith.index_cast %get3A_1473 : i32 to index
        %get3A_1475 = arith.index_cast %mul3A_1472 : i32 to index
        %get3A_1476 = tpu.vector_load %arg8[%get3A_1474, %get3A_1475] {strides = array<i32>} : memref<8x4096xf32, #tpu.memory_space<vmem>>, vector<1x16xf32>,
        %get3A_1477 = vector.shape_cast %get3A_1476 : vector<1x16xf32> to vector<16xf32>
        %add3A_1478 = arith.addf %add3A_1382, %get3A_1477 : vector<16xf32>
        %mul3A_1479 = arith.constant 8 : i32
        %mul3A_1480 = arith.muli %scan3A_1002, %mul3A_1479 : i32
        %add3A_1481 = arith.constant 4 : i32
        %add3A_1482 = arith.addi %mul3A_1480, %add3A_1481 : i32
        %mul3A_1483 = arith.constant 16 : i32
        %mul3A_1484 = arith.muli %add3A_1482, %mul3A_1483 : i32
        %get3A_1485 = arith.constant 7 : i32
        %get3A_1486 = arith.index_cast %get3A_1485 : i32 to index
        %get3A_1487 = arith.index_cast %mul3A_1484 : i32 to index
        %get3A_1488 = tpu.vector_load %arg8[%get3A_1486, %get3A_1487] {strides = array<i32>} : memref<8x4096xf32, #tpu.memory_space<vmem>>, vector<1x16xf32>,
        %get3A_1489 = vector.shape_cast %get3A_1488 : vector<1x16xf32> to vector<16xf32>
        %add3A_1490 = arith.addf %add3A_1394, %get3A_1489 : vector<16xf32>
        %mul3A_1491 = arith.constant 8 : i32
        %mul3A_1492 = arith.muli %scan3A_1002, %mul3A_1491 : i32
        %add3A_1493 = arith.constant 5 : i32
        %add3A_1494 = arith.addi %mul3A_1492, %add3A_1493 : i32
        %mul3A_1495 = arith.constant 16 : i32
        %mul3A_1496 = arith.muli %add3A_1494, %mul3A_1495 : i32
        %get3A_1497 = arith.constant 0 : i32
        %get3A_1498 = arith.index_cast %get3A_1497 : i32 to index
        %get3A_1499 = arith.index_cast %mul3A_1496 : i32 to index
        %get3A_1500 = tpu.vector_load %arg8[%get3A_1498, %get3A_1499] {strides = array<i32>} : memref<8x4096xf32, #tpu.memory_space<vmem>>, vector<1x16xf32>,
        %get3A_1501 = vector.shape_cast %get3A_1500 : vector<1x16xf32> to vector<16xf32>
        %add3A_1502 = arith.addf %add3A_1406, %get3A_1501 : vector<16xf32>
        %mul3A_1503 = arith.constant 8 : i32
        %mul3A_1504 = arith.muli %scan3A_1002, %mul3A_1503 : i32
        %add3A_1505 = arith.constant 5 : i32
        %add3A_1506 = arith.addi %mul3A_1504, %add3A_1505 : i32
        %mul3A_1507 = arith.constant 16 : i32
        %mul3A_1508 = arith.muli %add3A_1506, %mul3A_1507 : i32
        %get3A_1509 = arith.constant 1 : i32
        %get3A_1510 = arith.index_cast %get3A_1509 : i32 to index
        %get3A_1511 = arith.index_cast %mul3A_1508 : i32 to index
        %get3A_1512 = tpu.vector_load %arg8[%get3A_1510, %get3A_1511] {strides = array<i32>} : memref<8x4096xf32, #tpu.memory_space<vmem>>, vector<1x16xf32>,
        %get3A_1513 = vector.shape_cast %get3A_1512 : vector<1x16xf32> to vector<16xf32>
        %add3A_1514 = arith.addf %add3A_1418, %get3A_1513 : vector<16xf32>
        %mul3A_1515 = arith.constant 8 : i32
        %mul3A_1516 = arith.muli %scan3A_1002, %mul3A_1515 : i32
        %add3A_1517 = arith.constant 5 : i32
        %add3A_1518 = arith.addi %mul3A_1516, %add3A_1517 : i32
        %mul3A_1519 = arith.constant 16 : i32
        %mul3A_1520 = arith.muli %add3A_1518, %mul3A_1519 : i32
        %get3A_1521 = arith.constant 2 : i32
        %get3A_1522 = arith.index_cast %get3A_1521 : i32 to index
        %get3A_1523 = arith.index_cast %mul3A_1520 : i32 to index
        %get3A_1524 = tpu.vector_load %arg8[%get3A_1522, %get3A_1523] {strides = array<i32>} : memref<8x4096xf32, #tpu.memory_space<vmem>>, vector<1x16xf32>,
        %get3A_1525 = vector.shape_cast %get3A_1524 : vector<1x16xf32> to vector<16xf32>
        %add3A_1526 = arith.addf %add3A_1430, %get3A_1525 : vector<16xf32>
        %mul3A_1527 = arith.constant 8 : i32
        %mul3A_1528 = arith.muli %scan3A_1002, %mul3A_1527 : i32
        %add3A_1529 = arith.constant 5 : i32
        %add3A_1530 = arith.addi %mul3A_1528, %add3A_1529 : i32
        %mul3A_1531 = arith.constant 16 : i32
        %mul3A_1532 = arith.muli %add3A_1530, %mul3A_1531 : i32
        %get3A_1533 = arith.constant 3 : i32
        %get3A_1534 = arith.index_cast %get3A_1533 : i32 to index
        %get3A_1535 = arith.index_cast %mul3A_1532 : i32 to index
        %get3A_1536 = tpu.vector_load %arg8[%get3A_1534, %get3A_1535] {strides = array<i32>} : memref<8x4096xf32, #tpu.memory_space<vmem>>, vector<1x16xf32>,
        %get3A_1537 = vector.shape_cast %get3A_1536 : vector<1x16xf32> to vector<16xf32>
        %add3A_1538 = arith.addf %add3A_1442, %get3A_1537 : vector<16xf32>
        %mul3A_1539 = arith.constant 8 : i32
        %mul3A_1540 = arith.muli %scan3A_1002, %mul3A_1539 : i32
        %add3A_1541 = arith.constant 5 : i32
        %add3A_1542 = arith.addi %mul3A_1540, %add3A_1541 : i32
        %mul3A_1543 = arith.constant 16 : i32
        %mul3A_1544 = arith.muli %add3A_1542, %mul3A_1543 : i32
        %get3A_1545 = arith.constant 4 : i32
        %get3A_1546 = arith.index_cast %get3A_1545 : i32 to index
        %get3A_1547 = arith.index_cast %mul3A_1544 : i32 to index
        %get3A_1548 = tpu.vector_load %arg8[%get3A_1546, %get3A_1547] {strides = array<i32>} : memref<8x4096xf32, #tpu.memory_space<vmem>>, vector<1x16xf32>,
        %get3A_1549 = vector.shape_cast %get3A_1548 : vector<1x16xf32> to vector<16xf32>
        %add3A_1550 = arith.addf %add3A_1454, %get3A_1549 : vector<16xf32>
        %mul3A_1551 = arith.constant 8 : i32
        %mul3A_1552 = arith.muli %scan3A_1002, %mul3A_1551 : i32
        %add3A_1553 = arith.constant 5 : i32
        %add3A_1554 = arith.addi %mul3A_1552, %add3A_1553 : i32
        %mul3A_1555 = arith.constant 16 : i32
        %mul3A_1556 = arith.muli %add3A_1554, %mul3A_1555 : i32
        %get3A_1557 = arith.constant 5 : i32
        %get3A_1558 = arith.index_cast %get3A_1557 : i32 to index
        %get3A_1559 = arith.index_cast %mul3A_1556 : i32 to index
        %get3A_1560 = tpu.vector_load %arg8[%get3A_1558, %get3A_1559] {strides = array<i32>} : memref<8x4096xf32, #tpu.memory_space<vmem>>, vector<1x16xf32>,
        %get3A_1561 = vector.shape_cast %get3A_1560 : vector<1x16xf32> to vector<16xf32>
        %add3A_1562 = arith.addf %add3A_1466, %get3A_1561 : vector<16xf32>
        %mul3A_1563 = arith.constant 8 : i32
        %mul3A_1564 = arith.muli %scan3A_1002, %mul3A_1563 : i32
        %add3A_1565 = arith.constant 5 : i32
        %add3A_1566 = arith.addi %mul3A_1564, %add3A_1565 : i32
        %mul3A_1567 = arith.constant 16 : i32
        %mul3A_1568 = arith.muli %add3A_1566, %mul3A_1567 : i32
        %get3A_1569 = arith.constant 6 : i32
        %get3A_1570 = arith.index_cast %get3A_1569 : i32 to index
        %get3A_1571 = arith.index_cast %mul3A_1568 : i32 to index
        %get3A_1572 = tpu.vector_load %arg8[%get3A_1570, %get3A_1571] {strides = array<i32>} : memref<8x4096xf32, #tpu.memory_space<vmem>>, vector<1x16xf32>,
        %get3A_1573 = vector.shape_cast %get3A_1572 : vector<1x16xf32> to vector<16xf32>
        %add3A_1574 = arith.addf %add3A_1478, %get3A_1573 : vector<16xf32>
        %mul3A_1575 = arith.constant 8 : i32
        %mul3A_1576 = arith.muli %scan3A_1002, %mul3A_1575 : i32
        %add3A_1577 = arith.constant 5 : i32
        %add3A_1578 = arith.addi %mul3A_1576, %add3A_1577 : i32
        %mul3A_1579 = arith.constant 16 : i32
        %mul3A_1580 = arith.muli %add3A_1578, %mul3A_1579 : i32
        %get3A_1581 = arith.constant 7 : i32
        %get3A_1582 = arith.index_cast %get3A_1581 : i32 to index
        %get3A_1583 = arith.index_cast %mul3A_1580 : i32 to index
        %get3A_1584 = tpu.vector_load %arg8[%get3A_1582, %get3A_1583] {strides = array<i32>} : memref<8x4096xf32, #tpu.memory_space<vmem>>, vector<1x16xf32>,
        %get3A_1585 = vector.shape_cast %get3A_1584 : vector<1x16xf32> to vector<16xf32>
        %add3A_1586 = arith.addf %add3A_1490, %get3A_1585 : vector<16xf32>
        %mul3A_1587 = arith.constant 8 : i32
        %mul3A_1588 = arith.muli %scan3A_1002, %mul3A_1587 : i32
        %add3A_1589 = arith.constant 6 : i32
        %add3A_1590 = arith.addi %mul3A_1588, %add3A_1589 : i32
        %mul3A_1591 = arith.constant 16 : i32
        %mul3A_1592 = arith.muli %add3A_1590, %mul3A_1591 : i32
        %get3A_1593 = arith.constant 0 : i32
        %get3A_1594 = arith.index_cast %get3A_1593 : i32 to index
        %get3A_1595 = arith.index_cast %mul3A_1592 : i32 to index
        %get3A_1596 = tpu.vector_load %arg8[%get3A_1594, %get3A_1595] {strides = array<i32>} : memref<8x4096xf32, #tpu.memory_space<vmem>>, vector<1x16xf32>,
        %get3A_1597 = vector.shape_cast %get3A_1596 : vector<1x16xf32> to vector<16xf32>
        %add3A_1598 = arith.addf %add3A_1502, %get3A_1597 : vector<16xf32>
        %mul3A_1599 = arith.constant 8 : i32
        %mul3A_1600 = arith.muli %scan3A_1002, %mul3A_1599 : i32
        %add3A_1601 = arith.constant 6 : i32
        %add3A_1602 = arith.addi %mul3A_1600, %add3A_1601 : i32
        %mul3A_1603 = arith.constant 16 : i32
        %mul3A_1604 = arith.muli %add3A_1602, %mul3A_1603 : i32
        %get3A_1605 = arith.constant 1 : i32
        %get3A_1606 = arith.index_cast %get3A_1605 : i32 to index
        %get3A_1607 = arith.index_cast %mul3A_1604 : i32 to index
        %get3A_1608 = tpu.vector_load %arg8[%get3A_1606, %get3A_1607] {strides = array<i32>} : memref<8x4096xf32, #tpu.memory_space<vmem>>, vector<1x16xf32>,
        %get3A_1609 = vector.shape_cast %get3A_1608 : vector<1x16xf32> to vector<16xf32>
        %add3A_1610 = arith.addf %add3A_1514, %get3A_1609 : vector<16xf32>
        %mul3A_1611 = arith.constant 8 : i32
        %mul3A_1612 = arith.muli %scan3A_1002, %mul3A_1611 : i32
        %add3A_1613 = arith.constant 6 : i32
        %add3A_1614 = arith.addi %mul3A_1612, %add3A_1613 : i32
        %mul3A_1615 = arith.constant 16 : i32
        %mul3A_1616 = arith.muli %add3A_1614, %mul3A_1615 : i32
        %get3A_1617 = arith.constant 2 : i32
        %get3A_1618 = arith.index_cast %get3A_1617 : i32 to index
        %get3A_1619 = arith.index_cast %mul3A_1616 : i32 to index
        %get3A_1620 = tpu.vector_load %arg8[%get3A_1618, %get3A_1619] {strides = array<i32>} : memref<8x4096xf32, #tpu.memory_space<vmem>>, vector<1x16xf32>,
        %get3A_1621 = vector.shape_cast %get3A_1620 : vector<1x16xf32> to vector<16xf32>
        %add3A_1622 = arith.addf %add3A_1526, %get3A_1621 : vector<16xf32>
        %mul3A_1623 = arith.constant 8 : i32
        %mul3A_1624 = arith.muli %scan3A_1002, %mul3A_1623 : i32
        %add3A_1625 = arith.constant 6 : i32
        %add3A_1626 = arith.addi %mul3A_1624, %add3A_1625 : i32
        %mul3A_1627 = arith.constant 16 : i32
        %mul3A_1628 = arith.muli %add3A_1626, %mul3A_1627 : i32
        %get3A_1629 = arith.constant 3 : i32
        %get3A_1630 = arith.index_cast %get3A_1629 : i32 to index
        %get3A_1631 = arith.index_cast %mul3A_1628 : i32 to index
        %get3A_1632 = tpu.vector_load %arg8[%get3A_1630, %get3A_1631] {strides = array<i32>} : memref<8x4096xf32, #tpu.memory_space<vmem>>, vector<1x16xf32>,
        %get3A_1633 = vector.shape_cast %get3A_1632 : vector<1x16xf32> to vector<16xf32>
        %add3A_1634 = arith.addf %add3A_1538, %get3A_1633 : vector<16xf32>
        %mul3A_1635 = arith.constant 8 : i32
        %mul3A_1636 = arith.muli %scan3A_1002, %mul3A_1635 : i32
        %add3A_1637 = arith.constant 6 : i32
        %add3A_1638 = arith.addi %mul3A_1636, %add3A_1637 : i32
        %mul3A_1639 = arith.constant 16 : i32
        %mul3A_1640 = arith.muli %add3A_1638, %mul3A_1639 : i32
        %get3A_1641 = arith.constant 4 : i32
        %get3A_1642 = arith.index_cast %get3A_1641 : i32 to index
        %get3A_1643 = arith.index_cast %mul3A_1640 : i32 to index
        %get3A_1644 = tpu.vector_load %arg8[%get3A_1642, %get3A_1643] {strides = array<i32>} : memref<8x4096xf32, #tpu.memory_space<vmem>>, vector<1x16xf32>,
        %get3A_1645 = vector.shape_cast %get3A_1644 : vector<1x16xf32> to vector<16xf32>
        %add3A_1646 = arith.addf %add3A_1550, %get3A_1645 : vector<16xf32>
        %mul3A_1647 = arith.constant 8 : i32
        %mul3A_1648 = arith.muli %scan3A_1002, %mul3A_1647 : i32
        %add3A_1649 = arith.constant 6 : i32
        %add3A_1650 = arith.addi %mul3A_1648, %add3A_1649 : i32
        %mul3A_1651 = arith.constant 16 : i32
        %mul3A_1652 = arith.muli %add3A_1650, %mul3A_1651 : i32
        %get3A_1653 = arith.constant 5 : i32
        %get3A_1654 = arith.index_cast %get3A_1653 : i32 to index
        %get3A_1655 = arith.index_cast %mul3A_1652 : i32 to index
        %get3A_1656 = tpu.vector_load %arg8[%get3A_1654, %get3A_1655] {strides = array<i32>} : memref<8x4096xf32, #tpu.memory_space<vmem>>, vector<1x16xf32>,
        %get3A_1657 = vector.shape_cast %get3A_1656 : vector<1x16xf32> to vector<16xf32>
        %add3A_1658 = arith.addf %add3A_1562, %get3A_1657 : vector<16xf32>
        %mul3A_1659 = arith.constant 8 : i32
        %mul3A_1660 = arith.muli %scan3A_1002, %mul3A_1659 : i32
        %add3A_1661 = arith.constant 6 : i32
        %add3A_1662 = arith.addi %mul3A_1660, %add3A_1661 : i32
        %mul3A_1663 = arith.constant 16 : i32
        %mul3A_1664 = arith.muli %add3A_1662, %mul3A_1663 : i32
        %get3A_1665 = arith.constant 6 : i32
        %get3A_1666 = arith.index_cast %get3A_1665 : i32 to index
        %get3A_1667 = arith.index_cast %mul3A_1664 : i32 to index
        %get3A_1668 = tpu.vector_load %arg8[%get3A_1666, %get3A_1667] {strides = array<i32>} : memref<8x4096xf32, #tpu.memory_space<vmem>>, vector<1x16xf32>,
        %get3A_1669 = vector.shape_cast %get3A_1668 : vector<1x16xf32> to vector<16xf32>
        %add3A_1670 = arith.addf %add3A_1574, %get3A_1669 : vector<16xf32>
        %mul3A_1671 = arith.constant 8 : i32
        %mul3A_1672 = arith.muli %scan3A_1002, %mul3A_1671 : i32
        %add3A_1673 = arith.constant 6 : i32
        %add3A_1674 = arith.addi %mul3A_1672, %add3A_1673 : i32
        %mul3A_1675 = arith.constant 16 : i32
        %mul3A_1676 = arith.muli %add3A_1674, %mul3A_1675 : i32
        %get3A_1677 = arith.constant 7 : i32
        %get3A_1678 = arith.index_cast %get3A_1677 : i32 to index
        %get3A_1679 = arith.index_cast %mul3A_1676 : i32 to index
        %get3A_1680 = tpu.vector_load %arg8[%get3A_1678, %get3A_1679] {strides = array<i32>} : memref<8x4096xf32, #tpu.memory_space<vmem>>, vector<1x16xf32>,
        %get3A_1681 = vector.shape_cast %get3A_1680 : vector<1x16xf32> to vector<16xf32>
        %add3A_1682 = arith.addf %add3A_1586, %get3A_1681 : vector<16xf32>
        %mul3A_1683 = arith.constant 8 : i32
        %mul3A_1684 = arith.muli %scan3A_1002, %mul3A_1683 : i32
        %add3A_1685 = arith.constant 7 : i32
        %add3A_1686 = arith.addi %mul3A_1684, %add3A_1685 : i32
        %mul3A_1687 = arith.constant 16 : i32
        %mul3A_1688 = arith.muli %add3A_1686, %mul3A_1687 : i32
        %get3A_1689 = arith.constant 0 : i32
        %get3A_1690 = arith.index_cast %get3A_1689 : i32 to index
        %get3A_1691 = arith.index_cast %mul3A_1688 : i32 to index
        %get3A_1692 = tpu.vector_load %arg8[%get3A_1690, %get3A_1691] {strides = array<i32>} : memref<8x4096xf32, #tpu.memory_space<vmem>>, vector<1x16xf32>,
        %get3A_1693 = vector.shape_cast %get3A_1692 : vector<1x16xf32> to vector<16xf32>
        %add3A_1694 = arith.addf %add3A_1598, %get3A_1693 : vector<16xf32>
        %mul3A_1695 = arith.constant 8 : i32
        %mul3A_1696 = arith.muli %scan3A_1002, %mul3A_1695 : i32
        %add3A_1697 = arith.constant 7 : i32
        %add3A_1698 = arith.addi %mul3A_1696, %add3A_1697 : i32
        %mul3A_1699 = arith.constant 16 : i32
        %mul3A_1700 = arith.muli %add3A_1698, %mul3A_1699 : i32
        %get3A_1701 = arith.constant 1 : i32
        %get3A_1702 = arith.index_cast %get3A_1701 : i32 to index
        %get3A_1703 = arith.index_cast %mul3A_1700 : i32 to index
        %get3A_1704 = tpu.vector_load %arg8[%get3A_1702, %get3A_1703] {strides = array<i32>} : memref<8x4096xf32, #tpu.memory_space<vmem>>, vector<1x16xf32>,
        %get3A_1705 = vector.shape_cast %get3A_1704 : vector<1x16xf32> to vector<16xf32>
        %add3A_1706 = arith.addf %add3A_1610, %get3A_1705 : vector<16xf32>
        %mul3A_1707 = arith.constant 8 : i32
        %mul3A_1708 = arith.muli %scan3A_1002, %mul3A_1707 : i32
        %add3A_1709 = arith.constant 7 : i32
        %add3A_1710 = arith.addi %mul3A_1708, %add3A_1709 : i32
        %mul3A_1711 = arith.constant 16 : i32
        %mul3A_1712 = arith.muli %add3A_1710, %mul3A_1711 : i32
        %get3A_1713 = arith.constant 2 : i32
        %get3A_1714 = arith.index_cast %get3A_1713 : i32 to index
        %get3A_1715 = arith.index_cast %mul3A_1712 : i32 to index
        %get3A_1716 = tpu.vector_load %arg8[%get3A_1714, %get3A_1715] {strides = array<i32>} : memref<8x4096xf32, #tpu.memory_space<vmem>>, vector<1x16xf32>,
        %get3A_1717 = vector.shape_cast %get3A_1716 : vector<1x16xf32> to vector<16xf32>
        %add3A_1718 = arith.addf %add3A_1622, %get3A_1717 : vector<16xf32>
        %mul3A_1719 = arith.constant 8 : i32
        %mul3A_1720 = arith.muli %scan3A_1002, %mul3A_1719 : i32
        %add3A_1721 = arith.constant 7 : i32
        %add3A_1722 = arith.addi %mul3A_1720, %add3A_1721 : i32
        %mul3A_1723 = arith.constant 16 : i32
        %mul3A_1724 = arith.muli %add3A_1722, %mul3A_1723 : i32
        %get3A_1725 = arith.constant 3 : i32
        %get3A_1726 = arith.index_cast %get3A_1725 : i32 to index
        %get3A_1727 = arith.index_cast %mul3A_1724 : i32 to index
        %get3A_1728 = tpu.vector_load %arg8[%get3A_1726, %get3A_1727] {strides = array<i32>} : memref<8x4096xf32, #tpu.memory_space<vmem>>, vector<1x16xf32>,
        %get3A_1729 = vector.shape_cast %get3A_1728 : vector<1x16xf32> to vector<16xf32>
        %add3A_1730 = arith.addf %add3A_1634, %get3A_1729 : vector<16xf32>
        %mul3A_1731 = arith.constant 8 : i32
        %mul3A_1732 = arith.muli %scan3A_1002, %mul3A_1731 : i32
        %add3A_1733 = arith.constant 7 : i32
        %add3A_1734 = arith.addi %mul3A_1732, %add3A_1733 : i32
        %mul3A_1735 = arith.constant 16 : i32
        %mul3A_1736 = arith.muli %add3A_1734, %mul3A_1735 : i32
        %get3A_1737 = arith.constant 4 : i32
        %get3A_1738 = arith.index_cast %get3A_1737 : i32 to index
        %get3A_1739 = arith.index_cast %mul3A_1736 : i32 to index
        %get3A_1740 = tpu.vector_load %arg8[%get3A_1738, %get3A_1739] {strides = array<i32>} : memref<8x4096xf32, #tpu.memory_space<vmem>>, vector<1x16xf32>,
        %get3A_1741 = vector.shape_cast %get3A_1740 : vector<1x16xf32> to vector<16xf32>
        %add3A_1742 = arith.addf %add3A_1646, %get3A_1741 : vector<16xf32>
        %mul3A_1743 = arith.constant 8 : i32
        %mul3A_1744 = arith.muli %scan3A_1002, %mul3A_1743 : i32
        %add3A_1745 = arith.constant 7 : i32
        %add3A_1746 = arith.addi %mul3A_1744, %add3A_1745 : i32
        %mul3A_1747 = arith.constant 16 : i32
        %mul3A_1748 = arith.muli %add3A_1746, %mul3A_1747 : i32
        %get3A_1749 = arith.constant 5 : i32
        %get3A_1750 = arith.index_cast %get3A_1749 : i32 to index
        %get3A_1751 = arith.index_cast %mul3A_1748 : i32 to index
        %get3A_1752 = tpu.vector_load %arg8[%get3A_1750, %get3A_1751] {strides = array<i32>} : memref<8x4096xf32, #tpu.memory_space<vmem>>, vector<1x16xf32>,
        %get3A_1753 = vector.shape_cast %get3A_1752 : vector<1x16xf32> to vector<16xf32>
        %add3A_1754 = arith.addf %add3A_1658, %get3A_1753 : vector<16xf32>
        %mul3A_1755 = arith.constant 8 : i32
        %mul3A_1756 = arith.muli %scan3A_1002, %mul3A_1755 : i32
        %add3A_1757 = arith.constant 7 : i32
        %add3A_1758 = arith.addi %mul3A_1756, %add3A_1757 : i32
        %mul3A_1759 = arith.constant 16 : i32
        %mul3A_1760 = arith.muli %add3A_1758, %mul3A_1759 : i32
        %get3A_1761 = arith.constant 6 : i32
        %get3A_1762 = arith.index_cast %get3A_1761 : i32 to index
        %get3A_1763 = arith.index_cast %mul3A_1760 : i32 to index
        %get3A_1764 = tpu.vector_load %arg8[%get3A_1762, %get3A_1763] {strides = array<i32>} : memref<8x4096xf32, #tpu.memory_space<vmem>>, vector<1x16xf32>,
        %get3A_1765 = vector.shape_cast %get3A_1764 : vector<1x16xf32> to vector<16xf32>
        %add3A_1766 = arith.addf %add3A_1670, %get3A_1765 : vector<16xf32>
        %mul3A_1767 = arith.constant 8 : i32
        %mul3A_1768 = arith.muli %scan3A_1002, %mul3A_1767 : i32
        %add3A_1769 = arith.constant 7 : i32
        %add3A_1770 = arith.addi %mul3A_1768, %add3A_1769 : i32
        %mul3A_1771 = arith.constant 16 : i32
        %mul3A_1772 = arith.muli %add3A_1770, %mul3A_1771 : i32
        %get3A_1773 = arith.constant 7 : i32
        %get3A_1774 = arith.index_cast %get3A_1773 : i32 to index
        %get3A_1775 = arith.index_cast %mul3A_1772 : i32 to index
        %get3A_1776 = tpu.vector_load %arg8[%get3A_1774, %get3A_1775] {strides = array<i32>} : memref<8x4096xf32, #tpu.memory_space<vmem>>, vector<1x16xf32>,
        %get3A_1777 = vector.shape_cast %get3A_1776 : vector<1x16xf32> to vector<16xf32>
        %add3A_1778 = arith.addf %add3A_1682, %get3A_1777 : vector<16xf32>
        scf.yield %add3A_1694, %add3A_1706, %add3A_1718, %add3A_1730, %add3A_1742, %add3A_1754, %add3A_1766, %add3A_1778 : vector<16xf32>, vector<16xf32>, vector<16xf32>, vector<16xf32>, vector<16xf32>, vector<16xf32>, vector<16xf32>, vector<16xf32>
      }
      %scan3A_163 = arith.constant 31 : i32
      %get3A_164 = arith.constant 0 : i32
      %get3A_165 = arith.index_cast %get3A_164 : i32 to index
      %get3A_166 = arith.constant 16 : index
      %get3A_167 = tpu.vector_load %arg8[%get3A_165, %get3A_166] {strides = array<i32>} : memref<8x4096xf32, #tpu.memory_space<vmem>>, vector<1x16xf32>,
      %get3A_168 = vector.shape_cast %get3A_167 : vector<1x16xf32> to vector<16xf32>
      %add3A_169 = arith.addf %scan3A_162#0, %get3A_168 : vector<16xf32>
      %get3A_170 = arith.constant 1 : i32
      %get3A_171 = arith.index_cast %get3A_170 : i32 to index
      %get3A_172 = arith.constant 16 : index
      %get3A_173 = tpu.vector_load %arg8[%get3A_171, %get3A_172] {strides = array<i32>} : memref<8x4096xf32, #tpu.memory_space<vmem>>, vector<1x16xf32>,
      %get3A_174 = vector.shape_cast %get3A_173 : vector<1x16xf32> to vector<16xf32>
      %add3A_175 = arith.addf %scan3A_162#1, %get3A_174 : vector<16xf32>
      %get3A_176 = arith.constant 2 : i32
      %get3A_177 = arith.index_cast %get3A_176 : i32 to index
      %get3A_178 = arith.constant 16 : index
      %get3A_179 = tpu.vector_load %arg8[%get3A_177, %get3A_178] {strides = array<i32>} : memref<8x4096xf32, #tpu.memory_space<vmem>>, vector<1x16xf32>,
      %get3A_180 = vector.shape_cast %get3A_179 : vector<1x16xf32> to vector<16xf32>
      %add3A_181 = arith.addf %scan3A_162#2, %get3A_180 : vector<16xf32>
      %get3A_182 = arith.constant 3 : i32
      %get3A_183 = arith.index_cast %get3A_182 : i32 to index
      %get3A_184 = arith.constant 16 : index
      %get3A_185 = tpu.vector_load %arg8[%get3A_183, %get3A_184] {strides = array<i32>} : memref<8x4096xf32, #tpu.memory_space<vmem>>, vector<1x16xf32>,
      %get3A_186 = vector.shape_cast %get3A_185 : vector<1x16xf32> to vector<16xf32>
      %add3A_187 = arith.addf %scan3A_162#3, %get3A_186 : vector<16xf32>
      %get3A_188 = arith.constant 4 : i32
      %get3A_189 = arith.index_cast %get3A_188 : i32 to index
      %get3A_190 = arith.constant 16 : index
      %get3A_191 = tpu.vector_load %arg8[%get3A_189, %get3A_190] {strides = array<i32>} : memref<8x4096xf32, #tpu.memory_space<vmem>>, vector<1x16xf32>,
      %get3A_192 = vector.shape_cast %get3A_191 : vector<1x16xf32> to vector<16xf32>
      %add3A_193 = arith.addf %scan3A_162#4, %get3A_192 : vector<16xf32>
      %get3A_194 = arith.constant 5 : i32
      %get3A_195 = arith.index_cast %get3A_194 : i32 to index
      %get3A_196 = arith.constant 16 : index
      %get3A_197 = tpu.vector_load %arg8[%get3A_195, %get3A_196] {strides = array<i32>} : memref<8x4096xf32, #tpu.memory_space<vmem>>, vector<1x16xf32>,
      %get3A_198 = vector.shape_cast %get3A_197 : vector<1x16xf32> to vector<16xf32>
      %add3A_199 = arith.addf %scan3A_162#5, %get3A_198 : vector<16xf32>
      %get3A_200 = arith.constant 6 : i32
      %get3A_201 = arith.index_cast %get3A_200 : i32 to index
      %get3A_202 = arith.constant 16 : index
      %get3A_203 = tpu.vector_load %arg8[%get3A_201, %get3A_202] {strides = array<i32>} : memref<8x4096xf32, #tpu.memory_space<vmem>>, vector<1x16xf32>,
      %get3A_204 = vector.shape_cast %get3A_203 : vector<1x16xf32> to vector<16xf32>
      %add3A_205 = arith.addf %scan3A_162#6, %get3A_204 : vector<16xf32>
      %get3A_206 = arith.constant 7 : i32
      %get3A_207 = arith.index_cast %get3A_206 : i32 to index
      %get3A_208 = arith.constant 16 : index
      %get3A_209 = tpu.vector_load %arg8[%get3A_207, %get3A_208] {strides = array<i32>} : memref<8x4096xf32, #tpu.memory_space<vmem>>, vector<1x16xf32>,
      %get3A_210 = vector.shape_cast %get3A_209 : vector<1x16xf32> to vector<16xf32>
      %add3A_211 = arith.addf %scan3A_162#7, %get3A_210 : vector<16xf32>
      %get3A_212 = arith.constant 0 : i32
      %get3A_213 = arith.index_cast %get3A_212 : i32 to index
      %get3A_214 = arith.constant 32 : index
      %get3A_215 = tpu.vector_load %arg8[%get3A_213, %get3A_214] {strides = array<i32>} : memref<8x4096xf32, #tpu.memory_space<vmem>>, vector<1x16xf32>,
      %get3A_216 = vector.shape_cast %get3A_215 : vector<1x16xf32> to vector<16xf32>
      %add3A_217 = arith.addf %add3A_169, %get3A_216 : vector<16xf32>
      %get3A_218 = arith.constant 1 : i32
      %get3A_219 = arith.index_cast %get3A_218 : i32 to index
      %get3A_220 = arith.constant 32 : index
      %get3A_221 = tpu.vector_load %arg8[%get3A_219, %get3A_220] {strides = array<i32>} : memref<8x4096xf32, #tpu.memory_space<vmem>>, vector<1x16xf32>,
      %get3A_222 = vector.shape_cast %get3A_221 : vector<1x16xf32> to vector<16xf32>
      %add3A_223 = arith.addf %add3A_175, %get3A_222 : vector<16xf32>
      %get3A_224 = arith.constant 2 : i32
      %get3A_225 = arith.index_cast %get3A_224 : i32 to index
      %get3A_226 = arith.constant 32 : index
      %get3A_227 = tpu.vector_load %arg8[%get3A_225, %get3A_226] {strides = array<i32>} : memref<8x4096xf32, #tpu.memory_space<vmem>>, vector<1x16xf32>,
      %get3A_228 = vector.shape_cast %get3A_227 : vector<1x16xf32> to vector<16xf32>
      %add3A_229 = arith.addf %add3A_181, %get3A_228 : vector<16xf32>
      %get3A_230 = arith.constant 3 : i32
      %get3A_231 = arith.index_cast %get3A_230 : i32 to index
      %get3A_232 = arith.constant 32 : index
      %get3A_233 = tpu.vector_load %arg8[%get3A_231, %get3A_232] {strides = array<i32>} : memref<8x4096xf32, #tpu.memory_space<vmem>>, vector<1x16xf32>,
      %get3A_234 = vector.shape_cast %get3A_233 : vector<1x16xf32> to vector<16xf32>
      %add3A_235 = arith.addf %add3A_187, %get3A_234 : vector<16xf32>
      %get3A_236 = arith.constant 4 : i32
      %get3A_237 = arith.index_cast %get3A_236 : i32 to index
      %get3A_238 = arith.constant 32 : index
      %get3A_239 = tpu.vector_load %arg8[%get3A_237, %get3A_238] {strides = array<i32>} : memref<8x4096xf32, #tpu.memory_space<vmem>>, vector<1x16xf32>,
      %get3A_240 = vector.shape_cast %get3A_239 : vector<1x16xf32> to vector<16xf32>
      %add3A_241 = arith.addf %add3A_193, %get3A_240 : vector<16xf32>
      %get3A_242 = arith.constant 5 : i32
      %get3A_243 = arith.index_cast %get3A_242 : i32 to index
      %get3A_244 = arith.constant 32 : index
      %get3A_245 = tpu.vector_load %arg8[%get3A_243, %get3A_244] {strides = array<i32>} : memref<8x4096xf32, #tpu.memory_space<vmem>>, vector<1x16xf32>,
      %get3A_246 = vector.shape_cast %get3A_245 : vector<1x16xf32> to vector<16xf32>
      %add3A_247 = arith.addf %add3A_199, %get3A_246 : vector<16xf32>
      %get3A_248 = arith.constant 6 : i32
      %get3A_249 = arith.index_cast %get3A_248 : i32 to index
      %get3A_250 = arith.constant 32 : index
      %get3A_251 = tpu.vector_load %arg8[%get3A_249, %get3A_250] {strides = array<i32>} : memref<8x4096xf32, #tpu.memory_space<vmem>>, vector<1x16xf32>,
      %get3A_252 = vector.shape_cast %get3A_251 : vector<1x16xf32> to vector<16xf32>
      %add3A_253 = arith.addf %add3A_205, %get3A_252 : vector<16xf32>
      %get3A_254 = arith.constant 7 : i32
      %get3A_255 = arith.index_cast %get3A_254 : i32 to index
      %get3A_256 = arith.constant 32 : index
      %get3A_257 = tpu.vector_load %arg8[%get3A_255, %get3A_256] {strides = array<i32>} : memref<8x4096xf32, #tpu.memory_space<vmem>>, vector<1x16xf32>,
      %get3A_258 = vector.shape_cast %get3A_257 : vector<1x16xf32> to vector<16xf32>
      %add3A_259 = arith.addf %add3A_211, %get3A_258 : vector<16xf32>
      %get3A_260 = arith.constant 0 : i32
      %get3A_261 = arith.index_cast %get3A_260 : i32 to index
      %get3A_262 = arith.constant 48 : index
      %get3A_263 = tpu.vector_load %arg8[%get3A_261, %get3A_262] {strides = array<i32>} : memref<8x4096xf32, #tpu.memory_space<vmem>>, vector<1x16xf32>,
      %get3A_264 = vector.shape_cast %get3A_263 : vector<1x16xf32> to vector<16xf32>
      %add3A_265 = arith.addf %add3A_217, %get3A_264 : vector<16xf32>
      %get3A_266 = arith.constant 1 : i32
      %get3A_267 = arith.index_cast %get3A_266 : i32 to index
      %get3A_268 = arith.constant 48 : index
      %get3A_269 = tpu.vector_load %arg8[%get3A_267, %get3A_268] {strides = array<i32>} : memref<8x4096xf32, #tpu.memory_space<vmem>>, vector<1x16xf32>,
      %get3A_270 = vector.shape_cast %get3A_269 : vector<1x16xf32> to vector<16xf32>
      %add3A_271 = arith.addf %add3A_223, %get3A_270 : vector<16xf32>
      %get3A_272 = arith.constant 2 : i32
      %get3A_273 = arith.index_cast %get3A_272 : i32 to index
      %get3A_274 = arith.constant 48 : index
      %get3A_275 = tpu.vector_load %arg8[%get3A_273, %get3A_274] {strides = array<i32>} : memref<8x4096xf32, #tpu.memory_space<vmem>>, vector<1x16xf32>,
      %get3A_276 = vector.shape_cast %get3A_275 : vector<1x16xf32> to vector<16xf32>
      %add3A_277 = arith.addf %add3A_229, %get3A_276 : vector<16xf32>
      %get3A_278 = arith.constant 3 : i32
      %get3A_279 = arith.index_cast %get3A_278 : i32 to index
      %get3A_280 = arith.constant 48 : index
      %get3A_281 = tpu.vector_load %arg8[%get3A_279, %get3A_280] {strides = array<i32>} : memref<8x4096xf32, #tpu.memory_space<vmem>>, vector<1x16xf32>,
      %get3A_282 = vector.shape_cast %get3A_281 : vector<1x16xf32> to vector<16xf32>
      %add3A_283 = arith.addf %add3A_235, %get3A_282 : vector<16xf32>
      %get3A_284 = arith.constant 4 : i32
      %get3A_285 = arith.index_cast %get3A_284 : i32 to index
      %get3A_286 = arith.constant 48 : index
      %get3A_287 = tpu.vector_load %arg8[%get3A_285, %get3A_286] {strides = array<i32>} : memref<8x4096xf32, #tpu.memory_space<vmem>>, vector<1x16xf32>,
      %get3A_288 = vector.shape_cast %get3A_287 : vector<1x16xf32> to vector<16xf32>
      %add3A_289 = arith.addf %add3A_241, %get3A_288 : vector<16xf32>
      %get3A_290 = arith.constant 5 : i32
      %get3A_291 = arith.index_cast %get3A_290 : i32 to index
      %get3A_292 = arith.constant 48 : index
      %get3A_293 = tpu.vector_load %arg8[%get3A_291, %get3A_292] {strides = array<i32>} : memref<8x4096xf32, #tpu.memory_space<vmem>>, vector<1x16xf32>,
      %get3A_294 = vector.shape_cast %get3A_293 : vector<1x16xf32> to vector<16xf32>
      %add3A_295 = arith.addf %add3A_247, %get3A_294 : vector<16xf32>
      %get3A_296 = arith.constant 6 : i32
      %get3A_297 = arith.index_cast %get3A_296 : i32 to index
      %get3A_298 = arith.constant 48 : index
      %get3A_299 = tpu.vector_load %arg8[%get3A_297, %get3A_298] {strides = array<i32>} : memref<8x4096xf32, #tpu.memory_space<vmem>>, vector<1x16xf32>,
      %get3A_300 = vector.shape_cast %get3A_299 : vector<1x16xf32> to vector<16xf32>
      %add3A_301 = arith.addf %add3A_253, %get3A_300 : vector<16xf32>
      %get3A_302 = arith.constant 7 : i32
      %get3A_303 = arith.index_cast %get3A_302 : i32 to index
      %get3A_304 = arith.constant 48 : index
      %get3A_305 = tpu.vector_load %arg8[%get3A_303, %get3A_304] {strides = array<i32>} : memref<8x4096xf32, #tpu.memory_space<vmem>>, vector<1x16xf32>,
      %get3A_306 = vector.shape_cast %get3A_305 : vector<1x16xf32> to vector<16xf32>
      %add3A_307 = arith.addf %add3A_259, %get3A_306 : vector<16xf32>
      %get3A_308 = arith.constant 0 : i32
      %get3A_309 = arith.index_cast %get3A_308 : i32 to index
      %get3A_310 = arith.constant 64 : index
      %get3A_311 = tpu.vector_load %arg8[%get3A_309, %get3A_310] {strides = array<i32>} : memref<8x4096xf32, #tpu.memory_space<vmem>>, vector<1x16xf32>,
      %get3A_312 = vector.shape_cast %get3A_311 : vector<1x16xf32> to vector<16xf32>
      %add3A_313 = arith.addf %add3A_265, %get3A_312 : vector<16xf32>
      %get3A_314 = arith.constant 1 : i32
      %get3A_315 = arith.index_cast %get3A_314 : i32 to index
      %get3A_316 = arith.constant 64 : index
      %get3A_317 = tpu.vector_load %arg8[%get3A_315, %get3A_316] {strides = array<i32>} : memref<8x4096xf32, #tpu.memory_space<vmem>>, vector<1x16xf32>,
      %get3A_318 = vector.shape_cast %get3A_317 : vector<1x16xf32> to vector<16xf32>
      %add3A_319 = arith.addf %add3A_271, %get3A_318 : vector<16xf32>
      %get3A_320 = arith.constant 2 : i32
      %get3A_321 = arith.index_cast %get3A_320 : i32 to index
      %get3A_322 = arith.constant 64 : index
      %get3A_323 = tpu.vector_load %arg8[%get3A_321, %get3A_322] {strides = array<i32>} : memref<8x4096xf32, #tpu.memory_space<vmem>>, vector<1x16xf32>,
      %get3A_324 = vector.shape_cast %get3A_323 : vector<1x16xf32> to vector<16xf32>
      %add3A_325 = arith.addf %add3A_277, %get3A_324 : vector<16xf32>
      %get3A_326 = arith.constant 3 : i32
      %get3A_327 = arith.index_cast %get3A_326 : i32 to index
      %get3A_328 = arith.constant 64 : index
      %get3A_329 = tpu.vector_load %arg8[%get3A_327, %get3A_328] {strides = array<i32>} : memref<8x4096xf32, #tpu.memory_space<vmem>>, vector<1x16xf32>,
      %get3A_330 = vector.shape_cast %get3A_329 : vector<1x16xf32> to vector<16xf32>
      %add3A_331 = arith.addf %add3A_283, %get3A_330 : vector<16xf32>
      %get3A_332 = arith.constant 4 : i32
      %get3A_333 = arith.index_cast %get3A_332 : i32 to index
      %get3A_334 = arith.constant 64 : index
      %get3A_335 = tpu.vector_load %arg8[%get3A_333, %get3A_334] {strides = array<i32>} : memref<8x4096xf32, #tpu.memory_space<vmem>>, vector<1x16xf32>,
      %get3A_336 = vector.shape_cast %get3A_335 : vector<1x16xf32> to vector<16xf32>
      %add3A_337 = arith.addf %add3A_289, %get3A_336 : vector<16xf32>
      %get3A_338 = arith.constant 5 : i32
      %get3A_339 = arith.index_cast %get3A_338 : i32 to index
      %get3A_340 = arith.constant 64 : index
      %get3A_341 = tpu.vector_load %arg8[%get3A_339, %get3A_340] {strides = array<i32>} : memref<8x4096xf32, #tpu.memory_space<vmem>>, vector<1x16xf32>,
      %get3A_342 = vector.shape_cast %get3A_341 : vector<1x16xf32> to vector<16xf32>
      %add3A_343 = arith.addf %add3A_295, %get3A_342 : vector<16xf32>
      %get3A_344 = arith.constant 6 : i32
      %get3A_345 = arith.index_cast %get3A_344 : i32 to index
      %get3A_346 = arith.constant 64 : index
      %get3A_347 = tpu.vector_load %arg8[%get3A_345, %get3A_346] {strides = array<i32>} : memref<8x4096xf32, #tpu.memory_space<vmem>>, vector<1x16xf32>,
      %get3A_348 = vector.shape_cast %get3A_347 : vector<1x16xf32> to vector<16xf32>
      %add3A_349 = arith.addf %add3A_301, %get3A_348 : vector<16xf32>
      %get3A_350 = arith.constant 7 : i32
      %get3A_351 = arith.index_cast %get3A_350 : i32 to index
      %get3A_352 = arith.constant 64 : index
      %get3A_353 = tpu.vector_load %arg8[%get3A_351, %get3A_352] {strides = array<i32>} : memref<8x4096xf32, #tpu.memory_space<vmem>>, vector<1x16xf32>,
      %get3A_354 = vector.shape_cast %get3A_353 : vector<1x16xf32> to vector<16xf32>
      %add3A_355 = arith.addf %add3A_307, %get3A_354 : vector<16xf32>
      %get3A_356 = arith.constant 0 : i32
      %get3A_357 = arith.index_cast %get3A_356 : i32 to index
      %get3A_358 = arith.constant 80 : index
      %get3A_359 = tpu.vector_load %arg8[%get3A_357, %get3A_358] {strides = array<i32>} : memref<8x4096xf32, #tpu.memory_space<vmem>>, vector<1x16xf32>,
      %get3A_360 = vector.shape_cast %get3A_359 : vector<1x16xf32> to vector<16xf32>
      %add3A_361 = arith.addf %add3A_313, %get3A_360 : vector<16xf32>
      %get3A_362 = arith.constant 1 : i32
      %get3A_363 = arith.index_cast %get3A_362 : i32 to index
      %get3A_364 = arith.constant 80 : index
      %get3A_365 = tpu.vector_load %arg8[%get3A_363, %get3A_364] {strides = array<i32>} : memref<8x4096xf32, #tpu.memory_space<vmem>>, vector<1x16xf32>,
      %get3A_366 = vector.shape_cast %get3A_365 : vector<1x16xf32> to vector<16xf32>
      %add3A_367 = arith.addf %add3A_319, %get3A_366 : vector<16xf32>
      %get3A_368 = arith.constant 2 : i32
      %get3A_369 = arith.index_cast %get3A_368 : i32 to index
      %get3A_370 = arith.constant 80 : index
      %get3A_371 = tpu.vector_load %arg8[%get3A_369, %get3A_370] {strides = array<i32>} : memref<8x4096xf32, #tpu.memory_space<vmem>>, vector<1x16xf32>,
      %get3A_372 = vector.shape_cast %get3A_371 : vector<1x16xf32> to vector<16xf32>
      %add3A_373 = arith.addf %add3A_325, %get3A_372 : vector<16xf32>
      %get3A_374 = arith.constant 3 : i32
      %get3A_375 = arith.index_cast %get3A_374 : i32 to index
      %get3A_376 = arith.constant 80 : index
      %get3A_377 = tpu.vector_load %arg8[%get3A_375, %get3A_376] {strides = array<i32>} : memref<8x4096xf32, #tpu.memory_space<vmem>>, vector<1x16xf32>,
      %get3A_378 = vector.shape_cast %get3A_377 : vector<1x16xf32> to vector<16xf32>
      %add3A_379 = arith.addf %add3A_331, %get3A_378 : vector<16xf32>
      %get3A_380 = arith.constant 4 : i32
      %get3A_381 = arith.index_cast %get3A_380 : i32 to index
      %get3A_382 = arith.constant 80 : index
      %get3A_383 = tpu.vector_load %arg8[%get3A_381, %get3A_382] {strides = array<i32>} : memref<8x4096xf32, #tpu.memory_space<vmem>>, vector<1x16xf32>,
      %get3A_384 = vector.shape_cast %get3A_383 : vector<1x16xf32> to vector<16xf32>
      %add3A_385 = arith.addf %add3A_337, %get3A_384 : vector<16xf32>
      %get3A_386 = arith.constant 5 : i32
      %get3A_387 = arith.index_cast %get3A_386 : i32 to index
      %get3A_388 = arith.constant 80 : index
      %get3A_389 = tpu.vector_load %arg8[%get3A_387, %get3A_388] {strides = array<i32>} : memref<8x4096xf32, #tpu.memory_space<vmem>>, vector<1x16xf32>,
      %get3A_390 = vector.shape_cast %get3A_389 : vector<1x16xf32> to vector<16xf32>
      %add3A_391 = arith.addf %add3A_343, %get3A_390 : vector<16xf32>
      %get3A_392 = arith.constant 6 : i32
      %get3A_393 = arith.index_cast %get3A_392 : i32 to index
      %get3A_394 = arith.constant 80 : index
      %get3A_395 = tpu.vector_load %arg8[%get3A_393, %get3A_394] {strides = array<i32>} : memref<8x4096xf32, #tpu.memory_space<vmem>>, vector<1x16xf32>,
      %get3A_396 = vector.shape_cast %get3A_395 : vector<1x16xf32> to vector<16xf32>
      %add3A_397 = arith.addf %add3A_349, %get3A_396 : vector<16xf32>
      %get3A_398 = arith.constant 7 : i32
      %get3A_399 = arith.index_cast %get3A_398 : i32 to index
      %get3A_400 = arith.constant 80 : index
      %get3A_401 = tpu.vector_load %arg8[%get3A_399, %get3A_400] {strides = array<i32>} : memref<8x4096xf32, #tpu.memory_space<vmem>>, vector<1x16xf32>,
      %get3A_402 = vector.shape_cast %get3A_401 : vector<1x16xf32> to vector<16xf32>
      %add3A_403 = arith.addf %add3A_355, %get3A_402 : vector<16xf32>
      %get3A_404 = arith.constant 0 : i32
      %get3A_405 = arith.index_cast %get3A_404 : i32 to index
      %get3A_406 = arith.constant 96 : index
      %get3A_407 = tpu.vector_load %arg8[%get3A_405, %get3A_406] {strides = array<i32>} : memref<8x4096xf32, #tpu.memory_space<vmem>>, vector<1x16xf32>,
      %get3A_408 = vector.shape_cast %get3A_407 : vector<1x16xf32> to vector<16xf32>
      %add3A_409 = arith.addf %add3A_361, %get3A_408 : vector<16xf32>
      %get3A_410 = arith.constant 1 : i32
      %get3A_411 = arith.index_cast %get3A_410 : i32 to index
      %get3A_412 = arith.constant 96 : index
      %get3A_413 = tpu.vector_load %arg8[%get3A_411, %get3A_412] {strides = array<i32>} : memref<8x4096xf32, #tpu.memory_space<vmem>>, vector<1x16xf32>,
      %get3A_414 = vector.shape_cast %get3A_413 : vector<1x16xf32> to vector<16xf32>
      %add3A_415 = arith.addf %add3A_367, %get3A_414 : vector<16xf32>
      %get3A_416 = arith.constant 2 : i32
      %get3A_417 = arith.index_cast %get3A_416 : i32 to index
      %get3A_418 = arith.constant 96 : index
      %get3A_419 = tpu.vector_load %arg8[%get3A_417, %get3A_418] {strides = array<i32>} : memref<8x4096xf32, #tpu.memory_space<vmem>>, vector<1x16xf32>,
      %get3A_420 = vector.shape_cast %get3A_419 : vector<1x16xf32> to vector<16xf32>
      %add3A_421 = arith.addf %add3A_373, %get3A_420 : vector<16xf32>
      %get3A_422 = arith.constant 3 : i32
      %get3A_423 = arith.index_cast %get3A_422 : i32 to index
      %get3A_424 = arith.constant 96 : index
      %get3A_425 = tpu.vector_load %arg8[%get3A_423, %get3A_424] {strides = array<i32>} : memref<8x4096xf32, #tpu.memory_space<vmem>>, vector<1x16xf32>,
      %get3A_426 = vector.shape_cast %get3A_425 : vector<1x16xf32> to vector<16xf32>
      %add3A_427 = arith.addf %add3A_379, %get3A_426 : vector<16xf32>
      %get3A_428 = arith.constant 4 : i32
      %get3A_429 = arith.index_cast %get3A_428 : i32 to index
      %get3A_430 = arith.constant 96 : index
      %get3A_431 = tpu.vector_load %arg8[%get3A_429, %get3A_430] {strides = array<i32>} : memref<8x4096xf32, #tpu.memory_space<vmem>>, vector<1x16xf32>,
      %get3A_432 = vector.shape_cast %get3A_431 : vector<1x16xf32> to vector<16xf32>
      %add3A_433 = arith.addf %add3A_385, %get3A_432 : vector<16xf32>
      %get3A_434 = arith.constant 5 : i32
      %get3A_435 = arith.index_cast %get3A_434 : i32 to index
      %get3A_436 = arith.constant 96 : index
      %get3A_437 = tpu.vector_load %arg8[%get3A_435, %get3A_436] {strides = array<i32>} : memref<8x4096xf32, #tpu.memory_space<vmem>>, vector<1x16xf32>,
      %get3A_438 = vector.shape_cast %get3A_437 : vector<1x16xf32> to vector<16xf32>
      %add3A_439 = arith.addf %add3A_391, %get3A_438 : vector<16xf32>
      %get3A_440 = arith.constant 6 : i32
      %get3A_441 = arith.index_cast %get3A_440 : i32 to index
      %get3A_442 = arith.constant 96 : index
      %get3A_443 = tpu.vector_load %arg8[%get3A_441, %get3A_442] {strides = array<i32>} : memref<8x4096xf32, #tpu.memory_space<vmem>>, vector<1x16xf32>,
      %get3A_444 = vector.shape_cast %get3A_443 : vector<1x16xf32> to vector<16xf32>
      %add3A_445 = arith.addf %add3A_397, %get3A_444 : vector<16xf32>
      %get3A_446 = arith.constant 7 : i32
      %get3A_447 = arith.index_cast %get3A_446 : i32 to index
      %get3A_448 = arith.constant 96 : index
      %get3A_449 = tpu.vector_load %arg8[%get3A_447, %get3A_448] {strides = array<i32>} : memref<8x4096xf32, #tpu.memory_space<vmem>>, vector<1x16xf32>,
      %get3A_450 = vector.shape_cast %get3A_449 : vector<1x16xf32> to vector<16xf32>
      %add3A_451 = arith.addf %add3A_403, %get3A_450 : vector<16xf32>
      %get3A_452 = arith.constant 0 : i32
      %get3A_453 = arith.index_cast %get3A_452 : i32 to index
      %get3A_454 = arith.constant 112 : index
      %get3A_455 = tpu.vector_load %arg8[%get3A_453, %get3A_454] {strides = array<i32>} : memref<8x4096xf32, #tpu.memory_space<vmem>>, vector<1x16xf32>,
      %get3A_456 = vector.shape_cast %get3A_455 : vector<1x16xf32> to vector<16xf32>
      %add3A_457 = arith.addf %add3A_409, %get3A_456 : vector<16xf32>
      %get3A_458 = arith.constant 1 : i32
      %get3A_459 = arith.index_cast %get3A_458 : i32 to index
      %get3A_460 = arith.constant 112 : index
      %get3A_461 = tpu.vector_load %arg8[%get3A_459, %get3A_460] {strides = array<i32>} : memref<8x4096xf32, #tpu.memory_space<vmem>>, vector<1x16xf32>,
      %get3A_462 = vector.shape_cast %get3A_461 : vector<1x16xf32> to vector<16xf32>
      %add3A_463 = arith.addf %add3A_415, %get3A_462 : vector<16xf32>
      %get3A_464 = arith.constant 2 : i32
      %get3A_465 = arith.index_cast %get3A_464 : i32 to index
      %get3A_466 = arith.constant 112 : index
      %get3A_467 = tpu.vector_load %arg8[%get3A_465, %get3A_466] {strides = array<i32>} : memref<8x4096xf32, #tpu.memory_space<vmem>>, vector<1x16xf32>,
      %get3A_468 = vector.shape_cast %get3A_467 : vector<1x16xf32> to vector<16xf32>
      %add3A_469 = arith.addf %add3A_421, %get3A_468 : vector<16xf32>
      %get3A_470 = arith.constant 3 : i32
      %get3A_471 = arith.index_cast %get3A_470 : i32 to index
      %get3A_472 = arith.constant 112 : index
      %get3A_473 = tpu.vector_load %arg8[%get3A_471, %get3A_472] {strides = array<i32>} : memref<8x4096xf32, #tpu.memory_space<vmem>>, vector<1x16xf32>,
      %get3A_474 = vector.shape_cast %get3A_473 : vector<1x16xf32> to vector<16xf32>
      %add3A_475 = arith.addf %add3A_427, %get3A_474 : vector<16xf32>
      %get3A_476 = arith.constant 4 : i32
      %get3A_477 = arith.index_cast %get3A_476 : i32 to index
      %get3A_478 = arith.constant 112 : index
      %get3A_479 = tpu.vector_load %arg8[%get3A_477, %get3A_478] {strides = array<i32>} : memref<8x4096xf32, #tpu.memory_space<vmem>>, vector<1x16xf32>,
      %get3A_480 = vector.shape_cast %get3A_479 : vector<1x16xf32> to vector<16xf32>
      %add3A_481 = arith.addf %add3A_433, %get3A_480 : vector<16xf32>
      %get3A_482 = arith.constant 5 : i32
      %get3A_483 = arith.index_cast %get3A_482 : i32 to index
      %get3A_484 = arith.constant 112 : index
      %get3A_485 = tpu.vector_load %arg8[%get3A_483, %get3A_484] {strides = array<i32>} : memref<8x4096xf32, #tpu.memory_space<vmem>>, vector<1x16xf32>,
      %get3A_486 = vector.shape_cast %get3A_485 : vector<1x16xf32> to vector<16xf32>
      %add3A_487 = arith.addf %add3A_439, %get3A_486 : vector<16xf32>
      %get3A_488 = arith.constant 6 : i32
      %get3A_489 = arith.index_cast %get3A_488 : i32 to index
      %get3A_490 = arith.constant 112 : index
      %get3A_491 = tpu.vector_load %arg8[%get3A_489, %get3A_490] {strides = array<i32>} : memref<8x4096xf32, #tpu.memory_space<vmem>>, vector<1x16xf32>,
      %get3A_492 = vector.shape_cast %get3A_491 : vector<1x16xf32> to vector<16xf32>
      %add3A_493 = arith.addf %add3A_445, %get3A_492 : vector<16xf32>
      %get3A_494 = arith.constant 7 : i32
      %get3A_495 = arith.index_cast %get3A_494 : i32 to index
      %get3A_496 = arith.constant 112 : index
      %get3A_497 = tpu.vector_load %arg8[%get3A_495, %get3A_496] {strides = array<i32>} : memref<8x4096xf32, #tpu.memory_space<vmem>>, vector<1x16xf32>,
      %get3A_498 = vector.shape_cast %get3A_497 : vector<1x16xf32> to vector<16xf32>
      %add3A_499 = arith.addf %add3A_451, %get3A_498 : vector<16xf32>
      %swap3A_500 = arith.constant 0 : i32
      %swap3A_501 = arith.index_cast %swap3A_500 : i32 to index
      %swap3A_502 = arith.constant 0 : index
      %swap3A_503 = tpu.vector_load %arg10[%swap3A_501, %swap3A_502] {strides = array<i32>} : memref<8x16xf32, #tpu.memory_space<vmem>>, vector<1x16xf32>,
      %swap3A_504 = vector.shape_cast %swap3A_503 : vector<1x16xf32> to vector<16xf32>
      %swap3A_505 = vector.shape_cast %add3A_457 : vector<16xf32> to vector<1x16xf32>
      tpu.vector_store %arg10[%swap3A_501, %swap3A_502], %swap3A_505 {strides = array<i32>} : memref<8x16xf32, #tpu.memory_space<vmem>>, vector<1x16xf32>,
      %swap3A_506 = arith.constant 1 : i32
      %swap3A_507 = arith.index_cast %swap3A_506 : i32 to index
      %swap3A_508 = arith.constant 0 : index
      %swap3A_509 = tpu.vector_load %arg10[%swap3A_507, %swap3A_508] {strides = array<i32>} : memref<8x16xf32, #tpu.memory_space<vmem>>, vector<1x16xf32>,
      %swap3A_510 = vector.shape_cast %swap3A_509 : vector<1x16xf32> to vector<16xf32>
      %swap3A_511 = vector.shape_cast %add3A_463 : vector<16xf32> to vector<1x16xf32>
      tpu.vector_store %arg10[%swap3A_507, %swap3A_508], %swap3A_511 {strides = array<i32>} : memref<8x16xf32, #tpu.memory_space<vmem>>, vector<1x16xf32>,
      %swap3A_512 = arith.constant 2 : i32
      %swap3A_513 = arith.index_cast %swap3A_512 : i32 to index
      %swap3A_514 = arith.constant 0 : index
      %swap3A_515 = tpu.vector_load %arg10[%swap3A_513, %swap3A_514] {strides = array<i32>} : memref<8x16xf32, #tpu.memory_space<vmem>>, vector<1x16xf32>,
      %swap3A_516 = vector.shape_cast %swap3A_515 : vector<1x16xf32> to vector<16xf32>
      %swap3A_517 = vector.shape_cast %add3A_469 : vector<16xf32> to vector<1x16xf32>
      tpu.vector_store %arg10[%swap3A_513, %swap3A_514], %swap3A_517 {strides = array<i32>} : memref<8x16xf32, #tpu.memory_space<vmem>>, vector<1x16xf32>,
      %swap3A_518 = arith.constant 3 : i32
      %swap3A_519 = arith.index_cast %swap3A_518 : i32 to index
      %swap3A_520 = arith.constant 0 : index
      %swap3A_521 = tpu.vector_load %arg10[%swap3A_519, %swap3A_520] {strides = array<i32>} : memref<8x16xf32, #tpu.memory_space<vmem>>, vector<1x16xf32>,
      %swap3A_522 = vector.shape_cast %swap3A_521 : vector<1x16xf32> to vector<16xf32>
      %swap3A_523 = vector.shape_cast %add3A_475 : vector<16xf32> to vector<1x16xf32>
      tpu.vector_store %arg10[%swap3A_519, %swap3A_520], %swap3A_523 {strides = array<i32>} : memref<8x16xf32, #tpu.memory_space<vmem>>, vector<1x16xf32>,
      %swap3A_524 = arith.constant 4 : i32
      %swap3A_525 = arith.index_cast %swap3A_524 : i32 to index
      %swap3A_526 = arith.constant 0 : index
      %swap3A_527 = tpu.vector_load %arg10[%swap3A_525, %swap3A_526] {strides = array<i32>} : memref<8x16xf32, #tpu.memory_space<vmem>>, vector<1x16xf32>,
      %swap3A_528 = vector.shape_cast %swap3A_527 : vector<1x16xf32> to vector<16xf32>
      %swap3A_529 = vector.shape_cast %add3A_481 : vector<16xf32> to vector<1x16xf32>
      tpu.vector_store %arg10[%swap3A_525, %swap3A_526], %swap3A_529 {strides = array<i32>} : memref<8x16xf32, #tpu.memory_space<vmem>>, vector<1x16xf32>,
      %swap3A_530 = arith.constant 5 : i32
      %swap3A_531 = arith.index_cast %swap3A_530 : i32 to index
      %swap3A_532 = arith.constant 0 : index
      %swap3A_533 = tpu.vector_load %arg10[%swap3A_531, %swap3A_532] {strides = array<i32>} : memref<8x16xf32, #tpu.memory_space<vmem>>, vector<1x16xf32>,
      %swap3A_534 = vector.shape_cast %swap3A_533 : vector<1x16xf32> to vector<16xf32>
      %swap3A_535 = vector.shape_cast %add3A_487 : vector<16xf32> to vector<1x16xf32>
      tpu.vector_store %arg10[%swap3A_531, %swap3A_532], %swap3A_535 {strides = array<i32>} : memref<8x16xf32, #tpu.memory_space<vmem>>, vector<1x16xf32>,
      %swap3A_536 = arith.constant 6 : i32
      %swap3A_537 = arith.index_cast %swap3A_536 : i32 to index
      %swap3A_538 = arith.constant 0 : index
      %swap3A_539 = tpu.vector_load %arg10[%swap3A_537, %swap3A_538] {strides = array<i32>} : memref<8x16xf32, #tpu.memory_space<vmem>>, vector<1x16xf32>,
      %swap3A_540 = vector.shape_cast %swap3A_539 : vector<1x16xf32> to vector<16xf32>
      %swap3A_541 = vector.shape_cast %add3A_493 : vector<16xf32> to vector<1x16xf32>
      tpu.vector_store %arg10[%swap3A_537, %swap3A_538], %swap3A_541 {strides = array<i32>} : memref<8x16xf32, #tpu.memory_space<vmem>>, vector<1x16xf32>,
      %swap3A_542 = arith.constant 7 : i32
      %swap3A_543 = arith.index_cast %swap3A_542 : i32 to index
      %swap3A_544 = arith.constant 0 : index
      %swap3A_545 = tpu.vector_load %arg10[%swap3A_543, %swap3A_544] {strides = array<i32>} : memref<8x16xf32, #tpu.memory_space<vmem>>, vector<1x16xf32>,
      %swap3A_546 = vector.shape_cast %swap3A_545 : vector<1x16xf32> to vector<16xf32>
      %swap3A_547 = vector.shape_cast %add3A_499 : vector<16xf32> to vector<1x16xf32>
      tpu.vector_store %arg10[%swap3A_543, %swap3A_544], %swap3A_547 {strides = array<i32>} : memref<8x16xf32, #tpu.memory_space<vmem>>, vector<1x16xf32>,
      %mul3A_548 = arith.constant 8 : i32
      %mul3A_549 = arith.muli %mul3A_110, %mul3A_548 : i32
      %add3A_550 = arith.addi %mul3A_2, %mul3A_549 : i32
      "tpu.region"() ({
        %run_scoped3A = tpu.sem_alloc : memref<!tpu.dma_semaphore, #tpu.memory_space<semaphore_mem>>
        %dma_start3A_1002 = arith.constant 0 : i32
        %dma_start3A_1003 = tpu.memref_slice %arg4[%add3A_550, %dma_start3A_1002] : memref<4096x16xf32, #tpu.memory_space<hbm>> -> memref<8x16xf32, #tpu.memory_space<hbm>>
        %dma_start3A_1004 = arith.constant 0 : i32
        %dma_start3A_1005 = tpu.memref_slice %arg4[%add3A_550, %dma_start3A_1004] : memref<4096x16xf32, #tpu.memory_space<hbm>> -> memref<8x16xf32, #tpu.memory_space<hbm>>
        tpu.enqueue_dma source(%arg10 : memref<8x16xf32, #tpu.memory_space<vmem>>) target(%dma_start3A_1005 : memref<8x16xf32, #tpu.memory_space<hbm>>) target_semaphore(%run_scoped3A : memref<!tpu.dma_semaphore, #tpu.memory_space<semaphore_mem>>)
        %dma_wait3A_1006 = arith.constant 0 : i32
        %dma_wait3A_1007 = tpu.memref_slice %arg4[%add3A_550, %dma_wait3A_1006] : memref<4096x16xf32, #tpu.memory_space<hbm>> -> memref<8x16xf32, #tpu.memory_space<hbm>>
        %dma_wait3A_1008 = arith.constant 0 : i32
        %dma_wait3A_1009 = tpu.memref_slice %arg4[%add3A_550, %dma_wait3A_1008] : memref<4096x16xf32, #tpu.memory_space<hbm>> -> memref<8x16xf32, #tpu.memory_space<hbm>>
        tpu.wait_dma2 semaphore(%run_scoped3A : memref<!tpu.dma_semaphore, #tpu.memory_space<semaphore_mem>>) src(%arg10 : memref<8x16xf32, #tpu.memory_space<vmem>>) dst(%dma_wait3A_1009 : memref<8x16xf32, #tpu.memory_space<hbm>>)
        tpu.yield
      }) : () -> ()
      %lt3A = arith.constant 7 : i32
      %lt3A_551 = arith.cmpi slt, %scan3A_108, %lt3A : i32
      %convert_element_type3A = arith.extui %lt3A_551 : i1 to i32
      %cond3A = arith.constant 0 : i32
      %cond3A_552 = arith.cmpi ne, %convert_element_type3A, %cond3A : i32
      scf.if %cond3A_552 {
        %add3A_1002 = arith.constant 2 : i32
        %add3A_1003 = arith.addi %mul3A_110, %add3A_1002 : i32
        %mul3A_1004 = arith.constant 8 : i32
        %mul3A_1005 = arith.muli %add3A_1003, %mul3A_1004 : i32
        %add3A_1006 = arith.addi %mul3A_2, %mul3A_1005 : i32
        %dma_start3A_1007 = arith.constant 0 : i32
        %dma_start3A_1008 = tpu.memref_slice %arg2[%add3A_1006, %dma_start3A_1007] : memref<4096x4096xf32, #tpu.memory_space<hbm>> -> memref<8x4096xf32, #tpu.memory_space<hbm>>
        %dma_start3A_1009 = arith.constant 0 : i32
        %dma_start3A_1010 = tpu.memref_slice %arg2[%add3A_1006, %dma_start3A_1009] : memref<4096x4096xf32, #tpu.memory_space<hbm>> -> memref<8x4096xf32, #tpu.memory_space<hbm>>
        tpu.enqueue_dma source(%dma_start3A_1010 : memref<8x4096xf32, #tpu.memory_space<hbm>>) target(%arg8 : memref<8x4096xf32, #tpu.memory_space<vmem>>) target_semaphore(%arg13 : memref<!tpu.dma_semaphore, #tpu.memory_space<semaphore_mem>>)
      } else {
      }
      %add3A_553 = arith.constant 1 : i32
      %add3A_554 = arith.addi %mul3A_110, %add3A_553 : i32
      %mul3A_555 = arith.constant 8 : i32
      %mul3A_556 = arith.muli %add3A_554, %mul3A_555 : i32
      %add3A_557 = arith.addi %mul3A_2, %mul3A_556 : i32
      %dma_wait3A_558 = arith.constant 0 : i32
      %dma_wait3A_559 = tpu.memref_slice %arg2[%add3A_557, %dma_wait3A_558] : memref<4096x4096xf32, #tpu.memory_space<hbm>> -> memref<8x4096xf32, #tpu.memory_space<hbm>>
      %dma_wait3A_560 = arith.constant 0 : i32
      %dma_wait3A_561 = tpu.memref_slice %arg2[%add3A_557, %dma_wait3A_560] : memref<4096x4096xf32, #tpu.memory_space<hbm>> -> memref<8x4096xf32, #tpu.memory_space<hbm>>
      tpu.wait_dma2 semaphore(%arg14 : memref<!tpu.dma_semaphore, #tpu.memory_space<semaphore_mem>>) src(%dma_wait3A_561 : memref<8x4096xf32, #tpu.memory_space<hbm>>) dst(%arg9 : memref<8x4096xf32, #tpu.memory_space<vmem>>)
      %add3A_562 = arith.constant 1 : i32
      %add3A_563 = arith.addi %mul3A_110, %add3A_562 : i32
      %get3A_564 = arith.constant 0 : i32
      %get3A_565 = arith.index_cast %get3A_564 : i32 to index
      %get3A_566 = arith.constant 0 : index
      %get3A_567 = tpu.vector_load %arg9[%get3A_565, %get3A_566] {strides = array<i32>} : memref<8x4096xf32, #tpu.memory_space<vmem>>, vector<1x16xf32>,
      %get3A_568 = vector.shape_cast %get3A_567 : vector<1x16xf32> to vector<16xf32>
      %get3A_569 = arith.constant 1 : i32
      %get3A_570 = arith.index_cast %get3A_569 : i32 to index
      %get3A_571 = arith.constant 0 : index
      %get3A_572 = tpu.vector_load %arg9[%get3A_570, %get3A_571] {strides = array<i32>} : memref<8x4096xf32, #tpu.memory_space<vmem>>, vector<1x16xf32>,
      %get3A_573 = vector.shape_cast %get3A_572 : vector<1x16xf32> to vector<16xf32>
      %get3A_574 = arith.constant 2 : i32
      %get3A_575 = arith.index_cast %get3A_574 : i32 to index
      %get3A_576 = arith.constant 0 : index
      %get3A_577 = tpu.vector_load %arg9[%get3A_575, %get3A_576] {strides = array<i32>} : memref<8x4096xf32, #tpu.memory_space<vmem>>, vector<1x16xf32>,
      %get3A_578 = vector.shape_cast %get3A_577 : vector<1x16xf32> to vector<16xf32>
      %get3A_579 = arith.constant 3 : i32
      %get3A_580 = arith.index_cast %get3A_579 : i32 to index
      %get3A_581 = arith.constant 0 : index
      %get3A_582 = tpu.vector_load %arg9[%get3A_580, %get3A_581] {strides = array<i32>} : memref<8x4096xf32, #tpu.memory_space<vmem>>, vector<1x16xf32>,
      %get3A_583 = vector.shape_cast %get3A_582 : vector<1x16xf32> to vector<16xf32>
      %get3A_584 = arith.constant 4 : i32
      %get3A_585 = arith.index_cast %get3A_584 : i32 to index
      %get3A_586 = arith.constant 0 : index
      %get3A_587 = tpu.vector_load %arg9[%get3A_585, %get3A_586] {strides = array<i32>} : memref<8x4096xf32, #tpu.memory_space<vmem>>, vector<1x16xf32>,
      %get3A_588 = vector.shape_cast %get3A_587 : vector<1x16xf32> to vector<16xf32>
      %get3A_589 = arith.constant 5 : i32
      %get3A_590 = arith.index_cast %get3A_589 : i32 to index
      %get3A_591 = arith.constant 0 : index
      %get3A_592 = tpu.vector_load %arg9[%get3A_590, %get3A_591] {strides = array<i32>} : memref<8x4096xf32, #tpu.memory_space<vmem>>, vector<1x16xf32>,
      %get3A_593 = vector.shape_cast %get3A_592 : vector<1x16xf32> to vector<16xf32>
      %get3A_594 = arith.constant 6 : i32
      %get3A_595 = arith.index_cast %get3A_594 : i32 to index
      %get3A_596 = arith.constant 0 : index
      %get3A_597 = tpu.vector_load %arg9[%get3A_595, %get3A_596] {strides = array<i32>} : memref<8x4096xf32, #tpu.memory_space<vmem>>, vector<1x16xf32>,
      %get3A_598 = vector.shape_cast %get3A_597 : vector<1x16xf32> to vector<16xf32>
      %get3A_599 = arith.constant 7 : i32
      %get3A_600 = arith.index_cast %get3A_599 : i32 to index
      %get3A_601 = arith.constant 0 : index
      %get3A_602 = tpu.vector_load %arg9[%get3A_600, %get3A_601] {strides = array<i32>} : memref<8x4096xf32, #tpu.memory_space<vmem>>, vector<1x16xf32>,
      %get3A_603 = vector.shape_cast %get3A_602 : vector<1x16xf32> to vector<16xf32>
      %scan3A_604 = arith.constant 1 : i32
      %scan3A_605 = arith.constant 31 : i32
      %scan3A_606 = arith.addi %scan3A_604, %scan3A_605 : i32
      %scan3A_607 = arith.constant 1 : i32
      %scan3A_608:8 = scf.for %scan3A_1002 = %scan3A_604 to %scan3A_606 step %scan3A_607 iter_args(%scan3A_1003 = %get3A_568, %scan3A_1004 = %get3A_573, %scan3A_1005 = %get3A_578, %scan3A_1006 = %get3A_583, %scan3A_1007 = %get3A_588, %scan3A_1008 = %get3A_593, %scan3A_1009 = %get3A_598, %scan3A_1010 = %get3A_603) -> (vector<16xf32>, vector<16xf32>, vector<16xf32>, vector<16xf32>, vector<16xf32>, vector<16xf32>, vector<16xf32>, vector<16xf32>)  : i32 {
        %mul3A_1011 = arith.constant 8 : i32
        %mul3A_1012 = arith.muli %scan3A_1002, %mul3A_1011 : i32
        %add3A_1013 = arith.constant 0 : i32
        %add3A_1014 = arith.addi %mul3A_1012, %add3A_1013 : i32
        %mul3A_1015 = arith.constant 16 : i32
        %mul3A_1016 = arith.muli %add3A_1014, %mul3A_1015 : i32
        %get3A_1017 = arith.constant 0 : i32
        %get3A_1018 = arith.index_cast %get3A_1017 : i32 to index
        %get3A_1019 = arith.index_cast %mul3A_1016 : i32 to index
        %get3A_1020 = tpu.vector_load %arg9[%get3A_1018, %get3A_1019] {strides = array<i32>} : memref<8x4096xf32, #tpu.memory_space<vmem>>, vector<1x16xf32>,
        %get3A_1021 = vector.shape_cast %get3A_1020 : vector<1x16xf32> to vector<16xf32>
        %add3A_1022 = arith.addf %scan3A_1003, %get3A_1021 : vector<16xf32>
        %mul3A_1023 = arith.constant 8 : i32
        %mul3A_1024 = arith.muli %scan3A_1002, %mul3A_1023 : i32
        %add3A_1025 = arith.constant 0 : i32
        %add3A_1026 = arith.addi %mul3A_1024, %add3A_1025 : i32
        %mul3A_1027 = arith.constant 16 : i32
        %mul3A_1028 = arith.muli %add3A_1026, %mul3A_1027 : i32
        %get3A_1029 = arith.constant 1 : i32
        %get3A_1030 = arith.index_cast %get3A_1029 : i32 to index
        %get3A_1031 = arith.index_cast %mul3A_1028 : i32 to index
        %get3A_1032 = tpu.vector_load %arg9[%get3A_1030, %get3A_1031] {strides = array<i32>} : memref<8x4096xf32, #tpu.memory_space<vmem>>, vector<1x16xf32>,
        %get3A_1033 = vector.shape_cast %get3A_1032 : vector<1x16xf32> to vector<16xf32>
        %add3A_1034 = arith.addf %scan3A_1004, %get3A_1033 : vector<16xf32>
        %mul3A_1035 = arith.constant 8 : i32
        %mul3A_1036 = arith.muli %scan3A_1002, %mul3A_1035 : i32
        %add3A_1037 = arith.constant 0 : i32
        %add3A_1038 = arith.addi %mul3A_1036, %add3A_1037 : i32
        %mul3A_1039 = arith.constant 16 : i32
        %mul3A_1040 = arith.muli %add3A_1038, %mul3A_1039 : i32
        %get3A_1041 = arith.constant 2 : i32
        %get3A_1042 = arith.index_cast %get3A_1041 : i32 to index
        %get3A_1043 = arith.index_cast %mul3A_1040 : i32 to index
        %get3A_1044 = tpu.vector_load %arg9[%get3A_1042, %get3A_1043] {strides = array<i32>} : memref<8x4096xf32, #tpu.memory_space<vmem>>, vector<1x16xf32>,
        %get3A_1045 = vector.shape_cast %get3A_1044 : vector<1x16xf32> to vector<16xf32>
        %add3A_1046 = arith.addf %scan3A_1005, %get3A_1045 : vector<16xf32>
        %mul3A_1047 = arith.constant 8 : i32
        %mul3A_1048 = arith.muli %scan3A_1002, %mul3A_1047 : i32
        %add3A_1049 = arith.constant 0 : i32
        %add3A_1050 = arith.addi %mul3A_1048, %add3A_1049 : i32
        %mul3A_1051 = arith.constant 16 : i32
        %mul3A_1052 = arith.muli %add3A_1050, %mul3A_1051 : i32
        %get3A_1053 = arith.constant 3 : i32
        %get3A_1054 = arith.index_cast %get3A_1053 : i32 to index
        %get3A_1055 = arith.index_cast %mul3A_1052 : i32 to index
        %get3A_1056 = tpu.vector_load %arg9[%get3A_1054, %get3A_1055] {strides = array<i32>} : memref<8x4096xf32, #tpu.memory_space<vmem>>, vector<1x16xf32>,
        %get3A_1057 = vector.shape_cast %get3A_1056 : vector<1x16xf32> to vector<16xf32>
        %add3A_1058 = arith.addf %scan3A_1006, %get3A_1057 : vector<16xf32>
        %mul3A_1059 = arith.constant 8 : i32
        %mul3A_1060 = arith.muli %scan3A_1002, %mul3A_1059 : i32
        %add3A_1061 = arith.constant 0 : i32
        %add3A_1062 = arith.addi %mul3A_1060, %add3A_1061 : i32
        %mul3A_1063 = arith.constant 16 : i32
        %mul3A_1064 = arith.muli %add3A_1062, %mul3A_1063 : i32
        %get3A_1065 = arith.constant 4 : i32
        %get3A_1066 = arith.index_cast %get3A_1065 : i32 to index
        %get3A_1067 = arith.index_cast %mul3A_1064 : i32 to index
        %get3A_1068 = tpu.vector_load %arg9[%get3A_1066, %get3A_1067] {strides = array<i32>} : memref<8x4096xf32, #tpu.memory_space<vmem>>, vector<1x16xf32>,
        %get3A_1069 = vector.shape_cast %get3A_1068 : vector<1x16xf32> to vector<16xf32>
        %add3A_1070 = arith.addf %scan3A_1007, %get3A_1069 : vector<16xf32>
        %mul3A_1071 = arith.constant 8 : i32
        %mul3A_1072 = arith.muli %scan3A_1002, %mul3A_1071 : i32
        %add3A_1073 = arith.constant 0 : i32
        %add3A_1074 = arith.addi %mul3A_1072, %add3A_1073 : i32
        %mul3A_1075 = arith.constant 16 : i32
        %mul3A_1076 = arith.muli %add3A_1074, %mul3A_1075 : i32
        %get3A_1077 = arith.constant 5 : i32
        %get3A_1078 = arith.index_cast %get3A_1077 : i32 to index
        %get3A_1079 = arith.index_cast %mul3A_1076 : i32 to index
        %get3A_1080 = tpu.vector_load %arg9[%get3A_1078, %get3A_1079] {strides = array<i32>} : memref<8x4096xf32, #tpu.memory_space<vmem>>, vector<1x16xf32>,
        %get3A_1081 = vector.shape_cast %get3A_1080 : vector<1x16xf32> to vector<16xf32>
        %add3A_1082 = arith.addf %scan3A_1008, %get3A_1081 : vector<16xf32>
        %mul3A_1083 = arith.constant 8 : i32
        %mul3A_1084 = arith.muli %scan3A_1002, %mul3A_1083 : i32
        %add3A_1085 = arith.constant 0 : i32
        %add3A_1086 = arith.addi %mul3A_1084, %add3A_1085 : i32
        %mul3A_1087 = arith.constant 16 : i32
        %mul3A_1088 = arith.muli %add3A_1086, %mul3A_1087 : i32
        %get3A_1089 = arith.constant 6 : i32
        %get3A_1090 = arith.index_cast %get3A_1089 : i32 to index
        %get3A_1091 = arith.index_cast %mul3A_1088 : i32 to index
        %get3A_1092 = tpu.vector_load %arg9[%get3A_1090, %get3A_1091] {strides = array<i32>} : memref<8x4096xf32, #tpu.memory_space<vmem>>, vector<1x16xf32>,
        %get3A_1093 = vector.shape_cast %get3A_1092 : vector<1x16xf32> to vector<16xf32>
        %add3A_1094 = arith.addf %scan3A_1009, %get3A_1093 : vector<16xf32>
        %mul3A_1095 = arith.constant 8 : i32
        %mul3A_1096 = arith.muli %scan3A_1002, %mul3A_1095 : i32
        %add3A_1097 = arith.constant 0 : i32
        %add3A_1098 = arith.addi %mul3A_1096, %add3A_1097 : i32
        %mul3A_1099 = arith.constant 16 : i32
        %mul3A_1100 = arith.muli %add3A_1098, %mul3A_1099 : i32
        %get3A_1101 = arith.constant 7 : i32
        %get3A_1102 = arith.index_cast %get3A_1101 : i32 to index
        %get3A_1103 = arith.index_cast %mul3A_1100 : i32 to index
        %get3A_1104 = tpu.vector_load %arg9[%get3A_1102, %get3A_1103] {strides = array<i32>} : memref<8x4096xf32, #tpu.memory_space<vmem>>, vector<1x16xf32>,
        %get3A_1105 = vector.shape_cast %get3A_1104 : vector<1x16xf32> to vector<16xf32>
        %add3A_1106 = arith.addf %scan3A_1010, %get3A_1105 : vector<16xf32>
        %mul3A_1107 = arith.constant 8 : i32
        %mul3A_1108 = arith.muli %scan3A_1002, %mul3A_1107 : i32
        %add3A_1109 = arith.constant 1 : i32
        %add3A_1110 = arith.addi %mul3A_1108, %add3A_1109 : i32
        %mul3A_1111 = arith.constant 16 : i32
        %mul3A_1112 = arith.muli %add3A_1110, %mul3A_1111 : i32
        %get3A_1113 = arith.constant 0 : i32
        %get3A_1114 = arith.index_cast %get3A_1113 : i32 to index
        %get3A_1115 = arith.index_cast %mul3A_1112 : i32 to index
        %get3A_1116 = tpu.vector_load %arg9[%get3A_1114, %get3A_1115] {strides = array<i32>} : memref<8x4096xf32, #tpu.memory_space<vmem>>, vector<1x16xf32>,
        %get3A_1117 = vector.shape_cast %get3A_1116 : vector<1x16xf32> to vector<16xf32>
        %add3A_1118 = arith.addf %add3A_1022, %get3A_1117 : vector<16xf32>
        %mul3A_1119 = arith.constant 8 : i32
        %mul3A_1120 = arith.muli %scan3A_1002, %mul3A_1119 : i32
        %add3A_1121 = arith.constant 1 : i32
        %add3A_1122 = arith.addi %mul3A_1120, %add3A_1121 : i32
        %mul3A_1123 = arith.constant 16 : i32
        %mul3A_1124 = arith.muli %add3A_1122, %mul3A_1123 : i32
        %get3A_1125 = arith.constant 1 : i32
        %get3A_1126 = arith.index_cast %get3A_1125 : i32 to index
        %get3A_1127 = arith.index_cast %mul3A_1124 : i32 to index
        %get3A_1128 = tpu.vector_load %arg9[%get3A_1126, %get3A_1127] {strides = array<i32>} : memref<8x4096xf32, #tpu.memory_space<vmem>>, vector<1x16xf32>,
        %get3A_1129 = vector.shape_cast %get3A_1128 : vector<1x16xf32> to vector<16xf32>
        %add3A_1130 = arith.addf %add3A_1034, %get3A_1129 : vector<16xf32>
        %mul3A_1131 = arith.constant 8 : i32
        %mul3A_1132 = arith.muli %scan3A_1002, %mul3A_1131 : i32
        %add3A_1133 = arith.constant 1 : i32
        %add3A_1134 = arith.addi %mul3A_1132, %add3A_1133 : i32
        %mul3A_1135 = arith.constant 16 : i32
        %mul3A_1136 = arith.muli %add3A_1134, %mul3A_1135 : i32
        %get3A_1137 = arith.constant 2 : i32
        %get3A_1138 = arith.index_cast %get3A_1137 : i32 to index
        %get3A_1139 = arith.index_cast %mul3A_1136 : i32 to index
        %get3A_1140 = tpu.vector_load %arg9[%get3A_1138, %get3A_1139] {strides = array<i32>} : memref<8x4096xf32, #tpu.memory_space<vmem>>, vector<1x16xf32>,
        %get3A_1141 = vector.shape_cast %get3A_1140 : vector<1x16xf32> to vector<16xf32>
        %add3A_1142 = arith.addf %add3A_1046, %get3A_1141 : vector<16xf32>
        %mul3A_1143 = arith.constant 8 : i32
        %mul3A_1144 = arith.muli %scan3A_1002, %mul3A_1143 : i32
        %add3A_1145 = arith.constant 1 : i32
        %add3A_1146 = arith.addi %mul3A_1144, %add3A_1145 : i32
        %mul3A_1147 = arith.constant 16 : i32
        %mul3A_1148 = arith.muli %add3A_1146, %mul3A_1147 : i32
        %get3A_1149 = arith.constant 3 : i32
        %get3A_1150 = arith.index_cast %get3A_1149 : i32 to index
        %get3A_1151 = arith.index_cast %mul3A_1148 : i32 to index
        %get3A_1152 = tpu.vector_load %arg9[%get3A_1150, %get3A_1151] {strides = array<i32>} : memref<8x4096xf32, #tpu.memory_space<vmem>>, vector<1x16xf32>,
        %get3A_1153 = vector.shape_cast %get3A_1152 : vector<1x16xf32> to vector<16xf32>
        %add3A_1154 = arith.addf %add3A_1058, %get3A_1153 : vector<16xf32>
        %mul3A_1155 = arith.constant 8 : i32
        %mul3A_1156 = arith.muli %scan3A_1002, %mul3A_1155 : i32
        %add3A_1157 = arith.constant 1 : i32
        %add3A_1158 = arith.addi %mul3A_1156, %add3A_1157 : i32
        %mul3A_1159 = arith.constant 16 : i32
        %mul3A_1160 = arith.muli %add3A_1158, %mul3A_1159 : i32
        %get3A_1161 = arith.constant 4 : i32
        %get3A_1162 = arith.index_cast %get3A_1161 : i32 to index
        %get3A_1163 = arith.index_cast %mul3A_1160 : i32 to index
        %get3A_1164 = tpu.vector_load %arg9[%get3A_1162, %get3A_1163] {strides = array<i32>} : memref<8x4096xf32, #tpu.memory_space<vmem>>, vector<1x16xf32>,
        %get3A_1165 = vector.shape_cast %get3A_1164 : vector<1x16xf32> to vector<16xf32>
        %add3A_1166 = arith.addf %add3A_1070, %get3A_1165 : vector<16xf32>
        %mul3A_1167 = arith.constant 8 : i32
        %mul3A_1168 = arith.muli %scan3A_1002, %mul3A_1167 : i32
        %add3A_1169 = arith.constant 1 : i32
        %add3A_1170 = arith.addi %mul3A_1168, %add3A_1169 : i32
        %mul3A_1171 = arith.constant 16 : i32
        %mul3A_1172 = arith.muli %add3A_1170, %mul3A_1171 : i32
        %get3A_1173 = arith.constant 5 : i32
        %get3A_1174 = arith.index_cast %get3A_1173 : i32 to index
        %get3A_1175 = arith.index_cast %mul3A_1172 : i32 to index
        %get3A_1176 = tpu.vector_load %arg9[%get3A_1174, %get3A_1175] {strides = array<i32>} : memref<8x4096xf32, #tpu.memory_space<vmem>>, vector<1x16xf32>,
        %get3A_1177 = vector.shape_cast %get3A_1176 : vector<1x16xf32> to vector<16xf32>
        %add3A_1178 = arith.addf %add3A_1082, %get3A_1177 : vector<16xf32>
        %mul3A_1179 = arith.constant 8 : i32
        %mul3A_1180 = arith.muli %scan3A_1002, %mul3A_1179 : i32
        %add3A_1181 = arith.constant 1 : i32
        %add3A_1182 = arith.addi %mul3A_1180, %add3A_1181 : i32
        %mul3A_1183 = arith.constant 16 : i32
        %mul3A_1184 = arith.muli %add3A_1182, %mul3A_1183 : i32
        %get3A_1185 = arith.constant 6 : i32
        %get3A_1186 = arith.index_cast %get3A_1185 : i32 to index
        %get3A_1187 = arith.index_cast %mul3A_1184 : i32 to index
        %get3A_1188 = tpu.vector_load %arg9[%get3A_1186, %get3A_1187] {strides = array<i32>} : memref<8x4096xf32, #tpu.memory_space<vmem>>, vector<1x16xf32>,
        %get3A_1189 = vector.shape_cast %get3A_1188 : vector<1x16xf32> to vector<16xf32>
        %add3A_1190 = arith.addf %add3A_1094, %get3A_1189 : vector<16xf32>
        %mul3A_1191 = arith.constant 8 : i32
        %mul3A_1192 = arith.muli %scan3A_1002, %mul3A_1191 : i32
        %add3A_1193 = arith.constant 1 : i32
        %add3A_1194 = arith.addi %mul3A_1192, %add3A_1193 : i32
        %mul3A_1195 = arith.constant 16 : i32
        %mul3A_1196 = arith.muli %add3A_1194, %mul3A_1195 : i32
        %get3A_1197 = arith.constant 7 : i32
        %get3A_1198 = arith.index_cast %get3A_1197 : i32 to index
        %get3A_1199 = arith.index_cast %mul3A_1196 : i32 to index
        %get3A_1200 = tpu.vector_load %arg9[%get3A_1198, %get3A_1199] {strides = array<i32>} : memref<8x4096xf32, #tpu.memory_space<vmem>>, vector<1x16xf32>,
        %get3A_1201 = vector.shape_cast %get3A_1200 : vector<1x16xf32> to vector<16xf32>
        %add3A_1202 = arith.addf %add3A_1106, %get3A_1201 : vector<16xf32>
        %mul3A_1203 = arith.constant 8 : i32
        %mul3A_1204 = arith.muli %scan3A_1002, %mul3A_1203 : i32
        %add3A_1205 = arith.constant 2 : i32
        %add3A_1206 = arith.addi %mul3A_1204, %add3A_1205 : i32
        %mul3A_1207 = arith.constant 16 : i32
        %mul3A_1208 = arith.muli %add3A_1206, %mul3A_1207 : i32
        %get3A_1209 = arith.constant 0 : i32
        %get3A_1210 = arith.index_cast %get3A_1209 : i32 to index
        %get3A_1211 = arith.index_cast %mul3A_1208 : i32 to index
        %get3A_1212 = tpu.vector_load %arg9[%get3A_1210, %get3A_1211] {strides = array<i32>} : memref<8x4096xf32, #tpu.memory_space<vmem>>, vector<1x16xf32>,
        %get3A_1213 = vector.shape_cast %get3A_1212 : vector<1x16xf32> to vector<16xf32>
        %add3A_1214 = arith.addf %add3A_1118, %get3A_1213 : vector<16xf32>
        %mul3A_1215 = arith.constant 8 : i32
        %mul3A_1216 = arith.muli %scan3A_1002, %mul3A_1215 : i32
        %add3A_1217 = arith.constant 2 : i32
        %add3A_1218 = arith.addi %mul3A_1216, %add3A_1217 : i32
        %mul3A_1219 = arith.constant 16 : i32
        %mul3A_1220 = arith.muli %add3A_1218, %mul3A_1219 : i32
        %get3A_1221 = arith.constant 1 : i32
        %get3A_1222 = arith.index_cast %get3A_1221 : i32 to index
        %get3A_1223 = arith.index_cast %mul3A_1220 : i32 to index
        %get3A_1224 = tpu.vector_load %arg9[%get3A_1222, %get3A_1223] {strides = array<i32>} : memref<8x4096xf32, #tpu.memory_space<vmem>>, vector<1x16xf32>,
        %get3A_1225 = vector.shape_cast %get3A_1224 : vector<1x16xf32> to vector<16xf32>
        %add3A_1226 = arith.addf %add3A_1130, %get3A_1225 : vector<16xf32>
        %mul3A_1227 = arith.constant 8 : i32
        %mul3A_1228 = arith.muli %scan3A_1002, %mul3A_1227 : i32
        %add3A_1229 = arith.constant 2 : i32
        %add3A_1230 = arith.addi %mul3A_1228, %add3A_1229 : i32
        %mul3A_1231 = arith.constant 16 : i32
        %mul3A_1232 = arith.muli %add3A_1230, %mul3A_1231 : i32
        %get3A_1233 = arith.constant 2 : i32
        %get3A_1234 = arith.index_cast %get3A_1233 : i32 to index
        %get3A_1235 = arith.index_cast %mul3A_1232 : i32 to index
        %get3A_1236 = tpu.vector_load %arg9[%get3A_1234, %get3A_1235] {strides = array<i32>} : memref<8x4096xf32, #tpu.memory_space<vmem>>, vector<1x16xf32>,
        %get3A_1237 = vector.shape_cast %get3A_1236 : vector<1x16xf32> to vector<16xf32>
        %add3A_1238 = arith.addf %add3A_1142, %get3A_1237 : vector<16xf32>
        %mul3A_1239 = arith.constant 8 : i32
        %mul3A_1240 = arith.muli %scan3A_1002, %mul3A_1239 : i32
        %add3A_1241 = arith.constant 2 : i32
        %add3A_1242 = arith.addi %mul3A_1240, %add3A_1241 : i32
        %mul3A_1243 = arith.constant 16 : i32
        %mul3A_1244 = arith.muli %add3A_1242, %mul3A_1243 : i32
        %get3A_1245 = arith.constant 3 : i32
        %get3A_1246 = arith.index_cast %get3A_1245 : i32 to index
        %get3A_1247 = arith.index_cast %mul3A_1244 : i32 to index
        %get3A_1248 = tpu.vector_load %arg9[%get3A_1246, %get3A_1247] {strides = array<i32>} : memref<8x4096xf32, #tpu.memory_space<vmem>>, vector<1x16xf32>,
        %get3A_1249 = vector.shape_cast %get3A_1248 : vector<1x16xf32> to vector<16xf32>
        %add3A_1250 = arith.addf %add3A_1154, %get3A_1249 : vector<16xf32>
        %mul3A_1251 = arith.constant 8 : i32
        %mul3A_1252 = arith.muli %scan3A_1002, %mul3A_1251 : i32
        %add3A_1253 = arith.constant 2 : i32
        %add3A_1254 = arith.addi %mul3A_1252, %add3A_1253 : i32
        %mul3A_1255 = arith.constant 16 : i32
        %mul3A_1256 = arith.muli %add3A_1254, %mul3A_1255 : i32
        %get3A_1257 = arith.constant 4 : i32
        %get3A_1258 = arith.index_cast %get3A_1257 : i32 to index
        %get3A_1259 = arith.index_cast %mul3A_1256 : i32 to index
        %get3A_1260 = tpu.vector_load %arg9[%get3A_1258, %get3A_1259] {strides = array<i32>} : memref<8x4096xf32, #tpu.memory_space<vmem>>, vector<1x16xf32>,
        %get3A_1261 = vector.shape_cast %get3A_1260 : vector<1x16xf32> to vector<16xf32>
        %add3A_1262 = arith.addf %add3A_1166, %get3A_1261 : vector<16xf32>
        %mul3A_1263 = arith.constant 8 : i32
        %mul3A_1264 = arith.muli %scan3A_1002, %mul3A_1263 : i32
        %add3A_1265 = arith.constant 2 : i32
        %add3A_1266 = arith.addi %mul3A_1264, %add3A_1265 : i32
        %mul3A_1267 = arith.constant 16 : i32
        %mul3A_1268 = arith.muli %add3A_1266, %mul3A_1267 : i32
        %get3A_1269 = arith.constant 5 : i32
        %get3A_1270 = arith.index_cast %get3A_1269 : i32 to index
        %get3A_1271 = arith.index_cast %mul3A_1268 : i32 to index
        %get3A_1272 = tpu.vector_load %arg9[%get3A_1270, %get3A_1271] {strides = array<i32>} : memref<8x4096xf32, #tpu.memory_space<vmem>>, vector<1x16xf32>,
        %get3A_1273 = vector.shape_cast %get3A_1272 : vector<1x16xf32> to vector<16xf32>
        %add3A_1274 = arith.addf %add3A_1178, %get3A_1273 : vector<16xf32>
        %mul3A_1275 = arith.constant 8 : i32
        %mul3A_1276 = arith.muli %scan3A_1002, %mul3A_1275 : i32
        %add3A_1277 = arith.constant 2 : i32
        %add3A_1278 = arith.addi %mul3A_1276, %add3A_1277 : i32
        %mul3A_1279 = arith.constant 16 : i32
        %mul3A_1280 = arith.muli %add3A_1278, %mul3A_1279 : i32
        %get3A_1281 = arith.constant 6 : i32
        %get3A_1282 = arith.index_cast %get3A_1281 : i32 to index
        %get3A_1283 = arith.index_cast %mul3A_1280 : i32 to index
        %get3A_1284 = tpu.vector_load %arg9[%get3A_1282, %get3A_1283] {strides = array<i32>} : memref<8x4096xf32, #tpu.memory_space<vmem>>, vector<1x16xf32>,
        %get3A_1285 = vector.shape_cast %get3A_1284 : vector<1x16xf32> to vector<16xf32>
        %add3A_1286 = arith.addf %add3A_1190, %get3A_1285 : vector<16xf32>
        %mul3A_1287 = arith.constant 8 : i32
        %mul3A_1288 = arith.muli %scan3A_1002, %mul3A_1287 : i32
        %add3A_1289 = arith.constant 2 : i32
        %add3A_1290 = arith.addi %mul3A_1288, %add3A_1289 : i32
        %mul3A_1291 = arith.constant 16 : i32
        %mul3A_1292 = arith.muli %add3A_1290, %mul3A_1291 : i32
        %get3A_1293 = arith.constant 7 : i32
        %get3A_1294 = arith.index_cast %get3A_1293 : i32 to index
        %get3A_1295 = arith.index_cast %mul3A_1292 : i32 to index
        %get3A_1296 = tpu.vector_load %arg9[%get3A_1294, %get3A_1295] {strides = array<i32>} : memref<8x4096xf32, #tpu.memory_space<vmem>>, vector<1x16xf32>,
        %get3A_1297 = vector.shape_cast %get3A_1296 : vector<1x16xf32> to vector<16xf32>
        %add3A_1298 = arith.addf %add3A_1202, %get3A_1297 : vector<16xf32>
        %mul3A_1299 = arith.constant 8 : i32
        %mul3A_1300 = arith.muli %scan3A_1002, %mul3A_1299 : i32
        %add3A_1301 = arith.constant 3 : i32
        %add3A_1302 = arith.addi %mul3A_1300, %add3A_1301 : i32
        %mul3A_1303 = arith.constant 16 : i32
        %mul3A_1304 = arith.muli %add3A_1302, %mul3A_1303 : i32
        %get3A_1305 = arith.constant 0 : i32
        %get3A_1306 = arith.index_cast %get3A_1305 : i32 to index
        %get3A_1307 = arith.index_cast %mul3A_1304 : i32 to index
        %get3A_1308 = tpu.vector_load %arg9[%get3A_1306, %get3A_1307] {strides = array<i32>} : memref<8x4096xf32, #tpu.memory_space<vmem>>, vector<1x16xf32>,
        %get3A_1309 = vector.shape_cast %get3A_1308 : vector<1x16xf32> to vector<16xf32>
        %add3A_1310 = arith.addf %add3A_1214, %get3A_1309 : vector<16xf32>
        %mul3A_1311 = arith.constant 8 : i32
        %mul3A_1312 = arith.muli %scan3A_1002, %mul3A_1311 : i32
        %add3A_1313 = arith.constant 3 : i32
        %add3A_1314 = arith.addi %mul3A_1312, %add3A_1313 : i32
        %mul3A_1315 = arith.constant 16 : i32
        %mul3A_1316 = arith.muli %add3A_1314, %mul3A_1315 : i32
        %get3A_1317 = arith.constant 1 : i32
        %get3A_1318 = arith.index_cast %get3A_1317 : i32 to index
        %get3A_1319 = arith.index_cast %mul3A_1316 : i32 to index
        %get3A_1320 = tpu.vector_load %arg9[%get3A_1318, %get3A_1319] {strides = array<i32>} : memref<8x4096xf32, #tpu.memory_space<vmem>>, vector<1x16xf32>,
        %get3A_1321 = vector.shape_cast %get3A_1320 : vector<1x16xf32> to vector<16xf32>
        %add3A_1322 = arith.addf %add3A_1226, %get3A_1321 : vector<16xf32>
        %mul3A_1323 = arith.constant 8 : i32
        %mul3A_1324 = arith.muli %scan3A_1002, %mul3A_1323 : i32
        %add3A_1325 = arith.constant 3 : i32
        %add3A_1326 = arith.addi %mul3A_1324, %add3A_1325 : i32
        %mul3A_1327 = arith.constant 16 : i32
        %mul3A_1328 = arith.muli %add3A_1326, %mul3A_1327 : i32
        %get3A_1329 = arith.constant 2 : i32
        %get3A_1330 = arith.index_cast %get3A_1329 : i32 to index
        %get3A_1331 = arith.index_cast %mul3A_1328 : i32 to index
        %get3A_1332 = tpu.vector_load %arg9[%get3A_1330, %get3A_1331] {strides = array<i32>} : memref<8x4096xf32, #tpu.memory_space<vmem>>, vector<1x16xf32>,
        %get3A_1333 = vector.shape_cast %get3A_1332 : vector<1x16xf32> to vector<16xf32>
        %add3A_1334 = arith.addf %add3A_1238, %get3A_1333 : vector<16xf32>
        %mul3A_1335 = arith.constant 8 : i32
        %mul3A_1336 = arith.muli %scan3A_1002, %mul3A_1335 : i32
        %add3A_1337 = arith.constant 3 : i32
        %add3A_1338 = arith.addi %mul3A_1336, %add3A_1337 : i32
        %mul3A_1339 = arith.constant 16 : i32
        %mul3A_1340 = arith.muli %add3A_1338, %mul3A_1339 : i32
        %get3A_1341 = arith.constant 3 : i32
        %get3A_1342 = arith.index_cast %get3A_1341 : i32 to index
        %get3A_1343 = arith.index_cast %mul3A_1340 : i32 to index
        %get3A_1344 = tpu.vector_load %arg9[%get3A_1342, %get3A_1343] {strides = array<i32>} : memref<8x4096xf32, #tpu.memory_space<vmem>>, vector<1x16xf32>,
        %get3A_1345 = vector.shape_cast %get3A_1344 : vector<1x16xf32> to vector<16xf32>
        %add3A_1346 = arith.addf %add3A_1250, %get3A_1345 : vector<16xf32>
        %mul3A_1347 = arith.constant 8 : i32
        %mul3A_1348 = arith.muli %scan3A_1002, %mul3A_1347 : i32
        %add3A_1349 = arith.constant 3 : i32
        %add3A_1350 = arith.addi %mul3A_1348, %add3A_1349 : i32
        %mul3A_1351 = arith.constant 16 : i32
        %mul3A_1352 = arith.muli %add3A_1350, %mul3A_1351 : i32
        %get3A_1353 = arith.constant 4 : i32
        %get3A_1354 = arith.index_cast %get3A_1353 : i32 to index
        %get3A_1355 = arith.index_cast %mul3A_1352 : i32 to index
        %get3A_1356 = tpu.vector_load %arg9[%get3A_1354, %get3A_1355] {strides = array<i32>} : memref<8x4096xf32, #tpu.memory_space<vmem>>, vector<1x16xf32>,
        %get3A_1357 = vector.shape_cast %get3A_1356 : vector<1x16xf32> to vector<16xf32>
        %add3A_1358 = arith.addf %add3A_1262, %get3A_1357 : vector<16xf32>
        %mul3A_1359 = arith.constant 8 : i32
        %mul3A_1360 = arith.muli %scan3A_1002, %mul3A_1359 : i32
        %add3A_1361 = arith.constant 3 : i32
        %add3A_1362 = arith.addi %mul3A_1360, %add3A_1361 : i32
        %mul3A_1363 = arith.constant 16 : i32
        %mul3A_1364 = arith.muli %add3A_1362, %mul3A_1363 : i32
        %get3A_1365 = arith.constant 5 : i32
        %get3A_1366 = arith.index_cast %get3A_1365 : i32 to index
        %get3A_1367 = arith.index_cast %mul3A_1364 : i32 to index
        %get3A_1368 = tpu.vector_load %arg9[%get3A_1366, %get3A_1367] {strides = array<i32>} : memref<8x4096xf32, #tpu.memory_space<vmem>>, vector<1x16xf32>,
        %get3A_1369 = vector.shape_cast %get3A_1368 : vector<1x16xf32> to vector<16xf32>
        %add3A_1370 = arith.addf %add3A_1274, %get3A_1369 : vector<16xf32>
        %mul3A_1371 = arith.constant 8 : i32
        %mul3A_1372 = arith.muli %scan3A_1002, %mul3A_1371 : i32
        %add3A_1373 = arith.constant 3 : i32
        %add3A_1374 = arith.addi %mul3A_1372, %add3A_1373 : i32
        %mul3A_1375 = arith.constant 16 : i32
        %mul3A_1376 = arith.muli %add3A_1374, %mul3A_1375 : i32
        %get3A_1377 = arith.constant 6 : i32
        %get3A_1378 = arith.index_cast %get3A_1377 : i32 to index
        %get3A_1379 = arith.index_cast %mul3A_1376 : i32 to index
        %get3A_1380 = tpu.vector_load %arg9[%get3A_1378, %get3A_1379] {strides = array<i32>} : memref<8x4096xf32, #tpu.memory_space<vmem>>, vector<1x16xf32>,
        %get3A_1381 = vector.shape_cast %get3A_1380 : vector<1x16xf32> to vector<16xf32>
        %add3A_1382 = arith.addf %add3A_1286, %get3A_1381 : vector<16xf32>
        %mul3A_1383 = arith.constant 8 : i32
        %mul3A_1384 = arith.muli %scan3A_1002, %mul3A_1383 : i32
        %add3A_1385 = arith.constant 3 : i32
        %add3A_1386 = arith.addi %mul3A_1384, %add3A_1385 : i32
        %mul3A_1387 = arith.constant 16 : i32
        %mul3A_1388 = arith.muli %add3A_1386, %mul3A_1387 : i32
        %get3A_1389 = arith.constant 7 : i32
        %get3A_1390 = arith.index_cast %get3A_1389 : i32 to index
        %get3A_1391 = arith.index_cast %mul3A_1388 : i32 to index
        %get3A_1392 = tpu.vector_load %arg9[%get3A_1390, %get3A_1391] {strides = array<i32>} : memref<8x4096xf32, #tpu.memory_space<vmem>>, vector<1x16xf32>,
        %get3A_1393 = vector.shape_cast %get3A_1392 : vector<1x16xf32> to vector<16xf32>
        %add3A_1394 = arith.addf %add3A_1298, %get3A_1393 : vector<16xf32>
        %mul3A_1395 = arith.constant 8 : i32
        %mul3A_1396 = arith.muli %scan3A_1002, %mul3A_1395 : i32
        %add3A_1397 = arith.constant 4 : i32
        %add3A_1398 = arith.addi %mul3A_1396, %add3A_1397 : i32
        %mul3A_1399 = arith.constant 16 : i32
        %mul3A_1400 = arith.muli %add3A_1398, %mul3A_1399 : i32
        %get3A_1401 = arith.constant 0 : i32
        %get3A_1402 = arith.index_cast %get3A_1401 : i32 to index
        %get3A_1403 = arith.index_cast %mul3A_1400 : i32 to index
        %get3A_1404 = tpu.vector_load %arg9[%get3A_1402, %get3A_1403] {strides = array<i32>} : memref<8x4096xf32, #tpu.memory_space<vmem>>, vector<1x16xf32>,
        %get3A_1405 = vector.shape_cast %get3A_1404 : vector<1x16xf32> to vector<16xf32>
        %add3A_1406 = arith.addf %add3A_1310, %get3A_1405 : vector<16xf32>
        %mul3A_1407 = arith.constant 8 : i32
        %mul3A_1408 = arith.muli %scan3A_1002, %mul3A_1407 : i32
        %add3A_1409 = arith.constant 4 : i32
        %add3A_1410 = arith.addi %mul3A_1408, %add3A_1409 : i32
        %mul3A_1411 = arith.constant 16 : i32
        %mul3A_1412 = arith.muli %add3A_1410, %mul3A_1411 : i32
        %get3A_1413 = arith.constant 1 : i32
        %get3A_1414 = arith.index_cast %get3A_1413 : i32 to index
        %get3A_1415 = arith.index_cast %mul3A_1412 : i32 to index
        %get3A_1416 = tpu.vector_load %arg9[%get3A_1414, %get3A_1415] {strides = array<i32>} : memref<8x4096xf32, #tpu.memory_space<vmem>>, vector<1x16xf32>,
        %get3A_1417 = vector.shape_cast %get3A_1416 : vector<1x16xf32> to vector<16xf32>
        %add3A_1418 = arith.addf %add3A_1322, %get3A_1417 : vector<16xf32>
        %mul3A_1419 = arith.constant 8 : i32
        %mul3A_1420 = arith.muli %scan3A_1002, %mul3A_1419 : i32
        %add3A_1421 = arith.constant 4 : i32
        %add3A_1422 = arith.addi %mul3A_1420, %add3A_1421 : i32
        %mul3A_1423 = arith.constant 16 : i32
        %mul3A_1424 = arith.muli %add3A_1422, %mul3A_1423 : i32
        %get3A_1425 = arith.constant 2 : i32
        %get3A_1426 = arith.index_cast %get3A_1425 : i32 to index
        %get3A_1427 = arith.index_cast %mul3A_1424 : i32 to index
        %get3A_1428 = tpu.vector_load %arg9[%get3A_1426, %get3A_1427] {strides = array<i32>} : memref<8x4096xf32, #tpu.memory_space<vmem>>, vector<1x16xf32>,
        %get3A_1429 = vector.shape_cast %get3A_1428 : vector<1x16xf32> to vector<16xf32>
        %add3A_1430 = arith.addf %add3A_1334, %get3A_1429 : vector<16xf32>
        %mul3A_1431 = arith.constant 8 : i32
        %mul3A_1432 = arith.muli %scan3A_1002, %mul3A_1431 : i32
        %add3A_1433 = arith.constant 4 : i32
        %add3A_1434 = arith.addi %mul3A_1432, %add3A_1433 : i32
        %mul3A_1435 = arith.constant 16 : i32
        %mul3A_1436 = arith.muli %add3A_1434, %mul3A_1435 : i32
        %get3A_1437 = arith.constant 3 : i32
        %get3A_1438 = arith.index_cast %get3A_1437 : i32 to index
        %get3A_1439 = arith.index_cast %mul3A_1436 : i32 to index
        %get3A_1440 = tpu.vector_load %arg9[%get3A_1438, %get3A_1439] {strides = array<i32>} : memref<8x4096xf32, #tpu.memory_space<vmem>>, vector<1x16xf32>,
        %get3A_1441 = vector.shape_cast %get3A_1440 : vector<1x16xf32> to vector<16xf32>
        %add3A_1442 = arith.addf %add3A_1346, %get3A_1441 : vector<16xf32>
        %mul3A_1443 = arith.constant 8 : i32
        %mul3A_1444 = arith.muli %scan3A_1002, %mul3A_1443 : i32
        %add3A_1445 = arith.constant 4 : i32
        %add3A_1446 = arith.addi %mul3A_1444, %add3A_1445 : i32
        %mul3A_1447 = arith.constant 16 : i32
        %mul3A_1448 = arith.muli %add3A_1446, %mul3A_1447 : i32
        %get3A_1449 = arith.constant 4 : i32
        %get3A_1450 = arith.index_cast %get3A_1449 : i32 to index
        %get3A_1451 = arith.index_cast %mul3A_1448 : i32 to index
        %get3A_1452 = tpu.vector_load %arg9[%get3A_1450, %get3A_1451] {strides = array<i32>} : memref<8x4096xf32, #tpu.memory_space<vmem>>, vector<1x16xf32>,
        %get3A_1453 = vector.shape_cast %get3A_1452 : vector<1x16xf32> to vector<16xf32>
        %add3A_1454 = arith.addf %add3A_1358, %get3A_1453 : vector<16xf32>
        %mul3A_1455 = arith.constant 8 : i32
        %mul3A_1456 = arith.muli %scan3A_1002, %mul3A_1455 : i32
        %add3A_1457 = arith.constant 4 : i32
        %add3A_1458 = arith.addi %mul3A_1456, %add3A_1457 : i32
        %mul3A_1459 = arith.constant 16 : i32
        %mul3A_1460 = arith.muli %add3A_1458, %mul3A_1459 : i32
        %get3A_1461 = arith.constant 5 : i32
        %get3A_1462 = arith.index_cast %get3A_1461 : i32 to index
        %get3A_1463 = arith.index_cast %mul3A_1460 : i32 to index
        %get3A_1464 = tpu.vector_load %arg9[%get3A_1462, %get3A_1463] {strides = array<i32>} : memref<8x4096xf32, #tpu.memory_space<vmem>>, vector<1x16xf32>,
        %get3A_1465 = vector.shape_cast %get3A_1464 : vector<1x16xf32> to vector<16xf32>
        %add3A_1466 = arith.addf %add3A_1370, %get3A_1465 : vector<16xf32>
        %mul3A_1467 = arith.constant 8 : i32
        %mul3A_1468 = arith.muli %scan3A_1002, %mul3A_1467 : i32
        %add3A_1469 = arith.constant 4 : i32
        %add3A_1470 = arith.addi %mul3A_1468, %add3A_1469 : i32
        %mul3A_1471 = arith.constant 16 : i32
        %mul3A_1472 = arith.muli %add3A_1470, %mul3A_1471 : i32
        %get3A_1473 = arith.constant 6 : i32
        %get3A_1474 = arith.index_cast %get3A_1473 : i32 to index
        %get3A_1475 = arith.index_cast %mul3A_1472 : i32 to index
        %get3A_1476 = tpu.vector_load %arg9[%get3A_1474, %get3A_1475] {strides = array<i32>} : memref<8x4096xf32, #tpu.memory_space<vmem>>, vector<1x16xf32>,
        %get3A_1477 = vector.shape_cast %get3A_1476 : vector<1x16xf32> to vector<16xf32>
        %add3A_1478 = arith.addf %add3A_1382, %get3A_1477 : vector<16xf32>
        %mul3A_1479 = arith.constant 8 : i32
        %mul3A_1480 = arith.muli %scan3A_1002, %mul3A_1479 : i32
        %add3A_1481 = arith.constant 4 : i32
        %add3A_1482 = arith.addi %mul3A_1480, %add3A_1481 : i32
        %mul3A_1483 = arith.constant 16 : i32
        %mul3A_1484 = arith.muli %add3A_1482, %mul3A_1483 : i32
        %get3A_1485 = arith.constant 7 : i32
        %get3A_1486 = arith.index_cast %get3A_1485 : i32 to index
        %get3A_1487 = arith.index_cast %mul3A_1484 : i32 to index
        %get3A_1488 = tpu.vector_load %arg9[%get3A_1486, %get3A_1487] {strides = array<i32>} : memref<8x4096xf32, #tpu.memory_space<vmem>>, vector<1x16xf32>,
        %get3A_1489 = vector.shape_cast %get3A_1488 : vector<1x16xf32> to vector<16xf32>
        %add3A_1490 = arith.addf %add3A_1394, %get3A_1489 : vector<16xf32>
        %mul3A_1491 = arith.constant 8 : i32
        %mul3A_1492 = arith.muli %scan3A_1002, %mul3A_1491 : i32
        %add3A_1493 = arith.constant 5 : i32
        %add3A_1494 = arith.addi %mul3A_1492, %add3A_1493 : i32
        %mul3A_1495 = arith.constant 16 : i32
        %mul3A_1496 = arith.muli %add3A_1494, %mul3A_1495 : i32
        %get3A_1497 = arith.constant 0 : i32
        %get3A_1498 = arith.index_cast %get3A_1497 : i32 to index
        %get3A_1499 = arith.index_cast %mul3A_1496 : i32 to index
        %get3A_1500 = tpu.vector_load %arg9[%get3A_1498, %get3A_1499] {strides = array<i32>} : memref<8x4096xf32, #tpu.memory_space<vmem>>, vector<1x16xf32>,
        %get3A_1501 = vector.shape_cast %get3A_1500 : vector<1x16xf32> to vector<16xf32>
        %add3A_1502 = arith.addf %add3A_1406, %get3A_1501 : vector<16xf32>
        %mul3A_1503 = arith.constant 8 : i32
        %mul3A_1504 = arith.muli %scan3A_1002, %mul3A_1503 : i32
        %add3A_1505 = arith.constant 5 : i32
        %add3A_1506 = arith.addi %mul3A_1504, %add3A_1505 : i32
        %mul3A_1507 = arith.constant 16 : i32
        %mul3A_1508 = arith.muli %add3A_1506, %mul3A_1507 : i32
        %get3A_1509 = arith.constant 1 : i32
        %get3A_1510 = arith.index_cast %get3A_1509 : i32 to index
        %get3A_1511 = arith.index_cast %mul3A_1508 : i32 to index
        %get3A_1512 = tpu.vector_load %arg9[%get3A_1510, %get3A_1511] {strides = array<i32>} : memref<8x4096xf32, #tpu.memory_space<vmem>>, vector<1x16xf32>,
        %get3A_1513 = vector.shape_cast %get3A_1512 : vector<1x16xf32> to vector<16xf32>
        %add3A_1514 = arith.addf %add3A_1418, %get3A_1513 : vector<16xf32>
        %mul3A_1515 = arith.constant 8 : i32
        %mul3A_1516 = arith.muli %scan3A_1002, %mul3A_1515 : i32
        %add3A_1517 = arith.constant 5 : i32
        %add3A_1518 = arith.addi %mul3A_1516, %add3A_1517 : i32
        %mul3A_1519 = arith.constant 16 : i32
        %mul3A_1520 = arith.muli %add3A_1518, %mul3A_1519 : i32
        %get3A_1521 = arith.constant 2 : i32
        %get3A_1522 = arith.index_cast %get3A_1521 : i32 to index
        %get3A_1523 = arith.index_cast %mul3A_1520 : i32 to index
        %get3A_1524 = tpu.vector_load %arg9[%get3A_1522, %get3A_1523] {strides = array<i32>} : memref<8x4096xf32, #tpu.memory_space<vmem>>, vector<1x16xf32>,
        %get3A_1525 = vector.shape_cast %get3A_1524 : vector<1x16xf32> to vector<16xf32>
        %add3A_1526 = arith.addf %add3A_1430, %get3A_1525 : vector<16xf32>
        %mul3A_1527 = arith.constant 8 : i32
        %mul3A_1528 = arith.muli %scan3A_1002, %mul3A_1527 : i32
        %add3A_1529 = arith.constant 5 : i32
        %add3A_1530 = arith.addi %mul3A_1528, %add3A_1529 : i32
        %mul3A_1531 = arith.constant 16 : i32
        %mul3A_1532 = arith.muli %add3A_1530, %mul3A_1531 : i32
        %get3A_1533 = arith.constant 3 : i32
        %get3A_1534 = arith.index_cast %get3A_1533 : i32 to index
        %get3A_1535 = arith.index_cast %mul3A_1532 : i32 to index
        %get3A_1536 = tpu.vector_load %arg9[%get3A_1534, %get3A_1535] {strides = array<i32>} : memref<8x4096xf32, #tpu.memory_space<vmem>>, vector<1x16xf32>,
        %get3A_1537 = vector.shape_cast %get3A_1536 : vector<1x16xf32> to vector<16xf32>
        %add3A_1538 = arith.addf %add3A_1442, %get3A_1537 : vector<16xf32>
        %mul3A_1539 = arith.constant 8 : i32
        %mul3A_1540 = arith.muli %scan3A_1002, %mul3A_1539 : i32
        %add3A_1541 = arith.constant 5 : i32
        %add3A_1542 = arith.addi %mul3A_1540, %add3A_1541 : i32
        %mul3A_1543 = arith.constant 16 : i32
        %mul3A_1544 = arith.muli %add3A_1542, %mul3A_1543 : i32
        %get3A_1545 = arith.constant 4 : i32
        %get3A_1546 = arith.index_cast %get3A_1545 : i32 to index
        %get3A_1547 = arith.index_cast %mul3A_1544 : i32 to index
        %get3A_1548 = tpu.vector_load %arg9[%get3A_1546, %get3A_1547] {strides = array<i32>} : memref<8x4096xf32, #tpu.memory_space<vmem>>, vector<1x16xf32>,
        %get3A_1549 = vector.shape_cast %get3A_1548 : vector<1x16xf32> to vector<16xf32>
        %add3A_1550 = arith.addf %add3A_1454, %get3A_1549 : vector<16xf32>
        %mul3A_1551 = arith.constant 8 : i32
        %mul3A_1552 = arith.muli %scan3A_1002, %mul3A_1551 : i32
        %add3A_1553 = arith.constant 5 : i32
        %add3A_1554 = arith.addi %mul3A_1552, %add3A_1553 : i32
        %mul3A_1555 = arith.constant 16 : i32
        %mul3A_1556 = arith.muli %add3A_1554, %mul3A_1555 : i32
        %get3A_1557 = arith.constant 5 : i32
        %get3A_1558 = arith.index_cast %get3A_1557 : i32 to index
        %get3A_1559 = arith.index_cast %mul3A_1556 : i32 to index
        %get3A_1560 = tpu.vector_load %arg9[%get3A_1558, %get3A_1559] {strides = array<i32>} : memref<8x4096xf32, #tpu.memory_space<vmem>>, vector<1x16xf32>,
        %get3A_1561 = vector.shape_cast %get3A_1560 : vector<1x16xf32> to vector<16xf32>
        %add3A_1562 = arith.addf %add3A_1466, %get3A_1561 : vector<16xf32>
        %mul3A_1563 = arith.constant 8 : i32
        %mul3A_1564 = arith.muli %scan3A_1002, %mul3A_1563 : i32
        %add3A_1565 = arith.constant 5 : i32
        %add3A_1566 = arith.addi %mul3A_1564, %add3A_1565 : i32
        %mul3A_1567 = arith.constant 16 : i32
        %mul3A_1568 = arith.muli %add3A_1566, %mul3A_1567 : i32
        %get3A_1569 = arith.constant 6 : i32
        %get3A_1570 = arith.index_cast %get3A_1569 : i32 to index
        %get3A_1571 = arith.index_cast %mul3A_1568 : i32 to index
        %get3A_1572 = tpu.vector_load %arg9[%get3A_1570, %get3A_1571] {strides = array<i32>} : memref<8x4096xf32, #tpu.memory_space<vmem>>, vector<1x16xf32>,
        %get3A_1573 = vector.shape_cast %get3A_1572 : vector<1x16xf32> to vector<16xf32>
        %add3A_1574 = arith.addf %add3A_1478, %get3A_1573 : vector<16xf32>
        %mul3A_1575 = arith.constant 8 : i32
        %mul3A_1576 = arith.muli %scan3A_1002, %mul3A_1575 : i32
        %add3A_1577 = arith.constant 5 : i32
        %add3A_1578 = arith.addi %mul3A_1576, %add3A_1577 : i32
        %mul3A_1579 = arith.constant 16 : i32
        %mul3A_1580 = arith.muli %add3A_1578, %mul3A_1579 : i32
        %get3A_1581 = arith.constant 7 : i32
        %get3A_1582 = arith.index_cast %get3A_1581 : i32 to index
        %get3A_1583 = arith.index_cast %mul3A_1580 : i32 to index
        %get3A_1584 = tpu.vector_load %arg9[%get3A_1582, %get3A_1583] {strides = array<i32>} : memref<8x4096xf32, #tpu.memory_space<vmem>>, vector<1x16xf32>,
        %get3A_1585 = vector.shape_cast %get3A_1584 : vector<1x16xf32> to vector<16xf32>
        %add3A_1586 = arith.addf %add3A_1490, %get3A_1585 : vector<16xf32>
        %mul3A_1587 = arith.constant 8 : i32
        %mul3A_1588 = arith.muli %scan3A_1002, %mul3A_1587 : i32
        %add3A_1589 = arith.constant 6 : i32
        %add3A_1590 = arith.addi %mul3A_1588, %add3A_1589 : i32
        %mul3A_1591 = arith.constant 16 : i32
        %mul3A_1592 = arith.muli %add3A_1590, %mul3A_1591 : i32
        %get3A_1593 = arith.constant 0 : i32
        %get3A_1594 = arith.index_cast %get3A_1593 : i32 to index
        %get3A_1595 = arith.index_cast %mul3A_1592 : i32 to index
        %get3A_1596 = tpu.vector_load %arg9[%get3A_1594, %get3A_1595] {strides = array<i32>} : memref<8x4096xf32, #tpu.memory_space<vmem>>, vector<1x16xf32>,
        %get3A_1597 = vector.shape_cast %get3A_1596 : vector<1x16xf32> to vector<16xf32>
        %add3A_1598 = arith.addf %add3A_1502, %get3A_1597 : vector<16xf32>
        %mul3A_1599 = arith.constant 8 : i32
        %mul3A_1600 = arith.muli %scan3A_1002, %mul3A_1599 : i32
        %add3A_1601 = arith.constant 6 : i32
        %add3A_1602 = arith.addi %mul3A_1600, %add3A_1601 : i32
        %mul3A_1603 = arith.constant 16 : i32
        %mul3A_1604 = arith.muli %add3A_1602, %mul3A_1603 : i32
        %get3A_1605 = arith.constant 1 : i32
        %get3A_1606 = arith.index_cast %get3A_1605 : i32 to index
        %get3A_1607 = arith.index_cast %mul3A_1604 : i32 to index
        %get3A_1608 = tpu.vector_load %arg9[%get3A_1606, %get3A_1607] {strides = array<i32>} : memref<8x4096xf32, #tpu.memory_space<vmem>>, vector<1x16xf32>,
        %get3A_1609 = vector.shape_cast %get3A_1608 : vector<1x16xf32> to vector<16xf32>
        %add3A_1610 = arith.addf %add3A_1514, %get3A_1609 : vector<16xf32>
        %mul3A_1611 = arith.constant 8 : i32
        %mul3A_1612 = arith.muli %scan3A_1002, %mul3A_1611 : i32
        %add3A_1613 = arith.constant 6 : i32
        %add3A_1614 = arith.addi %mul3A_1612, %add3A_1613 : i32
        %mul3A_1615 = arith.constant 16 : i32
        %mul3A_1616 = arith.muli %add3A_1614, %mul3A_1615 : i32
        %get3A_1617 = arith.constant 2 : i32
        %get3A_1618 = arith.index_cast %get3A_1617 : i32 to index
        %get3A_1619 = arith.index_cast %mul3A_1616 : i32 to index
        %get3A_1620 = tpu.vector_load %arg9[%get3A_1618, %get3A_1619] {strides = array<i32>} : memref<8x4096xf32, #tpu.memory_space<vmem>>, vector<1x16xf32>,
        %get3A_1621 = vector.shape_cast %get3A_1620 : vector<1x16xf32> to vector<16xf32>
        %add3A_1622 = arith.addf %add3A_1526, %get3A_1621 : vector<16xf32>
        %mul3A_1623 = arith.constant 8 : i32
        %mul3A_1624 = arith.muli %scan3A_1002, %mul3A_1623 : i32
        %add3A_1625 = arith.constant 6 : i32
        %add3A_1626 = arith.addi %mul3A_1624, %add3A_1625 : i32
        %mul3A_1627 = arith.constant 16 : i32
        %mul3A_1628 = arith.muli %add3A_1626, %mul3A_1627 : i32
        %get3A_1629 = arith.constant 3 : i32
        %get3A_1630 = arith.index_cast %get3A_1629 : i32 to index
        %get3A_1631 = arith.index_cast %mul3A_1628 : i32 to index
        %get3A_1632 = tpu.vector_load %arg9[%get3A_1630, %get3A_1631] {strides = array<i32>} : memref<8x4096xf32, #tpu.memory_space<vmem>>, vector<1x16xf32>,
        %get3A_1633 = vector.shape_cast %get3A_1632 : vector<1x16xf32> to vector<16xf32>
        %add3A_1634 = arith.addf %add3A_1538, %get3A_1633 : vector<16xf32>
        %mul3A_1635 = arith.constant 8 : i32
        %mul3A_1636 = arith.muli %scan3A_1002, %mul3A_1635 : i32
        %add3A_1637 = arith.constant 6 : i32
        %add3A_1638 = arith.addi %mul3A_1636, %add3A_1637 : i32
        %mul3A_1639 = arith.constant 16 : i32
        %mul3A_1640 = arith.muli %add3A_1638, %mul3A_1639 : i32
        %get3A_1641 = arith.constant 4 : i32
        %get3A_1642 = arith.index_cast %get3A_1641 : i32 to index
        %get3A_1643 = arith.index_cast %mul3A_1640 : i32 to index
        %get3A_1644 = tpu.vector_load %arg9[%get3A_1642, %get3A_1643] {strides = array<i32>} : memref<8x4096xf32, #tpu.memory_space<vmem>>, vector<1x16xf32>,
        %get3A_1645 = vector.shape_cast %get3A_1644 : vector<1x16xf32> to vector<16xf32>
        %add3A_1646 = arith.addf %add3A_1550, %get3A_1645 : vector<16xf32>
        %mul3A_1647 = arith.constant 8 : i32
        %mul3A_1648 = arith.muli %scan3A_1002, %mul3A_1647 : i32
        %add3A_1649 = arith.constant 6 : i32
        %add3A_1650 = arith.addi %mul3A_1648, %add3A_1649 : i32
        %mul3A_1651 = arith.constant 16 : i32
        %mul3A_1652 = arith.muli %add3A_1650, %mul3A_1651 : i32
        %get3A_1653 = arith.constant 5 : i32
        %get3A_1654 = arith.index_cast %get3A_1653 : i32 to index
        %get3A_1655 = arith.index_cast %mul3A_1652 : i32 to index
        %get3A_1656 = tpu.vector_load %arg9[%get3A_1654, %get3A_1655] {strides = array<i32>} : memref<8x4096xf32, #tpu.memory_space<vmem>>, vector<1x16xf32>,
        %get3A_1657 = vector.shape_cast %get3A_1656 : vector<1x16xf32> to vector<16xf32>
        %add3A_1658 = arith.addf %add3A_1562, %get3A_1657 : vector<16xf32>
        %mul3A_1659 = arith.constant 8 : i32
        %mul3A_1660 = arith.muli %scan3A_1002, %mul3A_1659 : i32
        %add3A_1661 = arith.constant 6 : i32
        %add3A_1662 = arith.addi %mul3A_1660, %add3A_1661 : i32
        %mul3A_1663 = arith.constant 16 : i32
        %mul3A_1664 = arith.muli %add3A_1662, %mul3A_1663 : i32
        %get3A_1665 = arith.constant 6 : i32
        %get3A_1666 = arith.index_cast %get3A_1665 : i32 to index
        %get3A_1667 = arith.index_cast %mul3A_1664 : i32 to index
        %get3A_1668 = tpu.vector_load %arg9[%get3A_1666, %get3A_1667] {strides = array<i32>} : memref<8x4096xf32, #tpu.memory_space<vmem>>, vector<1x16xf32>,
        %get3A_1669 = vector.shape_cast %get3A_1668 : vector<1x16xf32> to vector<16xf32>
        %add3A_1670 = arith.addf %add3A_1574, %get3A_1669 : vector<16xf32>
        %mul3A_1671 = arith.constant 8 : i32
        %mul3A_1672 = arith.muli %scan3A_1002, %mul3A_1671 : i32
        %add3A_1673 = arith.constant 6 : i32
        %add3A_1674 = arith.addi %mul3A_1672, %add3A_1673 : i32
        %mul3A_1675 = arith.constant 16 : i32
        %mul3A_1676 = arith.muli %add3A_1674, %mul3A_1675 : i32
        %get3A_1677 = arith.constant 7 : i32
        %get3A_1678 = arith.index_cast %get3A_1677 : i32 to index
        %get3A_1679 = arith.index_cast %mul3A_1676 : i32 to index
        %get3A_1680 = tpu.vector_load %arg9[%get3A_1678, %get3A_1679] {strides = array<i32>} : memref<8x4096xf32, #tpu.memory_space<vmem>>, vector<1x16xf32>,
        %get3A_1681 = vector.shape_cast %get3A_1680 : vector<1x16xf32> to vector<16xf32>
        %add3A_1682 = arith.addf %add3A_1586, %get3A_1681 : vector<16xf32>
        %mul3A_1683 = arith.constant 8 : i32
        %mul3A_1684 = arith.muli %scan3A_1002, %mul3A_1683 : i32
        %add3A_1685 = arith.constant 7 : i32
        %add3A_1686 = arith.addi %mul3A_1684, %add3A_1685 : i32
        %mul3A_1687 = arith.constant 16 : i32
        %mul3A_1688 = arith.muli %add3A_1686, %mul3A_1687 : i32
        %get3A_1689 = arith.constant 0 : i32
        %get3A_1690 = arith.index_cast %get3A_1689 : i32 to index
        %get3A_1691 = arith.index_cast %mul3A_1688 : i32 to index
        %get3A_1692 = tpu.vector_load %arg9[%get3A_1690, %get3A_1691] {strides = array<i32>} : memref<8x4096xf32, #tpu.memory_space<vmem>>, vector<1x16xf32>,
        %get3A_1693 = vector.shape_cast %get3A_1692 : vector<1x16xf32> to vector<16xf32>
        %add3A_1694 = arith.addf %add3A_1598, %get3A_1693 : vector<16xf32>
        %mul3A_1695 = arith.constant 8 : i32
        %mul3A_1696 = arith.muli %scan3A_1002, %mul3A_1695 : i32
        %add3A_1697 = arith.constant 7 : i32
        %add3A_1698 = arith.addi %mul3A_1696, %add3A_1697 : i32
        %mul3A_1699 = arith.constant 16 : i32
        %mul3A_1700 = arith.muli %add3A_1698, %mul3A_1699 : i32
        %get3A_1701 = arith.constant 1 : i32
        %get3A_1702 = arith.index_cast %get3A_1701 : i32 to index
        %get3A_1703 = arith.index_cast %mul3A_1700 : i32 to index
        %get3A_1704 = tpu.vector_load %arg9[%get3A_1702, %get3A_1703] {strides = array<i32>} : memref<8x4096xf32, #tpu.memory_space<vmem>>, vector<1x16xf32>,
        %get3A_1705 = vector.shape_cast %get3A_1704 : vector<1x16xf32> to vector<16xf32>
        %add3A_1706 = arith.addf %add3A_1610, %get3A_1705 : vector<16xf32>
        %mul3A_1707 = arith.constant 8 : i32
        %mul3A_1708 = arith.muli %scan3A_1002, %mul3A_1707 : i32
        %add3A_1709 = arith.constant 7 : i32
        %add3A_1710 = arith.addi %mul3A_1708, %add3A_1709 : i32
        %mul3A_1711 = arith.constant 16 : i32
        %mul3A_1712 = arith.muli %add3A_1710, %mul3A_1711 : i32
        %get3A_1713 = arith.constant 2 : i32
        %get3A_1714 = arith.index_cast %get3A_1713 : i32 to index
        %get3A_1715 = arith.index_cast %mul3A_1712 : i32 to index
        %get3A_1716 = tpu.vector_load %arg9[%get3A_1714, %get3A_1715] {strides = array<i32>} : memref<8x4096xf32, #tpu.memory_space<vmem>>, vector<1x16xf32>,
        %get3A_1717 = vector.shape_cast %get3A_1716 : vector<1x16xf32> to vector<16xf32>
        %add3A_1718 = arith.addf %add3A_1622, %get3A_1717 : vector<16xf32>
        %mul3A_1719 = arith.constant 8 : i32
        %mul3A_1720 = arith.muli %scan3A_1002, %mul3A_1719 : i32
        %add3A_1721 = arith.constant 7 : i32
        %add3A_1722 = arith.addi %mul3A_1720, %add3A_1721 : i32
        %mul3A_1723 = arith.constant 16 : i32
        %mul3A_1724 = arith.muli %add3A_1722, %mul3A_1723 : i32
        %get3A_1725 = arith.constant 3 : i32
        %get3A_1726 = arith.index_cast %get3A_1725 : i32 to index
        %get3A_1727 = arith.index_cast %mul3A_1724 : i32 to index
        %get3A_1728 = tpu.vector_load %arg9[%get3A_1726, %get3A_1727] {strides = array<i32>} : memref<8x4096xf32, #tpu.memory_space<vmem>>, vector<1x16xf32>,
        %get3A_1729 = vector.shape_cast %get3A_1728 : vector<1x16xf32> to vector<16xf32>
        %add3A_1730 = arith.addf %add3A_1634, %get3A_1729 : vector<16xf32>
        %mul3A_1731 = arith.constant 8 : i32
        %mul3A_1732 = arith.muli %scan3A_1002, %mul3A_1731 : i32
        %add3A_1733 = arith.constant 7 : i32
        %add3A_1734 = arith.addi %mul3A_1732, %add3A_1733 : i32
        %mul3A_1735 = arith.constant 16 : i32
        %mul3A_1736 = arith.muli %add3A_1734, %mul3A_1735 : i32
        %get3A_1737 = arith.constant 4 : i32
        %get3A_1738 = arith.index_cast %get3A_1737 : i32 to index
        %get3A_1739 = arith.index_cast %mul3A_1736 : i32 to index
        %get3A_1740 = tpu.vector_load %arg9[%get3A_1738, %get3A_1739] {strides = array<i32>} : memref<8x4096xf32, #tpu.memory_space<vmem>>, vector<1x16xf32>,
        %get3A_1741 = vector.shape_cast %get3A_1740 : vector<1x16xf32> to vector<16xf32>
        %add3A_1742 = arith.addf %add3A_1646, %get3A_1741 : vector<16xf32>
        %mul3A_1743 = arith.constant 8 : i32
        %mul3A_1744 = arith.muli %scan3A_1002, %mul3A_1743 : i32
        %add3A_1745 = arith.constant 7 : i32
        %add3A_1746 = arith.addi %mul3A_1744, %add3A_1745 : i32
        %mul3A_1747 = arith.constant 16 : i32
        %mul3A_1748 = arith.muli %add3A_1746, %mul3A_1747 : i32
        %get3A_1749 = arith.constant 5 : i32
        %get3A_1750 = arith.index_cast %get3A_1749 : i32 to index
        %get3A_1751 = arith.index_cast %mul3A_1748 : i32 to index
        %get3A_1752 = tpu.vector_load %arg9[%get3A_1750, %get3A_1751] {strides = array<i32>} : memref<8x4096xf32, #tpu.memory_space<vmem>>, vector<1x16xf32>,
        %get3A_1753 = vector.shape_cast %get3A_1752 : vector<1x16xf32> to vector<16xf32>
        %add3A_1754 = arith.addf %add3A_1658, %get3A_1753 : vector<16xf32>
        %mul3A_1755 = arith.constant 8 : i32
        %mul3A_1756 = arith.muli %scan3A_1002, %mul3A_1755 : i32
        %add3A_1757 = arith.constant 7 : i32
        %add3A_1758 = arith.addi %mul3A_1756, %add3A_1757 : i32
        %mul3A_1759 = arith.constant 16 : i32
        %mul3A_1760 = arith.muli %add3A_1758, %mul3A_1759 : i32
        %get3A_1761 = arith.constant 6 : i32
        %get3A_1762 = arith.index_cast %get3A_1761 : i32 to index
        %get3A_1763 = arith.index_cast %mul3A_1760 : i32 to index
        %get3A_1764 = tpu.vector_load %arg9[%get3A_1762, %get3A_1763] {strides = array<i32>} : memref<8x4096xf32, #tpu.memory_space<vmem>>, vector<1x16xf32>,
        %get3A_1765 = vector.shape_cast %get3A_1764 : vector<1x16xf32> to vector<16xf32>
        %add3A_1766 = arith.addf %add3A_1670, %get3A_1765 : vector<16xf32>
        %mul3A_1767 = arith.constant 8 : i32
        %mul3A_1768 = arith.muli %scan3A_1002, %mul3A_1767 : i32
        %add3A_1769 = arith.constant 7 : i32
        %add3A_1770 = arith.addi %mul3A_1768, %add3A_1769 : i32
        %mul3A_1771 = arith.constant 16 : i32
        %mul3A_1772 = arith.muli %add3A_1770, %mul3A_1771 : i32
        %get3A_1773 = arith.constant 7 : i32
        %get3A_1774 = arith.index_cast %get3A_1773 : i32 to index
        %get3A_1775 = arith.index_cast %mul3A_1772 : i32 to index
        %get3A_1776 = tpu.vector_load %arg9[%get3A_1774, %get3A_1775] {strides = array<i32>} : memref<8x4096xf32, #tpu.memory_space<vmem>>, vector<1x16xf32>,
        %get3A_1777 = vector.shape_cast %get3A_1776 : vector<1x16xf32> to vector<16xf32>
        %add3A_1778 = arith.addf %add3A_1682, %get3A_1777 : vector<16xf32>
        scf.yield %add3A_1694, %add3A_1706, %add3A_1718, %add3A_1730, %add3A_1742, %add3A_1754, %add3A_1766, %add3A_1778 : vector<16xf32>, vector<16xf32>, vector<16xf32>, vector<16xf32>, vector<16xf32>, vector<16xf32>, vector<16xf32>, vector<16xf32>
      }
      %scan3A_609 = arith.constant 31 : i32
      %get3A_610 = arith.constant 0 : i32
      %get3A_611 = arith.index_cast %get3A_610 : i32 to index
      %get3A_612 = arith.constant 16 : index
      %get3A_613 = tpu.vector_load %arg9[%get3A_611, %get3A_612] {strides = array<i32>} : memref<8x4096xf32, #tpu.memory_space<vmem>>, vector<1x16xf32>,
      %get3A_614 = vector.shape_cast %get3A_613 : vector<1x16xf32> to vector<16xf32>
      %add3A_615 = arith.addf %scan3A_608#0, %get3A_614 : vector<16xf32>
      %get3A_616 = arith.constant 1 : i32
      %get3A_617 = arith.index_cast %get3A_616 : i32 to index
      %get3A_618 = arith.constant 16 : index
      %get3A_619 = tpu.vector_load %arg9[%get3A_617, %get3A_618] {strides = array<i32>} : memref<8x4096xf32, #tpu.memory_space<vmem>>, vector<1x16xf32>,
      %get3A_620 = vector.shape_cast %get3A_619 : vector<1x16xf32> to vector<16xf32>
      %add3A_621 = arith.addf %scan3A_608#1, %get3A_620 : vector<16xf32>
      %get3A_622 = arith.constant 2 : i32
      %get3A_623 = arith.index_cast %get3A_622 : i32 to index
      %get3A_624 = arith.constant 16 : index
      %get3A_625 = tpu.vector_load %arg9[%get3A_623, %get3A_624] {strides = array<i32>} : memref<8x4096xf32, #tpu.memory_space<vmem>>, vector<1x16xf32>,
      %get3A_626 = vector.shape_cast %get3A_625 : vector<1x16xf32> to vector<16xf32>
      %add3A_627 = arith.addf %scan3A_608#2, %get3A_626 : vector<16xf32>
      %get3A_628 = arith.constant 3 : i32
      %get3A_629 = arith.index_cast %get3A_628 : i32 to index
      %get3A_630 = arith.constant 16 : index
      %get3A_631 = tpu.vector_load %arg9[%get3A_629, %get3A_630] {strides = array<i32>} : memref<8x4096xf32, #tpu.memory_space<vmem>>, vector<1x16xf32>,
      %get3A_632 = vector.shape_cast %get3A_631 : vector<1x16xf32> to vector<16xf32>
      %add3A_633 = arith.addf %scan3A_608#3, %get3A_632 : vector<16xf32>
      %get3A_634 = arith.constant 4 : i32
      %get3A_635 = arith.index_cast %get3A_634 : i32 to index
      %get3A_636 = arith.constant 16 : index
      %get3A_637 = tpu.vector_load %arg9[%get3A_635, %get3A_636] {strides = array<i32>} : memref<8x4096xf32, #tpu.memory_space<vmem>>, vector<1x16xf32>,
      %get3A_638 = vector.shape_cast %get3A_637 : vector<1x16xf32> to vector<16xf32>
      %add3A_639 = arith.addf %scan3A_608#4, %get3A_638 : vector<16xf32>
      %get3A_640 = arith.constant 5 : i32
      %get3A_641 = arith.index_cast %get3A_640 : i32 to index
      %get3A_642 = arith.constant 16 : index
      %get3A_643 = tpu.vector_load %arg9[%get3A_641, %get3A_642] {strides = array<i32>} : memref<8x4096xf32, #tpu.memory_space<vmem>>, vector<1x16xf32>,
      %get3A_644 = vector.shape_cast %get3A_643 : vector<1x16xf32> to vector<16xf32>
      %add3A_645 = arith.addf %scan3A_608#5, %get3A_644 : vector<16xf32>
      %get3A_646 = arith.constant 6 : i32
      %get3A_647 = arith.index_cast %get3A_646 : i32 to index
      %get3A_648 = arith.constant 16 : index
      %get3A_649 = tpu.vector_load %arg9[%get3A_647, %get3A_648] {strides = array<i32>} : memref<8x4096xf32, #tpu.memory_space<vmem>>, vector<1x16xf32>,
      %get3A_650 = vector.shape_cast %get3A_649 : vector<1x16xf32> to vector<16xf32>
      %add3A_651 = arith.addf %scan3A_608#6, %get3A_650 : vector<16xf32>
      %get3A_652 = arith.constant 7 : i32
      %get3A_653 = arith.index_cast %get3A_652 : i32 to index
      %get3A_654 = arith.constant 16 : index
      %get3A_655 = tpu.vector_load %arg9[%get3A_653, %get3A_654] {strides = array<i32>} : memref<8x4096xf32, #tpu.memory_space<vmem>>, vector<1x16xf32>,
      %get3A_656 = vector.shape_cast %get3A_655 : vector<1x16xf32> to vector<16xf32>
      %add3A_657 = arith.addf %scan3A_608#7, %get3A_656 : vector<16xf32>
      %get3A_658 = arith.constant 0 : i32
      %get3A_659 = arith.index_cast %get3A_658 : i32 to index
      %get3A_660 = arith.constant 32 : index
      %get3A_661 = tpu.vector_load %arg9[%get3A_659, %get3A_660] {strides = array<i32>} : memref<8x4096xf32, #tpu.memory_space<vmem>>, vector<1x16xf32>,
      %get3A_662 = vector.shape_cast %get3A_661 : vector<1x16xf32> to vector<16xf32>
      %add3A_663 = arith.addf %add3A_615, %get3A_662 : vector<16xf32>
      %get3A_664 = arith.constant 1 : i32
      %get3A_665 = arith.index_cast %get3A_664 : i32 to index
      %get3A_666 = arith.constant 32 : index
      %get3A_667 = tpu.vector_load %arg9[%get3A_665, %get3A_666] {strides = array<i32>} : memref<8x4096xf32, #tpu.memory_space<vmem>>, vector<1x16xf32>,
      %get3A_668 = vector.shape_cast %get3A_667 : vector<1x16xf32> to vector<16xf32>
      %add3A_669 = arith.addf %add3A_621, %get3A_668 : vector<16xf32>
      %get3A_670 = arith.constant 2 : i32
      %get3A_671 = arith.index_cast %get3A_670 : i32 to index
      %get3A_672 = arith.constant 32 : index
      %get3A_673 = tpu.vector_load %arg9[%get3A_671, %get3A_672] {strides = array<i32>} : memref<8x4096xf32, #tpu.memory_space<vmem>>, vector<1x16xf32>,
      %get3A_674 = vector.shape_cast %get3A_673 : vector<1x16xf32> to vector<16xf32>
      %add3A_675 = arith.addf %add3A_627, %get3A_674 : vector<16xf32>
      %get3A_676 = arith.constant 3 : i32
      %get3A_677 = arith.index_cast %get3A_676 : i32 to index
      %get3A_678 = arith.constant 32 : index
      %get3A_679 = tpu.vector_load %arg9[%get3A_677, %get3A_678] {strides = array<i32>} : memref<8x4096xf32, #tpu.memory_space<vmem>>, vector<1x16xf32>,
      %get3A_680 = vector.shape_cast %get3A_679 : vector<1x16xf32> to vector<16xf32>
      %add3A_681 = arith.addf %add3A_633, %get3A_680 : vector<16xf32>
      %get3A_682 = arith.constant 4 : i32
      %get3A_683 = arith.index_cast %get3A_682 : i32 to index
      %get3A_684 = arith.constant 32 : index
      %get3A_685 = tpu.vector_load %arg9[%get3A_683, %get3A_684] {strides = array<i32>} : memref<8x4096xf32, #tpu.memory_space<vmem>>, vector<1x16xf32>,
      %get3A_686 = vector.shape_cast %get3A_685 : vector<1x16xf32> to vector<16xf32>
      %add3A_687 = arith.addf %add3A_639, %get3A_686 : vector<16xf32>
      %get3A_688 = arith.constant 5 : i32
      %get3A_689 = arith.index_cast %get3A_688 : i32 to index
      %get3A_690 = arith.constant 32 : index
      %get3A_691 = tpu.vector_load %arg9[%get3A_689, %get3A_690] {strides = array<i32>} : memref<8x4096xf32, #tpu.memory_space<vmem>>, vector<1x16xf32>,
      %get3A_692 = vector.shape_cast %get3A_691 : vector<1x16xf32> to vector<16xf32>
      %add3A_693 = arith.addf %add3A_645, %get3A_692 : vector<16xf32>
      %get3A_694 = arith.constant 6 : i32
      %get3A_695 = arith.index_cast %get3A_694 : i32 to index
      %get3A_696 = arith.constant 32 : index
      %get3A_697 = tpu.vector_load %arg9[%get3A_695, %get3A_696] {strides = array<i32>} : memref<8x4096xf32, #tpu.memory_space<vmem>>, vector<1x16xf32>,
      %get3A_698 = vector.shape_cast %get3A_697 : vector<1x16xf32> to vector<16xf32>
      %add3A_699 = arith.addf %add3A_651, %get3A_698 : vector<16xf32>
      %get3A_700 = arith.constant 7 : i32
      %get3A_701 = arith.index_cast %get3A_700 : i32 to index
      %get3A_702 = arith.constant 32 : index
      %get3A_703 = tpu.vector_load %arg9[%get3A_701, %get3A_702] {strides = array<i32>} : memref<8x4096xf32, #tpu.memory_space<vmem>>, vector<1x16xf32>,
      %get3A_704 = vector.shape_cast %get3A_703 : vector<1x16xf32> to vector<16xf32>
      %add3A_705 = arith.addf %add3A_657, %get3A_704 : vector<16xf32>
      %get3A_706 = arith.constant 0 : i32
      %get3A_707 = arith.index_cast %get3A_706 : i32 to index
      %get3A_708 = arith.constant 48 : index
      %get3A_709 = tpu.vector_load %arg9[%get3A_707, %get3A_708] {strides = array<i32>} : memref<8x4096xf32, #tpu.memory_space<vmem>>, vector<1x16xf32>,
      %get3A_710 = vector.shape_cast %get3A_709 : vector<1x16xf32> to vector<16xf32>
      %add3A_711 = arith.addf %add3A_663, %get3A_710 : vector<16xf32>
      %get3A_712 = arith.constant 1 : i32
      %get3A_713 = arith.index_cast %get3A_712 : i32 to index
      %get3A_714 = arith.constant 48 : index
      %get3A_715 = tpu.vector_load %arg9[%get3A_713, %get3A_714] {strides = array<i32>} : memref<8x4096xf32, #tpu.memory_space<vmem>>, vector<1x16xf32>,
      %get3A_716 = vector.shape_cast %get3A_715 : vector<1x16xf32> to vector<16xf32>
      %add3A_717 = arith.addf %add3A_669, %get3A_716 : vector<16xf32>
      %get3A_718 = arith.constant 2 : i32
      %get3A_719 = arith.index_cast %get3A_718 : i32 to index
      %get3A_720 = arith.constant 48 : index
      %get3A_721 = tpu.vector_load %arg9[%get3A_719, %get3A_720] {strides = array<i32>} : memref<8x4096xf32, #tpu.memory_space<vmem>>, vector<1x16xf32>,
      %get3A_722 = vector.shape_cast %get3A_721 : vector<1x16xf32> to vector<16xf32>
      %add3A_723 = arith.addf %add3A_675, %get3A_722 : vector<16xf32>
      %get3A_724 = arith.constant 3 : i32
      %get3A_725 = arith.index_cast %get3A_724 : i32 to index
      %get3A_726 = arith.constant 48 : index
      %get3A_727 = tpu.vector_load %arg9[%get3A_725, %get3A_726] {strides = array<i32>} : memref<8x4096xf32, #tpu.memory_space<vmem>>, vector<1x16xf32>,
      %get3A_728 = vector.shape_cast %get3A_727 : vector<1x16xf32> to vector<16xf32>
      %add3A_729 = arith.addf %add3A_681, %get3A_728 : vector<16xf32>
      %get3A_730 = arith.constant 4 : i32
      %get3A_731 = arith.index_cast %get3A_730 : i32 to index
      %get3A_732 = arith.constant 48 : index
      %get3A_733 = tpu.vector_load %arg9[%get3A_731, %get3A_732] {strides = array<i32>} : memref<8x4096xf32, #tpu.memory_space<vmem>>, vector<1x16xf32>,
      %get3A_734 = vector.shape_cast %get3A_733 : vector<1x16xf32> to vector<16xf32>
      %add3A_735 = arith.addf %add3A_687, %get3A_734 : vector<16xf32>
      %get3A_736 = arith.constant 5 : i32
      %get3A_737 = arith.index_cast %get3A_736 : i32 to index
      %get3A_738 = arith.constant 48 : index
      %get3A_739 = tpu.vector_load %arg9[%get3A_737, %get3A_738] {strides = array<i32>} : memref<8x4096xf32, #tpu.memory_space<vmem>>, vector<1x16xf32>,
      %get3A_740 = vector.shape_cast %get3A_739 : vector<1x16xf32> to vector<16xf32>
      %add3A_741 = arith.addf %add3A_693, %get3A_740 : vector<16xf32>
      %get3A_742 = arith.constant 6 : i32
      %get3A_743 = arith.index_cast %get3A_742 : i32 to index
      %get3A_744 = arith.constant 48 : index
      %get3A_745 = tpu.vector_load %arg9[%get3A_743, %get3A_744] {strides = array<i32>} : memref<8x4096xf32, #tpu.memory_space<vmem>>, vector<1x16xf32>,
      %get3A_746 = vector.shape_cast %get3A_745 : vector<1x16xf32> to vector<16xf32>
      %add3A_747 = arith.addf %add3A_699, %get3A_746 : vector<16xf32>
      %get3A_748 = arith.constant 7 : i32
      %get3A_749 = arith.index_cast %get3A_748 : i32 to index
      %get3A_750 = arith.constant 48 : index
      %get3A_751 = tpu.vector_load %arg9[%get3A_749, %get3A_750] {strides = array<i32>} : memref<8x4096xf32, #tpu.memory_space<vmem>>, vector<1x16xf32>,
      %get3A_752 = vector.shape_cast %get3A_751 : vector<1x16xf32> to vector<16xf32>
      %add3A_753 = arith.addf %add3A_705, %get3A_752 : vector<16xf32>
      %get3A_754 = arith.constant 0 : i32
      %get3A_755 = arith.index_cast %get3A_754 : i32 to index
      %get3A_756 = arith.constant 64 : index
      %get3A_757 = tpu.vector_load %arg9[%get3A_755, %get3A_756] {strides = array<i32>} : memref<8x4096xf32, #tpu.memory_space<vmem>>, vector<1x16xf32>,
      %get3A_758 = vector.shape_cast %get3A_757 : vector<1x16xf32> to vector<16xf32>
      %add3A_759 = arith.addf %add3A_711, %get3A_758 : vector<16xf32>
      %get3A_760 = arith.constant 1 : i32
      %get3A_761 = arith.index_cast %get3A_760 : i32 to index
      %get3A_762 = arith.constant 64 : index
      %get3A_763 = tpu.vector_load %arg9[%get3A_761, %get3A_762] {strides = array<i32>} : memref<8x4096xf32, #tpu.memory_space<vmem>>, vector<1x16xf32>,
      %get3A_764 = vector.shape_cast %get3A_763 : vector<1x16xf32> to vector<16xf32>
      %add3A_765 = arith.addf %add3A_717, %get3A_764 : vector<16xf32>
      %get3A_766 = arith.constant 2 : i32
      %get3A_767 = arith.index_cast %get3A_766 : i32 to index
      %get3A_768 = arith.constant 64 : index
      %get3A_769 = tpu.vector_load %arg9[%get3A_767, %get3A_768] {strides = array<i32>} : memref<8x4096xf32, #tpu.memory_space<vmem>>, vector<1x16xf32>,
      %get3A_770 = vector.shape_cast %get3A_769 : vector<1x16xf32> to vector<16xf32>
      %add3A_771 = arith.addf %add3A_723, %get3A_770 : vector<16xf32>
      %get3A_772 = arith.constant 3 : i32
      %get3A_773 = arith.index_cast %get3A_772 : i32 to index
      %get3A_774 = arith.constant 64 : index
      %get3A_775 = tpu.vector_load %arg9[%get3A_773, %get3A_774] {strides = array<i32>} : memref<8x4096xf32, #tpu.memory_space<vmem>>, vector<1x16xf32>,
      %get3A_776 = vector.shape_cast %get3A_775 : vector<1x16xf32> to vector<16xf32>
      %add3A_777 = arith.addf %add3A_729, %get3A_776 : vector<16xf32>
      %get3A_778 = arith.constant 4 : i32
      %get3A_779 = arith.index_cast %get3A_778 : i32 to index
      %get3A_780 = arith.constant 64 : index
      %get3A_781 = tpu.vector_load %arg9[%get3A_779, %get3A_780] {strides = array<i32>} : memref<8x4096xf32, #tpu.memory_space<vmem>>, vector<1x16xf32>,
      %get3A_782 = vector.shape_cast %get3A_781 : vector<1x16xf32> to vector<16xf32>
      %add3A_783 = arith.addf %add3A_735, %get3A_782 : vector<16xf32>
      %get3A_784 = arith.constant 5 : i32
      %get3A_785 = arith.index_cast %get3A_784 : i32 to index
      %get3A_786 = arith.constant 64 : index
      %get3A_787 = tpu.vector_load %arg9[%get3A_785, %get3A_786] {strides = array<i32>} : memref<8x4096xf32, #tpu.memory_space<vmem>>, vector<1x16xf32>,
      %get3A_788 = vector.shape_cast %get3A_787 : vector<1x16xf32> to vector<16xf32>
      %add3A_789 = arith.addf %add3A_741, %get3A_788 : vector<16xf32>
      %get3A_790 = arith.constant 6 : i32
      %get3A_791 = arith.index_cast %get3A_790 : i32 to index
      %get3A_792 = arith.constant 64 : index
      %get3A_793 = tpu.vector_load %arg9[%get3A_791, %get3A_792] {strides = array<i32>} : memref<8x4096xf32, #tpu.memory_space<vmem>>, vector<1x16xf32>,
      %get3A_794 = vector.shape_cast %get3A_793 : vector<1x16xf32> to vector<16xf32>
      %add3A_795 = arith.addf %add3A_747, %get3A_794 : vector<16xf32>
      %get3A_796 = arith.constant 7 : i32
      %get3A_797 = arith.index_cast %get3A_796 : i32 to index
      %get3A_798 = arith.constant 64 : index
      %get3A_799 = tpu.vector_load %arg9[%get3A_797, %get3A_798] {strides = array<i32>} : memref<8x4096xf32, #tpu.memory_space<vmem>>, vector<1x16xf32>,
      %get3A_800 = vector.shape_cast %get3A_799 : vector<1x16xf32> to vector<16xf32>
      %add3A_801 = arith.addf %add3A_753, %get3A_800 : vector<16xf32>
      %get3A_802 = arith.constant 0 : i32
      %get3A_803 = arith.index_cast %get3A_802 : i32 to index
      %get3A_804 = arith.constant 80 : index
      %get3A_805 = tpu.vector_load %arg9[%get3A_803, %get3A_804] {strides = array<i32>} : memref<8x4096xf32, #tpu.memory_space<vmem>>, vector<1x16xf32>,
      %get3A_806 = vector.shape_cast %get3A_805 : vector<1x16xf32> to vector<16xf32>
      %add3A_807 = arith.addf %add3A_759, %get3A_806 : vector<16xf32>
      %get3A_808 = arith.constant 1 : i32
      %get3A_809 = arith.index_cast %get3A_808 : i32 to index
      %get3A_810 = arith.constant 80 : index
      %get3A_811 = tpu.vector_load %arg9[%get3A_809, %get3A_810] {strides = array<i32>} : memref<8x4096xf32, #tpu.memory_space<vmem>>, vector<1x16xf32>,
      %get3A_812 = vector.shape_cast %get3A_811 : vector<1x16xf32> to vector<16xf32>
      %add3A_813 = arith.addf %add3A_765, %get3A_812 : vector<16xf32>
      %get3A_814 = arith.constant 2 : i32
      %get3A_815 = arith.index_cast %get3A_814 : i32 to index
      %get3A_816 = arith.constant 80 : index
      %get3A_817 = tpu.vector_load %arg9[%get3A_815, %get3A_816] {strides = array<i32>} : memref<8x4096xf32, #tpu.memory_space<vmem>>, vector<1x16xf32>,
      %get3A_818 = vector.shape_cast %get3A_817 : vector<1x16xf32> to vector<16xf32>
      %add3A_819 = arith.addf %add3A_771, %get3A_818 : vector<16xf32>
      %get3A_820 = arith.constant 3 : i32
      %get3A_821 = arith.index_cast %get3A_820 : i32 to index
      %get3A_822 = arith.constant 80 : index
      %get3A_823 = tpu.vector_load %arg9[%get3A_821, %get3A_822] {strides = array<i32>} : memref<8x4096xf32, #tpu.memory_space<vmem>>, vector<1x16xf32>,
      %get3A_824 = vector.shape_cast %get3A_823 : vector<1x16xf32> to vector<16xf32>
      %add3A_825 = arith.addf %add3A_777, %get3A_824 : vector<16xf32>
      %get3A_826 = arith.constant 4 : i32
      %get3A_827 = arith.index_cast %get3A_826 : i32 to index
      %get3A_828 = arith.constant 80 : index
      %get3A_829 = tpu.vector_load %arg9[%get3A_827, %get3A_828] {strides = array<i32>} : memref<8x4096xf32, #tpu.memory_space<vmem>>, vector<1x16xf32>,
      %get3A_830 = vector.shape_cast %get3A_829 : vector<1x16xf32> to vector<16xf32>
      %add3A_831 = arith.addf %add3A_783, %get3A_830 : vector<16xf32>
      %get3A_832 = arith.constant 5 : i32
      %get3A_833 = arith.index_cast %get3A_832 : i32 to index
      %get3A_834 = arith.constant 80 : index
      %get3A_835 = tpu.vector_load %arg9[%get3A_833, %get3A_834] {strides = array<i32>} : memref<8x4096xf32, #tpu.memory_space<vmem>>, vector<1x16xf32>,
      %get3A_836 = vector.shape_cast %get3A_835 : vector<1x16xf32> to vector<16xf32>
      %add3A_837 = arith.addf %add3A_789, %get3A_836 : vector<16xf32>
      %get3A_838 = arith.constant 6 : i32
      %get3A_839 = arith.index_cast %get3A_838 : i32 to index
      %get3A_840 = arith.constant 80 : index
      %get3A_841 = tpu.vector_load %arg9[%get3A_839, %get3A_840] {strides = array<i32>} : memref<8x4096xf32, #tpu.memory_space<vmem>>, vector<1x16xf32>,
      %get3A_842 = vector.shape_cast %get3A_841 : vector<1x16xf32> to vector<16xf32>
      %add3A_843 = arith.addf %add3A_795, %get3A_842 : vector<16xf32>
      %get3A_844 = arith.constant 7 : i32
      %get3A_845 = arith.index_cast %get3A_844 : i32 to index
      %get3A_846 = arith.constant 80 : index
      %get3A_847 = tpu.vector_load %arg9[%get3A_845, %get3A_846] {strides = array<i32>} : memref<8x4096xf32, #tpu.memory_space<vmem>>, vector<1x16xf32>,
      %get3A_848 = vector.shape_cast %get3A_847 : vector<1x16xf32> to vector<16xf32>
      %add3A_849 = arith.addf %add3A_801, %get3A_848 : vector<16xf32>
      %get3A_850 = arith.constant 0 : i32
      %get3A_851 = arith.index_cast %get3A_850 : i32 to index
      %get3A_852 = arith.constant 96 : index
      %get3A_853 = tpu.vector_load %arg9[%get3A_851, %get3A_852] {strides = array<i32>} : memref<8x4096xf32, #tpu.memory_space<vmem>>, vector<1x16xf32>,
      %get3A_854 = vector.shape_cast %get3A_853 : vector<1x16xf32> to vector<16xf32>
      %add3A_855 = arith.addf %add3A_807, %get3A_854 : vector<16xf32>
      %get3A_856 = arith.constant 1 : i32
      %get3A_857 = arith.index_cast %get3A_856 : i32 to index
      %get3A_858 = arith.constant 96 : index
      %get3A_859 = tpu.vector_load %arg9[%get3A_857, %get3A_858] {strides = array<i32>} : memref<8x4096xf32, #tpu.memory_space<vmem>>, vector<1x16xf32>,
      %get3A_860 = vector.shape_cast %get3A_859 : vector<1x16xf32> to vector<16xf32>
      %add3A_861 = arith.addf %add3A_813, %get3A_860 : vector<16xf32>
      %get3A_862 = arith.constant 2 : i32
      %get3A_863 = arith.index_cast %get3A_862 : i32 to index
      %get3A_864 = arith.constant 96 : index
      %get3A_865 = tpu.vector_load %arg9[%get3A_863, %get3A_864] {strides = array<i32>} : memref<8x4096xf32, #tpu.memory_space<vmem>>, vector<1x16xf32>,
      %get3A_866 = vector.shape_cast %get3A_865 : vector<1x16xf32> to vector<16xf32>
      %add3A_867 = arith.addf %add3A_819, %get3A_866 : vector<16xf32>
      %get3A_868 = arith.constant 3 : i32
      %get3A_869 = arith.index_cast %get3A_868 : i32 to index
      %get3A_870 = arith.constant 96 : index
      %get3A_871 = tpu.vector_load %arg9[%get3A_869, %get3A_870] {strides = array<i32>} : memref<8x4096xf32, #tpu.memory_space<vmem>>, vector<1x16xf32>,
      %get3A_872 = vector.shape_cast %get3A_871 : vector<1x16xf32> to vector<16xf32>
      %add3A_873 = arith.addf %add3A_825, %get3A_872 : vector<16xf32>
      %get3A_874 = arith.constant 4 : i32
      %get3A_875 = arith.index_cast %get3A_874 : i32 to index
      %get3A_876 = arith.constant 96 : index
      %get3A_877 = tpu.vector_load %arg9[%get3A_875, %get3A_876] {strides = array<i32>} : memref<8x4096xf32, #tpu.memory_space<vmem>>, vector<1x16xf32>,
      %get3A_878 = vector.shape_cast %get3A_877 : vector<1x16xf32> to vector<16xf32>
      %add3A_879 = arith.addf %add3A_831, %get3A_878 : vector<16xf32>
      %get3A_880 = arith.constant 5 : i32
      %get3A_881 = arith.index_cast %get3A_880 : i32 to index
      %get3A_882 = arith.constant 96 : index
      %get3A_883 = tpu.vector_load %arg9[%get3A_881, %get3A_882] {strides = array<i32>} : memref<8x4096xf32, #tpu.memory_space<vmem>>, vector<1x16xf32>,
      %get3A_884 = vector.shape_cast %get3A_883 : vector<1x16xf32> to vector<16xf32>
      %add3A_885 = arith.addf %add3A_837, %get3A_884 : vector<16xf32>
      %get3A_886 = arith.constant 6 : i32
      %get3A_887 = arith.index_cast %get3A_886 : i32 to index
      %get3A_888 = arith.constant 96 : index
      %get3A_889 = tpu.vector_load %arg9[%get3A_887, %get3A_888] {strides = array<i32>} : memref<8x4096xf32, #tpu.memory_space<vmem>>, vector<1x16xf32>,
      %get3A_890 = vector.shape_cast %get3A_889 : vector<1x16xf32> to vector<16xf32>
      %add3A_891 = arith.addf %add3A_843, %get3A_890 : vector<16xf32>
      %get3A_892 = arith.constant 7 : i32
      %get3A_893 = arith.index_cast %get3A_892 : i32 to index
      %get3A_894 = arith.constant 96 : index
      %get3A_895 = tpu.vector_load %arg9[%get3A_893, %get3A_894] {strides = array<i32>} : memref<8x4096xf32, #tpu.memory_space<vmem>>, vector<1x16xf32>,
      %get3A_896 = vector.shape_cast %get3A_895 : vector<1x16xf32> to vector<16xf32>
      %add3A_897 = arith.addf %add3A_849, %get3A_896 : vector<16xf32>
      %get3A_898 = arith.constant 0 : i32
      %get3A_899 = arith.index_cast %get3A_898 : i32 to index
      %get3A_900 = arith.constant 112 : index
      %get3A_901 = tpu.vector_load %arg9[%get3A_899, %get3A_900] {strides = array<i32>} : memref<8x4096xf32, #tpu.memory_space<vmem>>, vector<1x16xf32>,
      %get3A_902 = vector.shape_cast %get3A_901 : vector<1x16xf32> to vector<16xf32>
      %add3A_903 = arith.addf %add3A_855, %get3A_902 : vector<16xf32>
      %get3A_904 = arith.constant 1 : i32
      %get3A_905 = arith.index_cast %get3A_904 : i32 to index
      %get3A_906 = arith.constant 112 : index
      %get3A_907 = tpu.vector_load %arg9[%get3A_905, %get3A_906] {strides = array<i32>} : memref<8x4096xf32, #tpu.memory_space<vmem>>, vector<1x16xf32>,
      %get3A_908 = vector.shape_cast %get3A_907 : vector<1x16xf32> to vector<16xf32>
      %add3A_909 = arith.addf %add3A_861, %get3A_908 : vector<16xf32>
      %get3A_910 = arith.constant 2 : i32
      %get3A_911 = arith.index_cast %get3A_910 : i32 to index
      %get3A_912 = arith.constant 112 : index
      %get3A_913 = tpu.vector_load %arg9[%get3A_911, %get3A_912] {strides = array<i32>} : memref<8x4096xf32, #tpu.memory_space<vmem>>, vector<1x16xf32>,
      %get3A_914 = vector.shape_cast %get3A_913 : vector<1x16xf32> to vector<16xf32>
      %add3A_915 = arith.addf %add3A_867, %get3A_914 : vector<16xf32>
      %get3A_916 = arith.constant 3 : i32
      %get3A_917 = arith.index_cast %get3A_916 : i32 to index
      %get3A_918 = arith.constant 112 : index
      %get3A_919 = tpu.vector_load %arg9[%get3A_917, %get3A_918] {strides = array<i32>} : memref<8x4096xf32, #tpu.memory_space<vmem>>, vector<1x16xf32>,
      %get3A_920 = vector.shape_cast %get3A_919 : vector<1x16xf32> to vector<16xf32>
      %add3A_921 = arith.addf %add3A_873, %get3A_920 : vector<16xf32>
      %get3A_922 = arith.constant 4 : i32
      %get3A_923 = arith.index_cast %get3A_922 : i32 to index
      %get3A_924 = arith.constant 112 : index
      %get3A_925 = tpu.vector_load %arg9[%get3A_923, %get3A_924] {strides = array<i32>} : memref<8x4096xf32, #tpu.memory_space<vmem>>, vector<1x16xf32>,
      %get3A_926 = vector.shape_cast %get3A_925 : vector<1x16xf32> to vector<16xf32>
      %add3A_927 = arith.addf %add3A_879, %get3A_926 : vector<16xf32>
      %get3A_928 = arith.constant 5 : i32
      %get3A_929 = arith.index_cast %get3A_928 : i32 to index
      %get3A_930 = arith.constant 112 : index
      %get3A_931 = tpu.vector_load %arg9[%get3A_929, %get3A_930] {strides = array<i32>} : memref<8x4096xf32, #tpu.memory_space<vmem>>, vector<1x16xf32>,
      %get3A_932 = vector.shape_cast %get3A_931 : vector<1x16xf32> to vector<16xf32>
      %add3A_933 = arith.addf %add3A_885, %get3A_932 : vector<16xf32>
      %get3A_934 = arith.constant 6 : i32
      %get3A_935 = arith.index_cast %get3A_934 : i32 to index
      %get3A_936 = arith.constant 112 : index
      %get3A_937 = tpu.vector_load %arg9[%get3A_935, %get3A_936] {strides = array<i32>} : memref<8x4096xf32, #tpu.memory_space<vmem>>, vector<1x16xf32>,
      %get3A_938 = vector.shape_cast %get3A_937 : vector<1x16xf32> to vector<16xf32>
      %add3A_939 = arith.addf %add3A_891, %get3A_938 : vector<16xf32>
      %get3A_940 = arith.constant 7 : i32
      %get3A_941 = arith.index_cast %get3A_940 : i32 to index
      %get3A_942 = arith.constant 112 : index
      %get3A_943 = tpu.vector_load %arg9[%get3A_941, %get3A_942] {strides = array<i32>} : memref<8x4096xf32, #tpu.memory_space<vmem>>, vector<1x16xf32>,
      %get3A_944 = vector.shape_cast %get3A_943 : vector<1x16xf32> to vector<16xf32>
      %add3A_945 = arith.addf %add3A_897, %get3A_944 : vector<16xf32>
      %swap3A_946 = arith.constant 0 : i32
      %swap3A_947 = arith.index_cast %swap3A_946 : i32 to index
      %swap3A_948 = arith.constant 0 : index
      %swap3A_949 = tpu.vector_load %arg10[%swap3A_947, %swap3A_948] {strides = array<i32>} : memref<8x16xf32, #tpu.memory_space<vmem>>, vector<1x16xf32>,
      %swap3A_950 = vector.shape_cast %swap3A_949 : vector<1x16xf32> to vector<16xf32>
      %swap3A_951 = vector.shape_cast %add3A_903 : vector<16xf32> to vector<1x16xf32>
      tpu.vector_store %arg10[%swap3A_947, %swap3A_948], %swap3A_951 {strides = array<i32>} : memref<8x16xf32, #tpu.memory_space<vmem>>, vector<1x16xf32>,
      %swap3A_952 = arith.constant 1 : i32
      %swap3A_953 = arith.index_cast %swap3A_952 : i32 to index
      %swap3A_954 = arith.constant 0 : index
      %swap3A_955 = tpu.vector_load %arg10[%swap3A_953, %swap3A_954] {strides = array<i32>} : memref<8x16xf32, #tpu.memory_space<vmem>>, vector<1x16xf32>,
      %swap3A_956 = vector.shape_cast %swap3A_955 : vector<1x16xf32> to vector<16xf32>
      %swap3A_957 = vector.shape_cast %add3A_909 : vector<16xf32> to vector<1x16xf32>
      tpu.vector_store %arg10[%swap3A_953, %swap3A_954], %swap3A_957 {strides = array<i32>} : memref<8x16xf32, #tpu.memory_space<vmem>>, vector<1x16xf32>,
      %swap3A_958 = arith.constant 2 : i32
      %swap3A_959 = arith.index_cast %swap3A_958 : i32 to index
      %swap3A_960 = arith.constant 0 : index
      %swap3A_961 = tpu.vector_load %arg10[%swap3A_959, %swap3A_960] {strides = array<i32>} : memref<8x16xf32, #tpu.memory_space<vmem>>, vector<1x16xf32>,
      %swap3A_962 = vector.shape_cast %swap3A_961 : vector<1x16xf32> to vector<16xf32>
      %swap3A_963 = vector.shape_cast %add3A_915 : vector<16xf32> to vector<1x16xf32>
      tpu.vector_store %arg10[%swap3A_959, %swap3A_960], %swap3A_963 {strides = array<i32>} : memref<8x16xf32, #tpu.memory_space<vmem>>, vector<1x16xf32>,
      %swap3A_964 = arith.constant 3 : i32
      %swap3A_965 = arith.index_cast %swap3A_964 : i32 to index
      %swap3A_966 = arith.constant 0 : index
      %swap3A_967 = tpu.vector_load %arg10[%swap3A_965, %swap3A_966] {strides = array<i32>} : memref<8x16xf32, #tpu.memory_space<vmem>>, vector<1x16xf32>,
      %swap3A_968 = vector.shape_cast %swap3A_967 : vector<1x16xf32> to vector<16xf32>
      %swap3A_969 = vector.shape_cast %add3A_921 : vector<16xf32> to vector<1x16xf32>
      tpu.vector_store %arg10[%swap3A_965, %swap3A_966], %swap3A_969 {strides = array<i32>} : memref<8x16xf32, #tpu.memory_space<vmem>>, vector<1x16xf32>,
      %swap3A_970 = arith.constant 4 : i32
      %swap3A_971 = arith.index_cast %swap3A_970 : i32 to index
      %swap3A_972 = arith.constant 0 : index
      %swap3A_973 = tpu.vector_load %arg10[%swap3A_971, %swap3A_972] {strides = array<i32>} : memref<8x16xf32, #tpu.memory_space<vmem>>, vector<1x16xf32>,
      %swap3A_974 = vector.shape_cast %swap3A_973 : vector<1x16xf32> to vector<16xf32>
      %swap3A_975 = vector.shape_cast %add3A_927 : vector<16xf32> to vector<1x16xf32>
      tpu.vector_store %arg10[%swap3A_971, %swap3A_972], %swap3A_975 {strides = array<i32>} : memref<8x16xf32, #tpu.memory_space<vmem>>, vector<1x16xf32>,
      %swap3A_976 = arith.constant 5 : i32
      %swap3A_977 = arith.index_cast %swap3A_976 : i32 to index
      %swap3A_978 = arith.constant 0 : index
      %swap3A_979 = tpu.vector_load %arg10[%swap3A_977, %swap3A_978] {strides = array<i32>} : memref<8x16xf32, #tpu.memory_space<vmem>>, vector<1x16xf32>,
      %swap3A_980 = vector.shape_cast %swap3A_979 : vector<1x16xf32> to vector<16xf32>
      %swap3A_981 = vector.shape_cast %add3A_933 : vector<16xf32> to vector<1x16xf32>
      tpu.vector_store %arg10[%swap3A_977, %swap3A_978], %swap3A_981 {strides = array<i32>} : memref<8x16xf32, #tpu.memory_space<vmem>>, vector<1x16xf32>,
      %swap3A_982 = arith.constant 6 : i32
      %swap3A_983 = arith.index_cast %swap3A_982 : i32 to index
      %swap3A_984 = arith.constant 0 : index
      %swap3A_985 = tpu.vector_load %arg10[%swap3A_983, %swap3A_984] {strides = array<i32>} : memref<8x16xf32, #tpu.memory_space<vmem>>, vector<1x16xf32>,
      %swap3A_986 = vector.shape_cast %swap3A_985 : vector<1x16xf32> to vector<16xf32>
      %swap3A_987 = vector.shape_cast %add3A_939 : vector<16xf32> to vector<1x16xf32>
      tpu.vector_store %arg10[%swap3A_983, %swap3A_984], %swap3A_987 {strides = array<i32>} : memref<8x16xf32, #tpu.memory_space<vmem>>, vector<1x16xf32>,
      %swap3A_988 = arith.constant 7 : i32
      %swap3A_989 = arith.index_cast %swap3A_988 : i32 to index
      %swap3A_990 = arith.constant 0 : index
      %swap3A_991 = tpu.vector_load %arg10[%swap3A_989, %swap3A_990] {strides = array<i32>} : memref<8x16xf32, #tpu.memory_space<vmem>>, vector<1x16xf32>,
      %swap3A_992 = vector.shape_cast %swap3A_991 : vector<1x16xf32> to vector<16xf32>
      %swap3A_993 = vector.shape_cast %add3A_945 : vector<16xf32> to vector<1x16xf32>
      tpu.vector_store %arg10[%swap3A_989, %swap3A_990], %swap3A_993 {strides = array<i32>} : memref<8x16xf32, #tpu.memory_space<vmem>>, vector<1x16xf32>,
      %mul3A_994 = arith.constant 8 : i32
      %mul3A_995 = arith.muli %add3A_563, %mul3A_994 : i32
      %add3A_996 = arith.addi %mul3A_2, %mul3A_995 : i32
      "tpu.region"() ({
        %run_scoped3A = tpu.sem_alloc : memref<!tpu.dma_semaphore, #tpu.memory_space<semaphore_mem>>
        %dma_start3A_1002 = arith.constant 0 : i32
        %dma_start3A_1003 = tpu.memref_slice %arg4[%add3A_996, %dma_start3A_1002] : memref<4096x16xf32, #tpu.memory_space<hbm>> -> memref<8x16xf32, #tpu.memory_space<hbm>>
        %dma_start3A_1004 = arith.constant 0 : i32
        %dma_start3A_1005 = tpu.memref_slice %arg4[%add3A_996, %dma_start3A_1004] : memref<4096x16xf32, #tpu.memory_space<hbm>> -> memref<8x16xf32, #tpu.memory_space<hbm>>
        tpu.enqueue_dma source(%arg10 : memref<8x16xf32, #tpu.memory_space<vmem>>) target(%dma_start3A_1005 : memref<8x16xf32, #tpu.memory_space<hbm>>) target_semaphore(%run_scoped3A : memref<!tpu.dma_semaphore, #tpu.memory_space<semaphore_mem>>)
        %dma_wait3A_1006 = arith.constant 0 : i32
        %dma_wait3A_1007 = tpu.memref_slice %arg4[%add3A_996, %dma_wait3A_1006] : memref<4096x16xf32, #tpu.memory_space<hbm>> -> memref<8x16xf32, #tpu.memory_space<hbm>>
        %dma_wait3A_1008 = arith.constant 0 : i32
        %dma_wait3A_1009 = tpu.memref_slice %arg4[%add3A_996, %dma_wait3A_1008] : memref<4096x16xf32, #tpu.memory_space<hbm>> -> memref<8x16xf32, #tpu.memory_space<hbm>>
        tpu.wait_dma2 semaphore(%run_scoped3A : memref<!tpu.dma_semaphore, #tpu.memory_space<semaphore_mem>>) src(%arg10 : memref<8x16xf32, #tpu.memory_space<vmem>>) dst(%dma_wait3A_1009 : memref<8x16xf32, #tpu.memory_space<hbm>>)
        tpu.yield
      }) : () -> ()
      %lt3A_997 = arith.constant 7 : i32
      %lt3A_998 = arith.cmpi slt, %scan3A_108, %lt3A_997 : i32
      %convert_element_type3A_999 = arith.extui %lt3A_998 : i1 to i32
      %cond3A_1000 = arith.constant 0 : i32
      %cond3A_1001 = arith.cmpi ne, %convert_element_type3A_999, %cond3A_1000 : i32
      scf.if %cond3A_1001 {
        %add3A_1002 = arith.constant 3 : i32
        %add3A_1003 = arith.addi %mul3A_110, %add3A_1002 : i32
        %mul3A_1004 = arith.constant 8 : i32
        %mul3A_1005 = arith.muli %add3A_1003, %mul3A_1004 : i32
        %add3A_1006 = arith.addi %mul3A_2, %mul3A_1005 : i32
        %dma_start3A_1007 = arith.constant 0 : i32
        %dma_start3A_1008 = tpu.memref_slice %arg2[%add3A_1006, %dma_start3A_1007] : memref<4096x4096xf32, #tpu.memory_space<hbm>> -> memref<8x4096xf32, #tpu.memory_space<hbm>>
        %dma_start3A_1009 = arith.constant 0 : i32
        %dma_start3A_1010 = tpu.memref_slice %arg2[%add3A_1006, %dma_start3A_1009] : memref<4096x4096xf32, #tpu.memory_space<hbm>> -> memref<8x4096xf32, #tpu.memory_space<hbm>>
        tpu.enqueue_dma source(%dma_start3A_1010 : memref<8x4096xf32, #tpu.memory_space<hbm>>) target(%arg9 : memref<8x4096xf32, #tpu.memory_space<vmem>>) target_semaphore(%arg14 : memref<!tpu.dma_semaphore, #tpu.memory_space<semaphore_mem>>)
      } else {
      }
    }
    %scan3A_107 = arith.constant 8 : i32
    return
  }
}

module attributes {stable_mosaic.version = 14 : i64} {
  func.func @_main_body(%arg0: i32, %arg1: memref<2xi32, #tpu.memory_space<smem>>, %arg2: memref<512x16xf32, #tpu.memory_space<vmem>>, %arg3: memref<1x512xf32, #tpu.memory_space<vmem>>, %arg4: memref<512x512xf32, #tpu.memory_space<vmem>>, %arg5: memref<8x512xf32, #tpu.memory_space<vmem>>, %arg6: memref<512x64xf32, #tpu.memory_space<vmem>>, %arg7: memref<1x64xf32, #tpu.memory_space<vmem>>, %arg8: memref<512x64xf32, #tpu.memory_space<vmem>>, %arg9: memref<1x64xf32, #tpu.memory_space<vmem>>, %arg10: memref<512x7xf32, #tpu.memory_space<vmem>>, %arg11: memref<1x7xf32, #tpu.memory_space<vmem>>, %arg12: memref<1x7xf32, #tpu.memory_space<vmem>>, %arg13: memref<8x512xf32, #tpu.memory_space<vmem>>, %arg14: memref<8x128xf32, #tpu.memory_space<vmem>>, %arg15: memref<1x512xf32, #tpu.memory_space<vmem>>, %arg16: memref<1x1xf32, #tpu.memory_space<smem>>) attributes {dimension_semantics = [#tpu.dimension_semantics<arbitrary>], iteration_bounds = array<i64: 8>, scalar_prefetch = 1 : i64, scratch_operands = 4 : i64, tpu.core_type = #tpu.core_type<tc>, window_params = [{transform_indices = @transform_0, window_bounds = array<i64: 512, 16>}, {transform_indices = @transform_1, window_bounds = array<i64: 1, 512>}, {transform_indices = @transform_2, window_bounds = array<i64: 512, 512>}, {transform_indices = @transform_3, window_bounds = array<i64: 8, 512>}, {pipeline_mode = #tpu.pipeline_mode<synchronous>, transform_indices = @transform_4, window_bounds = array<i64: 512, 64>}, {pipeline_mode = #tpu.pipeline_mode<synchronous>, transform_indices = @transform_5, window_bounds = array<i64: 1, 64>}, {pipeline_mode = #tpu.pipeline_mode<synchronous>, transform_indices = @transform_6, window_bounds = array<i64: 512, 64>}, {pipeline_mode = #tpu.pipeline_mode<synchronous>, transform_indices = @transform_7, window_bounds = array<i64: 1, 64>}, {pipeline_mode = #tpu.pipeline_mode<synchronous>, transform_indices = @transform_8, window_bounds = array<i64: 512, 7>}, {pipeline_mode = #tpu.pipeline_mode<synchronous>, transform_indices = @transform_9, window_bounds = array<i64: 1, 7>}, {pipeline_mode = #tpu.pipeline_mode<synchronous>, transform_indices = @transform_10, window_bounds = array<i64: 1, 7>}]} {
    %eq3A = arith.constant 0 : i32
    %eq3A_0 = arith.cmpi eq, %arg0, %eq3A : i32
    %convert_element_type3A = arith.extui %eq3A_0 : i1 to i32
    %cond3A = arith.constant 0 : i32
    %cond3A_1 = arith.cmpi ne, %convert_element_type3A, %cond3A : i32
    scf.if %cond3A_1 {
      %broadcast_in_dim3A_74 = arith.constant 0.000000e+00 : f32
      %broadcast_in_dim3A_75 = vector.broadcast %broadcast_in_dim3A_74 : f32 to vector<8x512xf32>
      %swap3A_76 = arith.constant 0 : index
      %swap3A_77 = arith.constant 0 : index
      %swap3A_78 = vector.load %arg13[%swap3A_76, %swap3A_77] : memref<8x512xf32, #tpu.memory_space<vmem>>, vector<8x512xf32>
      tpu.vector_store %arg13[%swap3A_76, %swap3A_77], %broadcast_in_dim3A_75 {strides = array<i32>} : memref<8x512xf32, #tpu.memory_space<vmem>>, vector<8x512xf32>,
      %broadcast_in_dim3A_79 = arith.constant 0.000000e+00 : f32
      %broadcast_in_dim3A_80 = vector.broadcast %broadcast_in_dim3A_79 : f32 to vector<8x128xf32>
      %swap3A_81 = arith.constant 0 : index
      %swap3A_82 = arith.constant 0 : index
      %swap3A_83 = vector.load %arg14[%swap3A_81, %swap3A_82] : memref<8x128xf32, #tpu.memory_space<vmem>>, vector<8x128xf32>
      tpu.vector_store %arg14[%swap3A_81, %swap3A_82], %broadcast_in_dim3A_80 {strides = array<i32>} : memref<8x128xf32, #tpu.memory_space<vmem>>, vector<8x128xf32>,
      %broadcast_in_dim3A_84 = arith.constant 0.000000e+00 : f32
      %broadcast_in_dim3A_85 = vector.broadcast %broadcast_in_dim3A_84 : f32 to vector<1x512xf32>
      %swap3A_86 = arith.constant 0 : index
      %swap3A_87 = arith.constant 0 : index
      %swap3A_88 = vector.load %arg15[%swap3A_86, %swap3A_87] : memref<1x512xf32, #tpu.memory_space<vmem>>, vector<1x512xf32>
      tpu.vector_store %arg15[%swap3A_86, %swap3A_87], %broadcast_in_dim3A_85 {strides = array<i32>} : memref<1x512xf32, #tpu.memory_space<vmem>>, vector<1x512xf32>,
      %swap3A_89 = arith.constant 0.000000e+00 : f32
      %swap3A_90 = arith.constant 0 : index
      %swap3A_91 = arith.constant 0 : index
      %swap3A_92 = memref.load %arg16[%swap3A_90, %swap3A_91] : memref<1x1xf32, #tpu.memory_space<smem>>
      memref.store %swap3A_89, %arg16[%swap3A_90, %swap3A_91] : memref<1x1xf32, #tpu.memory_space<smem>>
    } else {
    }
    %get3A = arith.constant 0 : index
    %get3A_2 = arith.constant 0 : index
    %get3A_3 = vector.load %arg3[%get3A, %get3A_2] : memref<1x512xf32, #tpu.memory_space<vmem>>, vector<1x512xf32>
    %ne3A = arith.constant 0.000000e+00 : f32
    %ne3A_4 = vector.broadcast %ne3A : f32 to vector<1x512xf32>
    %ne3A_5 = arith.cmpf one, %get3A_3, %ne3A_4 : vector<1x512xf32>
    %broadcast_in_dim3A = arith.constant 1.000000e+00 : f32
    %broadcast_in_dim3A_6 = vector.broadcast %broadcast_in_dim3A : f32 to vector<1x16xf32>
    %get3A_7 = arith.constant 0 : index
    %get3A_8 = arith.constant 0 : index
    %get3A_9 = vector.load %arg2[%get3A_7, %get3A_8] : memref<512x16xf32, #tpu.memory_space<vmem>>, vector<512x16xf32>
    %dot_general3A = arith.constant dense<0.000000e+00> : vector<1x512xf32>
    %dot_general3A_10 = tpu.matmul %broadcast_in_dim3A_6, %get3A_9, %dot_general3A {dimension_numbers = #tpu.dot_dimension_numbers<[1], [1], [0], [0], [0, 0, 1, 0], [], []>, transpose_lhs_hint = false} : vector<1x16xf32>, vector<512x16xf32>, vector<1x512xf32> -> vector<1x512xf32>
    %jit3A = arith.constant 1.000000e+00 : f32
    %broadcast_in_dim3A_11 = vector.broadcast %jit3A : f32 to vector<1x512xf32>
    %select_n3A = arith.select %ne3A_5, %dot_general3A_10, %broadcast_in_dim3A_11 : vector<1x512xi1>, vector<1x512xf32>
    %rsqrt3A = math.rsqrt %select_n3A : vector<1x512xf32>
    %jit3A_12 = arith.constant 0.000000e+00 : f32
    %broadcast_in_dim3A_13 = vector.broadcast %jit3A_12 : f32 to vector<1x512xf32>
    %select_n3A_14 = arith.select %ne3A_5, %rsqrt3A, %broadcast_in_dim3A_13 : vector<1x512xi1>, vector<1x512xf32>
    %get3A_15 = arith.constant 0 : index
    %get3A_16 = arith.constant 0 : index
    %get3A_17 = vector.load %arg5[%get3A_15, %get3A_16] : memref<8x512xf32, #tpu.memory_space<vmem>>, vector<8x512xf32>
    %mul3A = vector.broadcast %select_n3A_14 : vector<1x512xf32> to vector<8x512xf32>
    %mul3A_18 = arith.mulf %get3A_17, %mul3A : vector<8x512xf32>
    %get3A_19 = arith.constant 0 : index
    %get3A_20 = arith.constant 0 : index
    %get3A_21 = vector.load %arg4[%get3A_19, %get3A_20] : memref<512x512xf32, #tpu.memory_space<vmem>>, vector<512x512xf32>
    %get3A_22 = arith.constant 0 : index
    %get3A_23 = arith.constant 0 : index
    %get3A_24 = vector.load %arg13[%get3A_22, %get3A_23] : memref<8x512xf32, #tpu.memory_space<vmem>>, vector<8x512xf32>
    %dot_general3A_25 = arith.constant dense<0.000000e+00> : vector<8x512xf32>
    %dot_general3A_26 = tpu.matmul %mul3A_18, %get3A_21, %dot_general3A_25 {dimension_numbers = #tpu.dot_dimension_numbers<[1], [0], [0], [1], [0, 0, 1, 1], [], []>, transpose_lhs_hint = false} : vector<8x512xf32>, vector<512x512xf32>, vector<8x512xf32> -> vector<8x512xf32>
    %add3A = arith.addf %get3A_24, %dot_general3A_26 : vector<8x512xf32>
    %swap3A = arith.constant 0 : index
    %swap3A_27 = arith.constant 0 : index
    %swap3A_28 = vector.load %arg13[%swap3A, %swap3A_27] : memref<8x512xf32, #tpu.memory_space<vmem>>, vector<8x512xf32>
    tpu.vector_store %arg13[%swap3A, %swap3A_27], %add3A {strides = array<i32>} : memref<8x512xf32, #tpu.memory_space<vmem>>, vector<8x512xf32>,
    %get3A_29 = arith.constant 0 : index
    %get3A_30 = arith.constant 0 : index
    %get3A_31 = vector.load %arg14[%get3A_29, %get3A_30] : memref<8x128xf32, #tpu.memory_space<vmem>>, vector<8x128xf32>
    %reduce_sum3A = arith.constant dense<0.000000e+00> : vector<8xf32>
    %reduce_sum3A_32 = vector.multi_reduction <add>, %mul3A_18, %reduce_sum3A [1] : vector<8x512xf32> to vector<8xf32>
    %broadcast_in_dim3A_33 = vector.shape_cast %reduce_sum3A_32 : vector<8xf32> to vector<8x1xf32>
    %broadcast_in_dim3A_34 = vector.shape_cast %broadcast_in_dim3A_33 : vector<8x1xf32> to vector<8x1xf32>
    %broadcast_in_dim3A_35 = vector.broadcast %broadcast_in_dim3A_34 : vector<8x1xf32> to vector<8x128xf32>
    %add3A_36 = arith.addf %get3A_31, %broadcast_in_dim3A_35 : vector<8x128xf32>
    %swap3A_37 = arith.constant 0 : index
    %swap3A_38 = arith.constant 0 : index
    %swap3A_39 = vector.load %arg14[%swap3A_37, %swap3A_38] : memref<8x128xf32, #tpu.memory_space<vmem>>, vector<8x128xf32>
    tpu.vector_store %arg14[%swap3A_37, %swap3A_38], %add3A_36 {strides = array<i32>} : memref<8x128xf32, #tpu.memory_space<vmem>>, vector<8x128xf32>,
    %get3A_40 = arith.constant 0 : index
    %get3A_41 = arith.constant 0 : index
    %get3A_42 = memref.load %arg16[%get3A_40, %get3A_41] : memref<1x1xf32, #tpu.memory_space<smem>>
    %reduce_sum3A_43 = vector.shape_cast %get3A_3 : vector<1x512xf32> to vector<1x1x512xf32>
    %reduce_sum3A_44 = arith.constant dense<0.000000e+00> : vector<1xf32>
    %reduce_sum3A_45 = vector.multi_reduction <add>, %reduce_sum3A_43, %reduce_sum3A_44 [1, 2] : vector<1x1x512xf32> to vector<1xf32>
    %reduce_sum3A_46 = vector.shape_cast %reduce_sum3A_45 : vector<1xf32> to vector<1x1x1xf32>
    %reduce_sum3A_47 = vector.extract %reduce_sum3A_46[0, 0, 0] : f32 from vector<1x1x1xf32>
    %add3A_48 = arith.addf %get3A_42, %reduce_sum3A_47 : f32
    %swap3A_49 = arith.constant 0 : index
    %swap3A_50 = arith.constant 0 : index
    %swap3A_51 = memref.load %arg16[%swap3A_49, %swap3A_50] : memref<1x1xf32, #tpu.memory_space<smem>>
    memref.store %add3A_48, %arg16[%swap3A_49, %swap3A_50] : memref<1x1xf32, #tpu.memory_space<smem>>
    %get3A_52 = arith.constant 0 : index
    %get3A_53 = memref.load %arg1[%get3A_52] : memref<2xi32, #tpu.memory_space<smem>>
    %mul3A_54 = arith.constant 512 : i32
    %mul3A_55 = arith.muli %arg0, %mul3A_54 : i32
    %sub3A = arith.subi %get3A_53, %mul3A_55 : i32
    %iota3A = tpu.iota {dimensions = array<i32: 1>} : vector<1x512xi32>
    %eq3A_56 = vector.broadcast %sub3A : i32 to vector<1x512xi32>
    %eq3A_57 = arith.cmpi eq, %iota3A, %eq3A_56 : vector<1x512xi32>
    %convert_element_type3A_58 = arith.extui %eq3A_57 : vector<1x512xi1> to vector<1x512xi32>
    %convert_element_type3A_59 = arith.sitofp %convert_element_type3A_58 : vector<1x512xi32> to vector<1x512xf32>
    %get3A_60 = arith.constant 0 : index
    %get3A_61 = arith.constant 0 : index
    %get3A_62 = vector.load %arg15[%get3A_60, %get3A_61] : memref<1x512xf32, #tpu.memory_space<vmem>>, vector<1x512xf32>
    %dot_general3A_63 = arith.constant dense<0.000000e+00> : vector<1x512xf32>
    %dot_general3A_64 = tpu.matmul %convert_element_type3A_59, %get3A_21, %dot_general3A_63 {dimension_numbers = #tpu.dot_dimension_numbers<[1], [0], [0], [1], [0, 0, 1, 1], [], []>, transpose_lhs_hint = false} : vector<1x512xf32>, vector<512x512xf32>, vector<1x512xf32> -> vector<1x512xf32>
    %add3A_65 = arith.addf %get3A_62, %dot_general3A_64 : vector<1x512xf32>
    %swap3A_66 = arith.constant 0 : index
    %swap3A_67 = arith.constant 0 : index
    %swap3A_68 = vector.load %arg15[%swap3A_66, %swap3A_67] : memref<1x512xf32, #tpu.memory_space<vmem>>, vector<1x512xf32>
    tpu.vector_store %arg15[%swap3A_66, %swap3A_67], %add3A_65 {strides = array<i32>} : memref<1x512xf32, #tpu.memory_space<vmem>>, vector<1x512xf32>,
    %eq3A_69 = arith.constant 7 : i32
    %eq3A_70 = arith.cmpi eq, %arg0, %eq3A_69 : i32
    %convert_element_type3A_71 = arith.extui %eq3A_70 : i1 to i32
    %cond3A_72 = arith.constant 0 : i32
    %cond3A_73 = arith.cmpi ne, %convert_element_type3A_71, %cond3A_72 : i32
    scf.if %cond3A_73 {
      %get3A_74 = arith.constant 0 : index
      %get3A_75 = arith.constant 0 : index
      %get3A_76 = memref.load %arg16[%get3A_74, %get3A_75] : memref<1x1xf32, #tpu.memory_space<smem>>
      %gt3A = arith.constant 0.000000e+00 : f32
      %gt3A_77 = arith.cmpf ogt, %get3A_76, %gt3A : f32
      %rsqrt3A_78 = math.rsqrt %get3A_76 : f32
      %jit3A_79 = arith.constant 0.000000e+00 : f32
      %select_n3A_80 = arith.select %gt3A_77, %rsqrt3A_78, %jit3A_79 : f32
      %get3A_81 = arith.constant 1 : index
      %get3A_82 = memref.load %arg1[%get3A_81] : memref<2xi32, #tpu.memory_space<smem>>
      %eq3A_83 = arith.constant 1 : i32
      %eq3A_84 = arith.cmpi eq, %get3A_82, %eq3A_83 : i32
      %get3A_85 = arith.constant 0 : index
      %get3A_86 = arith.constant 0 : index
      %get3A_87 = vector.load %arg6[%get3A_85, %get3A_86] : memref<512x64xf32, #tpu.memory_space<vmem>>, vector<512x64xf32>
      %get3A_88 = arith.constant 0 : index
      %get3A_89 = arith.constant 0 : index
      %get3A_90 = vector.load %arg8[%get3A_88, %get3A_89] : memref<512x64xf32, #tpu.memory_space<vmem>>, vector<512x64xf32>
      %select_n3A_91 = arith.select %eq3A_84, %get3A_87, %get3A_90 : vector<512x64xf32>
      %eq3A_92 = arith.constant 1 : i32
      %eq3A_93 = arith.cmpi eq, %get3A_82, %eq3A_92 : i32
      %get3A_94 = arith.constant 0 : index
      %get3A_95 = arith.constant 0 : index
      %get3A_96 = vector.load %arg7[%get3A_94, %get3A_95] : memref<1x64xf32, #tpu.memory_space<vmem>>, vector<1x64xf32>
      %get3A_97 = arith.constant 0 : index
      %get3A_98 = arith.constant 0 : index
      %get3A_99 = vector.load %arg9[%get3A_97, %get3A_98] : memref<1x64xf32, #tpu.memory_space<vmem>>, vector<1x64xf32>
      %select_n3A_100 = arith.select %eq3A_93, %get3A_96, %get3A_99 : vector<1x64xf32>
      %get3A_101 = arith.constant 0 : index
      %get3A_102 = arith.constant 0 : index
      %get3A_103 = vector.load %arg13[%get3A_101, %get3A_102] : memref<8x512xf32, #tpu.memory_space<vmem>>, vector<8x512xf32>
      %mul3A_104 = vector.broadcast %select_n3A_80 : f32 to vector<8x512xf32>
      %mul3A_105 = arith.mulf %get3A_103, %mul3A_104 : vector<8x512xf32>
      %get3A_106 = arith.constant 0 : index
      %get3A_107 = arith.constant 0 : index
      %get3A_108 = vector.load %arg14[%get3A_106, %get3A_107] : memref<8x128xf32, #tpu.memory_space<vmem>>, vector<8x1xf32>
      %mul3A_109 = vector.broadcast %select_n3A_80 : f32 to vector<8x1xf32>
      %mul3A_110 = arith.mulf %get3A_108, %mul3A_109 : vector<8x1xf32>
      %mul3A_111 = vector.broadcast %mul3A_110 : vector<8x1xf32> to vector<8x64xf32>
      %mul3A_112 = vector.broadcast %select_n3A_100 : vector<1x64xf32> to vector<8x64xf32>
      %mul3A_113 = arith.mulf %mul3A_111, %mul3A_112 : vector<8x64xf32>
      %dot_general3A_114 = arith.constant dense<0.000000e+00> : vector<8x64xf32>
      %dot_general3A_115 = tpu.matmul %mul3A_105, %select_n3A_91, %dot_general3A_114 {dimension_numbers = #tpu.dot_dimension_numbers<[1], [0], [0], [1], [0, 0, 1, 1], [], []>, transpose_lhs_hint = false} : vector<8x512xf32>, vector<512x64xf32>, vector<8x64xf32> -> vector<8x64xf32>
      %add3A_116 = arith.addf %dot_general3A_115, %mul3A_113 : vector<8x64xf32>
      %max3A = arith.constant 0.000000e+00 : f32
      %max3A_117 = vector.broadcast %max3A : f32 to vector<8x64xf32>
      %max3A_118 = arith.maximumf %add3A_116, %max3A_117 : vector<8x64xf32>
      %get3A_119 = arith.constant 0 : index
      %get3A_120 = arith.constant 0 : index
      %get3A_121 = vector.load %arg15[%get3A_119, %get3A_120] : memref<1x512xf32, #tpu.memory_space<vmem>>, vector<1x512xf32>
      %dot_general3A_122 = arith.constant dense<0.000000e+00> : vector<1x64xf32>
      %dot_general3A_123 = tpu.matmul %get3A_121, %select_n3A_91, %dot_general3A_122 {dimension_numbers = #tpu.dot_dimension_numbers<[1], [0], [0], [1], [0, 0, 1, 1], [], []>, transpose_lhs_hint = false} : vector<1x512xf32>, vector<512x64xf32>, vector<1x64xf32> -> vector<1x64xf32>
      %add3A_124 = arith.addf %dot_general3A_123, %select_n3A_100 : vector<1x64xf32>
      %max3A_125 = arith.constant 0.000000e+00 : f32
      %max3A_126 = vector.broadcast %max3A_125 : f32 to vector<1x64xf32>
      %max3A_127 = arith.maximumf %add3A_124, %max3A_126 : vector<1x64xf32>
      %slice3A = vector.extract_strided_slice %max3A_118 {offsets = [0, 0], sizes = [1, 64], strides = [1, 1]} : vector<8x64xf32> to vector<1x64xf32>
      %slice3A_128 = vector.extract_strided_slice %max3A_118 {offsets = [1, 0], sizes = [1, 64], strides = [1, 1]} : vector<8x64xf32> to vector<1x64xf32>
      %slice3A_129 = vector.extract_strided_slice %max3A_118 {offsets = [2, 0], sizes = [1, 64], strides = [1, 1]} : vector<8x64xf32> to vector<1x64xf32>
      %slice3A_130 = vector.extract_strided_slice %max3A_118 {offsets = [3, 0], sizes = [1, 64], strides = [1, 1]} : vector<8x64xf32> to vector<1x64xf32>
      %slice3A_131 = vector.extract_strided_slice %max3A_118 {offsets = [4, 0], sizes = [1, 64], strides = [1, 1]} : vector<8x64xf32> to vector<1x64xf32>
      %slice3A_132 = vector.extract_strided_slice %max3A_118 {offsets = [5, 0], sizes = [1, 64], strides = [1, 1]} : vector<8x64xf32> to vector<1x64xf32>
      %slice3A_133 = vector.extract_strided_slice %max3A_118 {offsets = [6, 0], sizes = [1, 64], strides = [1, 1]} : vector<8x64xf32> to vector<1x64xf32>
      %concatenate3A = tpu.concatenate %max3A_127, %slice3A, %slice3A_128, %slice3A_129, %slice3A_130, %slice3A_131, %slice3A_132, %slice3A_133 in 1 : vector<1x64xf32>, vector<1x64xf32>, vector<1x64xf32>, vector<1x64xf32>, vector<1x64xf32>, vector<1x64xf32>, vector<1x64xf32>, vector<1x64xf32> -> vector<1x512xf32>
      %max3A_134 = arith.maximumf %get3A_121, %concatenate3A : vector<1x512xf32>
      %get3A_135 = arith.constant 0 : index
      %get3A_136 = arith.constant 0 : index
      %get3A_137 = vector.load %arg10[%get3A_135, %get3A_136] : memref<512x7xf32, #tpu.memory_space<vmem>>, vector<512x7xf32>
      %dot_general3A_138 = arith.constant dense<0.000000e+00> : vector<1x7xf32>
      %dot_general3A_139 = tpu.matmul %max3A_134, %get3A_137, %dot_general3A_138 {dimension_numbers = #tpu.dot_dimension_numbers<[1], [0], [0], [1], [0, 0, 1, 1], [], []>, transpose_lhs_hint = false} : vector<1x512xf32>, vector<512x7xf32>, vector<1x7xf32> -> vector<1x7xf32>
      %get3A_140 = arith.constant 0 : index
      %get3A_141 = arith.constant 0 : index
      %get3A_142 = vector.load %arg11[%get3A_140, %get3A_141] : memref<1x7xf32, #tpu.memory_space<vmem>>, vector<1x7xf32>
      %add3A_143 = arith.addf %dot_general3A_139, %get3A_142 : vector<1x7xf32>
      %swap3A_144 = arith.constant 0 : index
      %swap3A_145 = arith.constant 0 : index
      %swap3A_146 = vector.load %arg12[%swap3A_144, %swap3A_145] : memref<1x7xf32, #tpu.memory_space<vmem>>, vector<1x7xf32>
      tpu.vector_store %arg12[%swap3A_144, %swap3A_145], %add3A_143 {strides = array<i32>} : memref<1x7xf32, #tpu.memory_space<vmem>>, vector<1x7xf32>,
    } else {
    }
    return
  }
  func.func @transform_0(%arg0: i32, %arg1: memref<2xi32, #tpu.memory_space<smem>>) -> (i32, i32) {
    %c0_i32 = arith.constant 0 : i32
    %c0_i32_0 = arith.constant 0 : i32
    return %arg0, %c0_i32 : i32, i32
  }
  func.func @transform_1(%arg0: i32, %arg1: memref<2xi32, #tpu.memory_space<smem>>) -> (i32, i32) {
    %c0_i32 = arith.constant 0 : i32
    %c0_i32_0 = arith.constant 0 : i32
    return %c0_i32, %arg0 : i32, i32
  }
  func.func @transform_2(%arg0: i32, %arg1: memref<2xi32, #tpu.memory_space<smem>>) -> (i32, i32) {
    %c0_i32 = arith.constant 0 : i32
    %c0_i32_0 = arith.constant 0 : i32
    return %arg0, %c0_i32 : i32, i32
  }
  func.func @transform_3(%arg0: i32, %arg1: memref<2xi32, #tpu.memory_space<smem>>) -> (i32, i32) {
    %c0_i32 = arith.constant 0 : i32
    %c0_i32_0 = arith.constant 0 : i32
    return %c0_i32, %arg0 : i32, i32
  }
  func.func @transform_4(%arg0: i32, %arg1: memref<2xi32, #tpu.memory_space<smem>>) -> (i32, i32) {
    %c0_i32 = arith.constant 0 : i32
    %c0_i32_0 = arith.constant 0 : i32
    %c0_i32_1 = arith.constant 0 : i32
    return %c0_i32, %c0_i32_0 : i32, i32
  }
  func.func @transform_5(%arg0: i32, %arg1: memref<2xi32, #tpu.memory_space<smem>>) -> (i32, i32) {
    %c0_i32 = arith.constant 0 : i32
    %c0_i32_0 = arith.constant 0 : i32
    %c0_i32_1 = arith.constant 0 : i32
    return %c0_i32, %c0_i32_0 : i32, i32
  }
  func.func @transform_6(%arg0: i32, %arg1: memref<2xi32, #tpu.memory_space<smem>>) -> (i32, i32) {
    %c0_i32 = arith.constant 0 : i32
    %c0_i32_0 = arith.constant 0 : i32
    %c0_i32_1 = arith.constant 0 : i32
    return %c0_i32, %c0_i32_0 : i32, i32
  }
  func.func @transform_7(%arg0: i32, %arg1: memref<2xi32, #tpu.memory_space<smem>>) -> (i32, i32) {
    %c0_i32 = arith.constant 0 : i32
    %c0_i32_0 = arith.constant 0 : i32
    %c0_i32_1 = arith.constant 0 : i32
    return %c0_i32, %c0_i32_0 : i32, i32
  }
  func.func @transform_8(%arg0: i32, %arg1: memref<2xi32, #tpu.memory_space<smem>>) -> (i32, i32) {
    %c0_i32 = arith.constant 0 : i32
    %c0_i32_0 = arith.constant 0 : i32
    %c0_i32_1 = arith.constant 0 : i32
    return %c0_i32, %c0_i32_0 : i32, i32
  }
  func.func @transform_9(%arg0: i32, %arg1: memref<2xi32, #tpu.memory_space<smem>>) -> (i32, i32) {
    %c0_i32 = arith.constant 0 : i32
    %c0_i32_0 = arith.constant 0 : i32
    %c0_i32_1 = arith.constant 0 : i32
    return %c0_i32, %c0_i32_0 : i32, i32
  }
  func.func @transform_10(%arg0: i32, %arg1: memref<2xi32, #tpu.memory_space<smem>>) -> (i32, i32) {
    %c0_i32 = arith.constant 0 : i32
    %c0_i32_0 = arith.constant 0 : i32
    %c0_i32_1 = arith.constant 0 : i32
    return %c0_i32, %c0_i32_0 : i32, i32
  }
}

</mosaic_0001>

<sc_bundles>
// kernel: kernel.4.cloned.1.call-start
scs
__scs_entry_jumppad:
0x0: {  	(pc) =	sbr.rel $0x88, $3  }
0x1: {  	(tag) =	ssettag $0x0;
	lr =	simm.s32 $0x1  }
0x2: {  	[smem:$0x3F96] =	sst lr;
	_ =	strace $0xD0000000  }
0x3: {  	_ = 	snop  }
0x4: {  	_ = 	snop  }
0x5: {  	_ = 	snop  }
0x6: {  	_ = 	snop  }
0x7: {  	_ = 	snop  }
__scs_overlays_trampoline_lowered:
0x8: {  	[smem:$0x3FA5] =	sst s0  }
0x9: {  	[smem:$0x3FA6] =	sst s1  }
0xa: {  	[smem:$0x3FA7] =	sst s2  }
0xb: {  	[smem:$0x3FA8] =	sst s3  }
0xc: {  	[smem:$0x3FA9] =	sst s4  }
0xd: {  	[smem:$0x3FAA] =	sst s5  }
0xe: {  	[smem:$0x3FAB] =	sst s6  }
0xf: {  	[smem:$0x3FAC] =	sst s7  }
0x10: {  	[smem:$0x3FAD] =	sst s8  }
0x11: {  	[smem:$0x3FAE] =	sst s9;
	s0 =	simm.s32 @!p0 $0x0  }
0x12: {  	s1 =	sld [smem:$0x3F94];
	s0 =	simm.s32 @p0 $0x1  }
0x13: {  	[smem:$0x3FAF] =	sst s0;
	s0 =	simm.s32 @!p1 $0x0  }
0x14: {  	s2 =	sld [smem:$0x3F93];
	s0 =	simm.s32 @p1 $0x1  }
0x15: {  	[smem:$0x3FB0] =	sst s0;
	s0 =	simm.s32 @!p2 $0x0  }
0x16: {  	s3 =	sld [smem:$0x3FDB];
	s0 =	simm.s32 @p2 $0x1  }
0x17: {  	s4 =	simm.s32 $0x1BF5;
	[smem:$0x3FB2] =	sst s0  }
0x18: {  	s0 =	sld [smem:$0x3F95];
	_ =	swait.ge [sflag:s4], $0x0  }
0x19: {  	s7 =	sld [smem:$0x3F96]  }
0x1a: {  	s8 =	sadd.s32 $0xFFFFE003, lr  }
0x1b: {  	s9 =	sadd.s32 $0xFFFFFEF7, lr;
	s5 =	simm.s32 $0xFFFFFFFF;
	p2 =	slt.u32 s8, $0xFFFFF086  }
0x1c: {  	p1 =	slt.u32 s9, $0xF7A;
	s5 =	simm.s32 @!p2 $0x0  }
0x1d: {  	s5 =	simm.s32 @p1 $0x1;
	p0 =	seq.s32 s7, s2  }
0x1e: {  	s7 =	smul.u32 @!p0 $0xF7A, s2;
	p2 =	seq.s32 @!p0 s5, $0x0  }
0x1f: {  	s9 =	smul.u32 $0xF7A, s1;
	s8 =	simm.s32 @!p0 $0x1BF5;
	p2 =	por !p2, p0  }
0x20: {  	[sflag:s8] =	ssyncset.s32 @!p0 $0xFFFFF086;
	s6 =	sadd.s32 @!p0 s3, s7;
	s7 =	simm.s32 @!p0 $0x108  }
0x21: {  	s3 =	sadd.s32 s3, s9;
	s6 =	sadd.s32 @!p0 $0x88, s6;
	s7 =	simm.s32 @p2 $0x1082  }
0x22: {  	[simem:s7], [sflag:s8] =	dma.local @!p0 [hbm:s6], $0xF7A  }
0x23: {  	s9 =	sor.u32 $0xD0000000, s2;
	s6 =	simm.s32 $0x108;
	_ =	swait.ge @!p0 [sflag:s8], $0x0  }
0x24: {  	s3 =	sadd.s32 $0x88, s3;
	s6 =	simm.s32 @!p1 $0x1082;
	[sflag:s4] =	ssyncset.s32 $0xFFFFF086  }
0x25: {  	[simem:s6], [sflag:s4] =	dma.local [hbm:s3], $0xF7A  }
0x26: {  	[smem:$0x3F96] =	sst s1;
	(tag) =	ssettag s2;
	_ =	strace s9  }
0x27: {  	s1 =	sld [smem:$0x3FA6]  }
0x28: {  	s2 =	sld [smem:$0x3FA7]  }
0x29: {  	s4 =	sld [smem:$0x3FA9]  }
0x2a: {  	p0 =	seq.s32 s5, $0x0;
	s5 =	sld [smem:$0x3FAA]  }
0x2b: {  	s6 =	sld [smem:$0x3FAB]  }
0x2c: {  	s7 =	sld [smem:$0x3FAC]  }
0x2d: {  	s3 =	simm.s32 $0x108;
	s8 =	sld [smem:$0x3FAD]  }
0x2e: {  	s3 =	simm.s32 @!p0 $0x1082;
	s9 =	sld [smem:$0x3FAE]  }
0x2f: {  	lr =	sadd.s32 s0, s3;
	s0 =	sld [smem:$0x3FA5]  }
0x30: {  	s3 =	sld [smem:$0x3FA8]  }
0x31: {  	[smem:$0x3FB1] =	sst s10  }
0x32: {  	s10 =	sld [smem:$0x3FAF];
	_ =	sdelay $0x3  }
0x33: {  	p0 =	seq.s32 s10, $0x1;
	s10 =	sld [smem:$0x3FB1];
	_ =	sdelay $0x3  }
0x34: {  	[smem:$0x3FB1] =	sst s10  }
0x35: {  	s10 =	sld [smem:$0x3FB0];
	_ =	sdelay $0x3  }
0x36: {  	p1 =	seq.s32 s10, $0x1;
	s10 =	sld [smem:$0x3FB1];
	_ =	sdelay $0x3  }
0x37: {  	[smem:$0x3FB1] =	sst s10  }
0x38: {  	s10 =	sld [smem:$0x3FB2]  }
0x39: {  	_ = 	snop;
	(pc) =	sbr.ind lr, $3  }
0x3a: {  	_ = 	snop  }
0x3b: {  	_ = 	snop  }
0x3c: {  	p2 =	seq.s32 s10, $0x1;
	s10 =	sld [smem:$0x3FB1]  }
0x3d: {  	_ =	shalt  }
0x3e: {  	_ =	shalt  }
0x3f: {  	_ =	shalt  }
0x40: {  	_ =	shalt  }
0x41: {  	_ =	shalt  }
0x42: {  	_ =	shalt  }
0x43: {  	_ =	shalt  }
0x44: {  	_ =	shalt  }
0x45: {  	_ =	shalt  }
0x46: {  	_ =	shalt  }
0x47: {  	_ =	shalt  }
0x48: {  	_ =	shalt  }
0x49: {  	_ =	shalt  }
0x4a: {  	_ =	shalt  }
0x4b: {  	_ =	shalt  }
0x4c: {  	_ =	shalt  }
0x4d: {  	_ =	shalt  }
0x4e: {  	_ =	shalt  }
0x4f: {  	_ =	shalt  }
0x50: {  	_ =	shalt  }
0x51: {  	_ =	shalt  }
0x52: {  	_ =	shalt  }
0x53: {  	_ =	shalt  }
0x54: {  	_ =	shalt  }
0x55: {  	_ =	shalt  }
0x56: {  	_ =	shalt  }
0x57: {  	_ =	shalt  }
0x58: {  	_ =	shalt  }
0x59: {  	_ =	shalt  }
0x5a: {  	_ =	shalt  }
0x5b: {  	_ =	shalt  }
0x5c: {  	_ =	shalt  }
0x5d: {  	_ =	shalt  }
0x5e: {  	_ =	shalt  }
0x5f: {  	_ =	shalt  }
0x60: {  	_ =	shalt  }
0x61: {  	_ =	shalt  }
0x62: {  	_ =	shalt  }
0x63: {  	_ =	shalt  }
0x64: {  	_ =	shalt  }
0x65: {  	_ =	shalt  }
0x66: {  	_ =	shalt  }
0x67: {  	_ =	shalt  }
0x68: {  	_ =	shalt  }
0x69: {  	_ =	shalt  }
0x6a: {  	_ =	shalt  }
0x6b: {  	_ =	shalt  }
0x6c: {  	_ =	shalt  }
0x6d: {  	_ =	shalt  }
0x6e: {  	_ =	shalt  }
0x6f: {  	_ =	shalt  }
0x70: {  	_ =	shalt  }
0x71: {  	_ =	shalt  }
0x72: {  	_ =	shalt  }
0x73: {  	_ =	shalt  }
0x74: {  	_ =	shalt  }
0x75: {  	_ =	shalt  }
0x76: {  	_ =	shalt  }
0x77: {  	_ =	shalt  }
0x78: {  	_ =	shalt  }
0x79: {  	_ =	shalt  }
0x7a: {  	_ =	shalt  }
0x7b: {  	_ =	shalt  }
0x7c: {  	_ =	shalt  }
0x7d: {  	_ =	shalt  }
0x7e: {  	_ =	shalt  }
0x7f: {  	_ =	shalt  }
0x80: {  	_ =	shalt  }
0x81: {  	_ =	shalt  }
0x82: {  	_ =	shalt  }
0x83: {  	_ =	shalt  }
0x84: {  	_ =	shalt  }
0x85: {  	_ =	shalt  }
0x86: {  	_ =	shalt  }
0x87: {  	_ =	shalt  }
.Lfunc_end0:
.L_simem_size_0:
called_computation_lowered:
.L_overlay_start_0:
0x88: {  	s2 =	sld [smem:$0x3FD9]  }
0x89: {  	s3 =	sld [smem:$0x3FFE];
	_ =	sdelay $0x1  }
0x8a: {  	s1 =	srdreg.scid  }
0x8b: {  	s0 =	sand.u32 $0x1, s1  }
0x8c: {  	s17 =	sshll.u32 s0, $0xA;
	s2 =	sadd.s32 s3, s2  }
0x8d: {  	s2 =	sadd.s32 s2, s17  }
0x8e: {  	[smem:$0x3FBD] =	sst s2  }
0x8f: {  	_ = 	snop  }
0x90: {  	s2 =	sld [smem:$0x3FC7];
	(tm) =	ssettm $0x1  }
0x91: {  	s18 =	sld [smem:$0x3FFB];
	_ =	sdelay $0x3  }
0x92: {  	_ =	strace s18  }
0x93: {  	s3 =	sld [smem:$0x3FFC];
	_ =	sdelay $0x3  }
0x94: {  	_ =	strace s3  }
0x95: {  	s3 =	sld [smem:$0x3FFD];
	_ =	sdelay $0x3  }
0x96: {  	_ =	strace s3  }
0x97: {  	_ =	strace $0x8FFFFFFF  }
0x98: {  	s19 =	sld [smem:$0x3FDB];
	_ =	sdelay $0x1  }
0x99: {  	s4 =	simm.s32 $_scs_section_size  }
0x9a: {  	s5 =	simm.s32 $_size__tile_overlayer_lowered;
	s6 =	simm.s32 $_tile_overlayer_lowered  }
0x9b: {  	s22 =	simm.s32 $0x1BFF;
	s21 =	sshll.u32 s6, $0x1;
	s3 =	sadd.s32 s4, s19  }
0x9c: {  	s7 =	simm.s32 $0x0;
	s20 =	sshll.u32 s5, $0x1;
	s5 =	sadd.s32 s21, s3  }
0x9d: {  	[timem:s7], [sflag:s22] =	dma.local [hbm:s5], s20  }
0x9e: {  	_ =	swait.ge [sflag:s22], s20  }
0x9f: {  	s4 =	ssub.s32 $0x0, s20;
	[sflag:s22] =	ssyncset.done $0x0  }
0xa0: {  	[sflag:s22] =	ssyncadd.s32 s4;
	_ =	sdelay $0x1  }
0xa1: {  	s23 =	simm.s32 $0x1B8B  }
0xa2: {  	_ =	swait.ge [sflag:s23], $0x1  }
0xa3: {  	[sflag:s23] =	ssyncset.done $0x0  }
0xa4: {  	s25 =	simm.s32 $0x1B8E;
	s24 =	sld [smem:$0x3FFE];
	[sflag:s23] =	ssyncadd.s32 $0xFFFFFFFF  }
0xa5: {  	s26 =	simm.s32 $execute0_lowered;
	[smem:$0x3FD2] =	sst s25  }
0xa6: {  	s5 =	sshll.u32 s26, $0x1;
	_ =	strace $0x80000046;
	[dreg:$0x1] =	wrdreg $0xFFFFFFFF  }
0xa7: {  	s28 =	simm.s32 $_size_execute0_lowered;
	s3 =	sadd.s32 s3, s5;
	[dreg:$0x0] =	wrdreg $0x0  }
0xa8: {  	s5 =	sshll.u32 s28, $0x1;
	[dreg:$0x2] =	wrdreg s3  }
0xa9: {  	[dreg:$0x3] =	wrdreg s5  }
0xaa: {  	[dreg:$0x4] =	wrdreg $0xC0  }
0xab: {  	_ =	task [dreg:s7], $0x5FFFF  }
0xac: {  	[dreg:$0x1] =	wrdreg $0xFFFFFFFF  }
0xad: {  	[dreg:$0x0] =	wrdreg $0x60  }
0xae: {  	[dreg:$0x2] =	wrdreg s2  }
0xaf: {  	[dreg:$0x3] =	wrdreg s24  }
0xb0: {  	[dreg:$0x4] =	wrdreg $0x9  }
0xb1: {  	_ =	task.clear_ibuf [dreg:s7], $0x5FFFF;
	_ =	strace $0x90000046  }
0xb2: {  	s29 =	simm.s32 $0x9;
	_ =	strace $0x80000048  }
0xb3: {  	_ =	swait.ge [sflag:s29], $0x1  }
0xb4: {  	[sflag:s29] =	ssyncadd.s32 $0xFFFFFFFF  }
0xb5: {  	_ =	strace $0x90000048  }
0xb6: {  	_ =	sfence  }
0xb7: {  	s30 =	sld [smem:$0x0];
	_ =	sdelay $0x2  }
0xb8: {  	s31 =	sshll.u32 s1, $0xD;
	s1 =	sshrl.u32 s1, $0x2  }
0xb9: {  	s3 =	sand.u32 $0x4000, s31;
	s1 =	sadd.s32 s1, s30  }
0xba: {  	s0 =	sor.u32 s3, s0;
	s1 =	sshll.u32 s1, $0x11  }
0xbb: {  	s0 =	sor.u32 s1, s0  }
0xbc: {  	s0 =	sadd.s32 $0x8F2B, s0  }
0xbd: {  	[sflag:s0] =	ssyncadd.remote.s32 $0x1  }
0xbe: {  	_ =	sfence.sel $0xFFFF  }
0xbf: {  	[dreg:$0x0] =	wrdreg $0xFFFFFFFF;
	(pc) =	sbr.abs _section_cstart, $3  }
0xc0: {  	[dreg:$0x1] =	wrdreg $0xFFFFFFFF  }
0xc1: {  	_ =	task.clear_ibuf [dreg:s7], $0x2FFFF;
	_ =	strace $0x9FFFFFFF  }
0xc2: {  	(tm) =	ssettm $0x7FFFFFFF  }
0xc3: {  	_ =	shalt  }
tec
execute0_lowered:
.L_overlay_start_1:
0x0: {  	(tag) =	ssettag $0x1  }
0x1: {  	s1 =	rddreg [dreg:$0x0]  }
0x2: {  	s0 =	rddreg [dreg:$0x1];
	s3 =	simm.s32 $0x0  }
0x3: {  	s2 =	srdreg.scid;
	[smem:$0x7FF] =	sst s3;
	s15 =	sadd.s32 $0x1E00, s0  }
0x4: {  	s18 =	sadd.s32 $0x100, s1;
	_ =	strace $0x80000047;
	[dreg:$0x3] =	wrdreg s15  }
0x5: {  	s4 =	stileid.u32;
	s19 =	sadd.s32 $0x200, s1;
	[dreg:$0x4] =	wrdreg s18  }
0x6: {  	s31 =	simm.s32 $0x4;
	s20 =	sadd.s32 $0x300, s1;
	[dreg:$0x5] =	wrdreg s19  }
0x7: {  	s8 =	simm.s32 $0x3;
	s21 =	sadd.s32 $0x400, s1;
	[dreg:$0x6] =	wrdreg s20  }
0x8: {  	s9 =	simm.s32 $0x0;
	s22 =	sadd.s32 $0x500, s1;
	[dreg:$0x7] =	wrdreg s21  }
0x9: {  	s2 =	sand.u32 $0x1, s2;
	s23 =	sadd.s32 $0x600, s1;
	[dreg:$0x8] =	wrdreg s22  }
0xa: {  	s4 =	sshll.u32 s4, $0x8;
	s24 =	sadd.s32 $0x700, s1;
	[dreg:$0x9] =	wrdreg s23  }
0xb: {  	s6 =	sadd.s32 $0x2000, s0;
	s25 =	sadd.s32 $0x800, s1;
	[dreg:$0xa] =	wrdreg s24  }
0xc: {  	s5 =	sshll.u32 s2, $0x7;
	s2 =	ssub.s32 $0x2, s2;
	[dreg:$0xb] =	wrdreg s25  }
0xd: {  	s15 =	sadd.s32 $0x900, s1;
	s18 =	sadd.s32 $0xC00, s1;
	s19 =	sadd.s32 $0xD00, s1  }
0xe: {  	s20 =	sadd.s32 $0xE00, s1;
	s21 =	sadd.s32 $0xF00, s1;
	s4 =	sor.u32 s5, s4  }
0xf: {  	s17 =	sshrl.u32 s2, $0x1;
	s5 =	simm.s32 $0x2;
	s16 =	sshrl.u32 s4, $0x3  }
0x10: {  	s2 =	ssub.s32 s2, s17;
	s17 =	sadd.s32 $0xB00, s1;
	s26 =	sshll.u32 s4, $0x9  }
.Ltmp0:
0x11: {  	s7 =	sshll.u32 s4, $0x4;
	s29 =	sor.u32 $0x10, s4;
	(pc) =	sbr.rel .LBB2_1-.Ltmp0, $4  }
0x12: {  	s30 =	sor.u32 $0x18, s4;
	s0 =	sadd.s32 s16, s0;
	s16 =	sadd.s32 $0xA00, s1  }
0x13: {  	v0 =	vlaneseq.u32;
	s23 =	sadd.s32 s1, s26;
	s24 =	sadd.s32 s6, s7;
	s25 =	smax.u32 s2, $0x1  }
0x14: {  	v1 =	vshrl.u32 v0, $0x3;
	s26 =	sshll.u32 s4, $0x3;
	s2 =	simm.s32 $0x10080;
	s7 =	simm.s32 $0x18080  }
0x15: {  	vm0 =	vmmov $0xffff;
	v0 =	vand.u32 $0x7, v0;
	v1 =	vmul.u32 $0x8, v1;
	s22 =	sadd.s32 $0x12000, s0;
	s28 =	sadd.s32 $0x1000, s23;
	s0 =	simm.s32 $0x1  }
.LBB2_8:
0x16: {  	s9 =	sadd.s32 $0x1, s9  }
0x17: {  	p0 =	sne.s32 s9, s25  }
.Ltmp1:
0x18: {  	_ = 	snop;
	(pc) =	sbr.rel @!p0 .LBB2_9-.Ltmp1, $1  }
0x19: {  	_ =	sdelay $0x3  }
.LBB2_1:
0x1a: {  	s10 =	rddreg [dreg:$0x3]  }
0x1b: {  	[tilespmem:s3], [sflag:$0x4] =	stream.linear.gather [hbm4b:s10+s3], $0x80, $0x38;
	[tilespmem:$0x18500] =	vst v63  }
0x1c: {  	_ =	swait.ge [sflag:s31], $0x80  }
0x1d: {  	[sflag:s31] =	ssyncset.done $0x0  }
0x1e: {  	[sflag:s31] =	ssyncadd.s32 $0xFFFFFF80  }
0x1f: {  	v2 =	vld.msk [tilespmem:$0x0], $0xff;
	_ =	sdelay $0x4  }
0x20: {  	v3 =	vshll.u32 v2, $0x5  }
0x21: {  	v2 =	vand.u32 $0x7, v2;
	v3 =	vand.u32 $0xFFFFFF00, v3  }
0x22: {  	v2 =	vor.u32 v2, v3  }
0x23: {  	v2 =	vperm.xlane v2, v0;
	_ =	sdelay $0x1  }
0x24: {  	v2 =	vadd.s32 v1, v2;
	_ =	sdelay $0x3  }
0x25: {  	s13 =	simm.s32 $0x80  }
0x26: {  	[tilespmem:s13], [sflag:$0x1] =	stream.indirect_vreg.gather [hbm4b:s1+s3], $0x80, v2, vm0, $0xb8;
	[tilespmem:$0x18500] =	vst v63  }
0x27: {  	s11 =	simm.s32 $0x880;
	s14 =	rddreg [dreg:$0x4]  }
0x28: {  	[tilespmem:s11], [sflag:$0x1] =	stream.indirect_vreg.gather [hbm4b:s14+s3], $0x80, v2, vm0, $0xb8;
	[tilespmem:$0x18500] =	vst v63  }
0x29: {  	s12 =	simm.s32 $0x1080;
	s11 =	rddreg [dreg:$0x5]  }
0x2a: {  	[tilespmem:s12], [sflag:$0x1] =	stream.indirect_vreg.gather [hbm4b:s11+s3], $0x80, v2, vm0, $0xb8;
	[tilespmem:$0x18500] =	vst v63  }
0x2b: {  	s13 =	rddreg [dreg:$0x6];
	s14 =	simm.s32 $0x1880  }
0x2c: {  	[tilespmem:s14], [sflag:$0x1] =	stream.indirect_vreg.gather [hbm4b:s13+s3], $0x80, v2, vm0, $0xb8;
	[tilespmem:$0x18500] =	vst v63  }
0x2d: {  	s11 =	rddreg [dreg:$0x7];
	s12 =	simm.s32 $0x2080  }
0x2e: {  	[tilespmem:s12], [sflag:$0x1] =	stream.indirect_vreg.gather [hbm4b:s11+s3], $0x80, v2, vm0, $0xb8;
	[tilespmem:$0x18500] =	vst v63  }
0x2f: {  	s13 =	rddreg [dreg:$0x8];
	s14 =	simm.s32 $0x2880  }
0x30: {  	[tilespmem:s14], [sflag:$0x1] =	stream.indirect_vreg.gather [hbm4b:s13+s3], $0x80, v2, vm0, $0xb8;
	[tilespmem:$0x18500] =	vst v63  }
0x31: {  	s11 =	rddreg [dreg:$0x9];
	s12 =	simm.s32 $0x3080  }
0x32: {  	[tilespmem:s12], [sflag:$0x1] =	stream.indirect_vreg.gather [hbm4b:s11+s3], $0x80, v2, vm0, $0xb8;
	[tilespmem:$0x18500] =	vst v63  }
0x33: {  	s13 =	rddreg [dreg:$0xa];
	s14 =	simm.s32 $0x3880  }
0x34: {  	[tilespmem:s14], [sflag:$0x1] =	stream.indirect_vreg.gather [hbm4b:s13+s3], $0x80, v2, vm0, $0xb8;
	[tilespmem:$0x18500] =	vst v63  }
0x35: {  	s12 =	rddreg [dreg:$0xb];
	s13 =	simm.s32 $0x4080  }
0x36: {  	[tilespmem:s13], [sflag:$0x1] =	stream.indirect_vreg.gather [hbm4b:s12+s3], $0x80, v2, vm0, $0xb8;
	[tilespmem:$0x18500] =	vst v63  }
0x37: {  	s14 =	simm.s32 $0x4880  }
0x38: {  	[tilespmem:s14], [sflag:$0x1] =	stream.indirect_vreg.gather [hbm4b:s15+s3], $0x80, v2, vm0, $0xb8;
	[tilespmem:$0x18500] =	vst v63  }
0x39: {  	s11 =	simm.s32 $0x5080  }
0x3a: {  	[tilespmem:s11], [sflag:$0x1] =	stream.indirect_vreg.gather [hbm4b:s16+s3], $0x80, v2, vm0, $0xb8;
	[tilespmem:$0x18500] =	vst v63  }
0x3b: {  	s12 =	simm.s32 $0x5880  }
0x3c: {  	[tilespmem:s12], [sflag:$0x1] =	stream.indirect_vreg.gather [hbm4b:s17+s3], $0x80, v2, vm0, $0xb8;
	[tilespmem:$0x18500] =	vst v63  }
0x3d: {  	s13 =	simm.s32 $0x6080  }
0x3e: {  	[tilespmem:s13], [sflag:$0x1] =	stream.indirect_vreg.gather [hbm4b:s18+s3], $0x80, v2, vm0, $0xb8;
	[tilespmem:$0x18500] =	vst v63  }
0x3f: {  	s14 =	simm.s32 $0x6880  }
0x40: {  	[tilespmem:s14], [sflag:$0x1] =	stream.indirect_vreg.gather [hbm4b:s19+s3], $0x80, v2, vm0, $0xb8;
	[tilespmem:$0x18500] =	vst v63  }
0x41: {  	s11 =	simm.s32 $0x7080  }
0x42: {  	[tilespmem:s11], [sflag:$0x1] =	stream.indirect_vreg.gather [hbm4b:s20+s3], $0x80, v2, vm0, $0xb8;
	[tilespmem:$0x18500] =	vst v63  }
0x43: {  	s12 =	simm.s32 $0x7880  }
0x44: {  	[tilespmem:s12], [sflag:$0x1] =	stream.indirect_vreg.gather [hbm4b:s21+s3], $0x80, v2, vm0, $0xb8;
	[tilespmem:$0x18500] =	vst v63  }
0x45: {  	_ =	swait.ge [sflag:s0], $0x8000  }
0x46: {  	[sflag:s0] =	ssyncset.done $0x0  }
0x47: {  	[sflag:s0] =	ssyncadd.s32 $0xFFFF8000  }
0x48: {  	v2 =	vld [tilespmem:s26+$0x80];
	_ =	sdelay $0x4  }
0x49: {  	[tilespmem:$0x18480] =	vst v2  }
0x4a: {  	v2 =	vld [tilespmem:s26+$0x90];
	_ =	sdelay $0x4  }
0x4b: {  	[tilespmem:$0x18490] =	vst v2  }
0x4c: {  	v2 =	vld [tilespmem:s26+$0xA0];
	_ =	sdelay $0x4  }
0x4d: {  	[tilespmem:$0x184A0] =	vst v2  }
0x4e: {  	v2 =	vld [tilespmem:s26+$0xB0];
	_ =	sdelay $0x4  }
0x4f: {  	[tilespmem:$0x184B0] =	vst v2  }
0x50: {  	v2 =	vld [tilespmem:s26+$0xC0];
	_ =	sdelay $0x4  }
0x51: {  	[tilespmem:$0x184C0] =	vst v2  }
0x52: {  	v2 =	vld [tilespmem:s26+$0xD0];
	_ =	sdelay $0x4  }
0x53: {  	[tilespmem:$0x184D0] =	vst v2  }
0x54: {  	v2 =	vld [tilespmem:s26+$0xE0];
	_ =	sdelay $0x4  }
0x55: {  	[tilespmem:$0x184E0] =	vst v2  }
0x56: {  	v2 =	vld [tilespmem:s26+$0xF0];
	_ =	sdelay $0x4  }
0x57: {  	s13 =	simm.s32 $0x18480;
	[tilespmem:$0x184F0] =	vst v2  }
0x58: {  	[hbm4b:s22+s3] =	stream.linear.scatter [tilespmem:s13], [sflag:$0x4], $0x80, $0x38;
	[tilespmem:$0x18500] =	vst v63  }
0x59: {  	_ =	swait.ge [sflag:s31], $0x80  }
0x5a: {  	[sflag:s31] =	ssyncset.done $0x0  }
0x5b: {  	s14 =	simm.s32 $0x8080;
	[sflag:s31] =	ssyncadd.s32 $0xFFFFFF80  }
0x5c: {  	[tilespmem:s14], [sflag:$0x2] =	stream.linear.gather [hbm4b:s23+s3], $0x8000, $0x38;
	[tilespmem:$0x18500] =	vst v63  }
0x5d: {  	s10 =	simm.s32 $0x0  }
0x5e: {  	[tilespmem:s2], [sflag:$0x3] =	stream.linear.gather [hbm4b:s28+s3], $0x8000, $0x38;
	[tilespmem:$0x18500] =	vst v63  }
.LBB2_2:
0x5f: {  	_ =	swait.ge [sflag:s5], $0x8000  }
0x60: {  	[sflag:s5] =	ssyncset.done $0x0  }
0x61: {  	[sflag:s5] =	ssyncadd.s32 $0xFFFF8000  }
0x62: {  	v22 =	vld [tilespmem:$0x8080]  }
0x63: {  	v23 =	vld [tilespmem:$0x8100]  }
0x64: {  	v24 =	vld [tilespmem:$0x8180]  }
0x65: {  	v25 =	vld [tilespmem:$0x8200]  }
0x66: {  	v10 =	vld [tilespmem:$0x8280]  }
0x67: {  	v11 =	vld [tilespmem:$0x8300]  }
0x68: {  	v8 =	vld [tilespmem:$0x8380]  }
0x69: {  	s11 =	simm.s32 $0x0;
	v9 =	vld [tilespmem:$0x8400]  }
0x6a: {  	v12 =	vld [tilespmem:s11+$0x84F0]  }
0x6b: {  	v13 =	vld [tilespmem:s11+$0x8570]  }
0x6c: {  	v14 =	vld [tilespmem:s11+$0x85F0]  }
0x6d: {  	v15 =	vld [tilespmem:s11+$0x8670]  }
0x6e: {  	v2 =	vld [tilespmem:s11+$0x86F0]  }
0x6f: {  	v3 =	vld [tilespmem:s11+$0x8770]  }
0x70: {  	v19 =	vld [tilespmem:s11+$0x84E0]  }
0x71: {  	v21 =	vld [tilespmem:s11+$0x8560]  }
0x72: {  	v18 =	vld [tilespmem:s11+$0x85E0]  }
0x73: {  	v20 =	vld [tilespmem:s11+$0x8660]  }
0x74: {  	v4 =	vld [tilespmem:s11+$0x86E0]  }
0x75: {  	v5 =	vld [tilespmem:s11+$0x8760]  }
0x76: {  	v26 =	vld [tilespmem:s11+$0x84D0]  }
0x77: {  	v27 =	vld [tilespmem:s11+$0x8550]  }
0x78: {  	v35 =	vld [tilespmem:s11+$0x85D0]  }
0x79: {  	v36 =	vld [tilespmem:s11+$0x8650]  }
0x7a: {  	v6 =	vld [tilespmem:s11+$0x86D0]  }
0x7b: {  	v7 =	vld [tilespmem:s11+$0x8750]  }
0x7c: {  	v32 =	vld [tilespmem:s11+$0x84C0]  }
0x7d: {  	v33 =	vld [tilespmem:s11+$0x8540]  }
0x7e: {  	v34 =	vld [tilespmem:s11+$0x85C0]  }
0x7f: {  	v37 =	vld [tilespmem:s11+$0x8640]  }
0x80: {  	v16 =	vld [tilespmem:s11+$0x86C0]  }
0x81: {  	v17 =	vld [tilespmem:s11+$0x8740]  }
0x82: {  	v30 =	vld [tilespmem:s11+$0x84B0]  }
0x83: {  	v31 =	vld [tilespmem:s11+$0x8530]  }
0x84: {  	v28 =	vld [tilespmem:s11+$0x84A0]  }
0x85: {  	v29 =	vld [tilespmem:s11+$0x8520]  }
0x86: {  	v38 =	vld [tilespmem:s11+$0x8490]  }
0x87: {  	v39 =	vld [tilespmem:s11+$0x8510]  }
0x88: {  	v40 =	vld [tilespmem:s11+$0x8480]  }
0x89: {  	v41 =	vld [tilespmem:s11+$0x8500]  }
0x8a: {  	v42 =	vld [tilespmem:s11+$0x8580]  }
0x8b: {  	v43 =	vld [tilespmem:s11+$0x8600]  }
0x8c: {  	v44 =	vld [tilespmem:s11+$0x8590]  }
0x8d: {  	v45 =	vld [tilespmem:s11+$0x8610]  }
0x8e: {  	v46 =	vld [tilespmem:s11+$0x85A0]  }
0x8f: {  	v57 =	vld [tilespmem:s11+$0x8620];
	v22 =	vadd.f32 v40, v22;
	v23 =	vadd.f32 v41, v23  }
0x90: {  	v58 =	vld [tilespmem:s11+$0x85B0];
	v24 =	vadd.f32 v42, v24;
	v25 =	vadd.f32 v43, v25  }
0x91: {  	v59 =	vld [tilespmem:s11+$0x8630];
	v38 =	vadd.f32 v38, v22;
	v23 =	vadd.f32 v39, v23  }
0x92: {  	v24 =	vadd.f32 v44, v24;
	v25 =	vadd.f32 v45, v25;
	v22 =	vld [tilespmem:s11+$0x86B0]  }
0x93: {  	v38 =	vadd.f32 v28, v38;
	v60 =	vadd.f32 v29, v23;
	v23 =	vld [tilespmem:s11+$0x8730]  }
0x94: {  	v24 =	vadd.f32 v46, v24;
	v25 =	vadd.f32 v57, v25;
	v28 =	vld [tilespmem:s11+$0x86A0]  }
0x95: {  	v29 =	vld [tilespmem:s11+$0x8720];
	v38 =	vadd.f32 v30, v38;
	v61 =	vadd.f32 v31, v60  }
0x96: {  	v30 =	vld [tilespmem:s11+$0x8690];
	v24 =	vadd.f32 v58, v24;
	v25 =	vadd.f32 v59, v25  }
0x97: {  	v31 =	vld [tilespmem:s11+$0x8710];
	v38 =	vadd.f32 v32, v38;
	v62 =	vadd.f32 v33, v61  }
0x98: {  	v32 =	vld [tilespmem:s11+$0x8680];
	v63 =	vadd.f32 v34, v24;
	v37 =	vadd.f32 v37, v25  }
0x99: {  	v33 =	vld [tilespmem:s11+$0x8700];
	v24 =	vadd.f32 v26, v38;
	v25 =	vadd.f32 v27, v62  }
0x9a: {  	s12 =	simm.s32 $0x1000;
	v34 =	vld [tilespmem:s11+$0x8780];
	v26 =	vadd.f32 v35, v63;
	v27 =	vadd.f32 v36, v37  }
.LBB2_3:
0x9b: {  	p0 =	sne.s32 s12, $0x1E000;
	v35 =	vld [tilespmem:s11+$0x8800];
	v19 =	vadd.f32 v19, v24;
	v21 =	vadd.f32 v21, v25  }
0x9c: {  	v36 =	vld [tilespmem:s11+$0x8790];
	v18 =	vadd.f32 v18, v26;
	v20 =	vadd.f32 v20, v27  }
0x9d: {  	v37 =	vld [tilespmem:s11+$0x8810];
	v24 =	vadd.f32 v12, v19;
	v25 =	vadd.f32 v13, v21  }
0x9e: {  	v12 =	vld [tilespmem:s11+$0x87A0];
	v26 =	vadd.f32 v14, v18;
	v27 =	vadd.f32 v15, v20  }
0x9f: {  	v10 =	vadd.f32 v32, v10;
	v11 =	vadd.f32 v33, v11;
	v13 =	vld [tilespmem:s11+$0x8820]  }
0xa0: {  	v8 =	vadd.f32 v34, v8;
	v9 =	vadd.f32 v35, v9;
	v14 =	vld [tilespmem:s11+$0x87B0]  }
0xa1: {  	v10 =	vadd.f32 v30, v10;
	v11 =	vadd.f32 v31, v11;
	v15 =	vld [tilespmem:s11+$0x8830]  }
0xa2: {  	v8 =	vadd.f32 v36, v8;
	v9 =	vadd.f32 v37, v9;
	v18 =	vld [tilespmem:s11+$0x87C0]  }
0xa3: {  	v10 =	vadd.f32 v28, v10;
	v11 =	vadd.f32 v29, v11;
	v19 =	vld [tilespmem:s11+$0x8840]  }
0xa4: {  	v8 =	vadd.f32 v12, v8;
	v9 =	vadd.f32 v13, v9;
	v13 =	vld [tilespmem:s11+$0x87D0]  }
0xa5: {  	v10 =	vadd.f32 v22, v10;
	v11 =	vadd.f32 v23, v11;
	v20 =	vld [tilespmem:s11+$0x8850]  }
0xa6: {  	v8 =	vadd.f32 v14, v8;
	v9 =	vadd.f32 v15, v9;
	v15 =	vld [tilespmem:s11+$0x87E0]  }
0xa7: {  	v10 =	vadd.f32 v16, v10;
	v11 =	vadd.f32 v17, v11;
	v16 =	vld [tilespmem:s11+$0x8860]  }
0xa8: {  	v8 =	vadd.f32 v18, v8;
	v9 =	vadd.f32 v19, v9;
	v17 =	vld [tilespmem:s11+$0x87F0]  }
0xa9: {  	v6 =	vadd.f32 v6, v10;
	v7 =	vadd.f32 v7, v11;
	v18 =	vld [tilespmem:s11+$0x8870];
	s11 =	sshra.s32 s12, $0x2  }
0xaa: {  	v8 =	vadd.f32 v13, v8;
	v12 =	vld [tilespmem:s11+$0x84F0];
	v9 =	vadd.f32 v20, v9  }
0xab: {  	v4 =	vadd.f32 v4, v6;
	v5 =	vadd.f32 v5, v7;
	v13 =	vld [tilespmem:s11+$0x8570]  }
0xac: {  	v6 =	vadd.f32 v15, v8;
	v14 =	vld [tilespmem:s11+$0x85F0];
	v7 =	vadd.f32 v16, v9  }
0xad: {  	v10 =	vadd.f32 v2, v4;
	v11 =	vadd.f32 v3, v5;
	v15 =	vld [tilespmem:s11+$0x8670]  }
0xae: {  	v8 =	vadd.f32 v17, v6;
	v2 =	vld [tilespmem:s11+$0x86F0];
	v9 =	vadd.f32 v18, v7  }
0xaf: {  	v3 =	vld [tilespmem:s11+$0x8770]  }
0xb0: {  	v19 =	vld [tilespmem:s11+$0x84E0]  }
0xb1: {  	v21 =	vld [tilespmem:s11+$0x8560]  }
0xb2: {  	v18 =	vld [tilespmem:s11+$0x85E0]  }
0xb3: {  	v20 =	vld [tilespmem:s11+$0x8660]  }
0xb4: {  	v4 =	vld [tilespmem:s11+$0x86E0]  }
0xb5: {  	v5 =	vld [tilespmem:s11+$0x8760]  }
0xb6: {  	v34 =	vld [tilespmem:s11+$0x84D0]  }
0xb7: {  	v35 =	vld [tilespmem:s11+$0x8550]  }
0xb8: {  	v36 =	vld [tilespmem:s11+$0x85D0]  }
0xb9: {  	v37 =	vld [tilespmem:s11+$0x8650]  }
0xba: {  	v6 =	vld [tilespmem:s11+$0x86D0]  }
0xbb: {  	v7 =	vld [tilespmem:s11+$0x8750]  }
0xbc: {  	v32 =	vld [tilespmem:s11+$0x84C0]  }
0xbd: {  	v33 =	vld [tilespmem:s11+$0x8540]  }
0xbe: {  	v38 =	vld [tilespmem:s11+$0x85C0]  }
0xbf: {  	v39 =	vld [tilespmem:s11+$0x8640]  }
0xc0: {  	v16 =	vld [tilespmem:s11+$0x86C0]  }
0xc1: {  	v17 =	vld [tilespmem:s11+$0x8740]  }
0xc2: {  	v30 =	vld [tilespmem:s11+$0x84B0]  }
0xc3: {  	v31 =	vld [tilespmem:s11+$0x8530]  }
0xc4: {  	v23 =	vld [tilespmem:s11+$0x84A0]  }
0xc5: {  	v28 =	vld [tilespmem:s11+$0x8520]  }
0xc6: {  	v22 =	vld [tilespmem:s11+$0x8490]  }
0xc7: {  	v29 =	vld [tilespmem:s11+$0x8510]  }
0xc8: {  	v40 =	vld [tilespmem:s11+$0x8480]  }
0xc9: {  	v41 =	vld [tilespmem:s11+$0x8500]  }
0xca: {  	v42 =	vld [tilespmem:s11+$0x8580]  }
0xcb: {  	v43 =	vld [tilespmem:s11+$0x8600]  }
0xcc: {  	v44 =	vld [tilespmem:s11+$0x8590]  }
0xcd: {  	v45 =	vld [tilespmem:s11+$0x8610]  }
0xce: {  	v46 =	vld [tilespmem:s11+$0x85A0]  }
0xcf: {  	v24 =	vadd.f32 v40, v24;
	v25 =	vadd.f32 v41, v25;
	v40 =	vld [tilespmem:s11+$0x8620]  }
0xd0: {  	v26 =	vadd.f32 v42, v26;
	v27 =	vadd.f32 v43, v27;
	v41 =	vld [tilespmem:s11+$0x85B0]  }
0xd1: {  	v24 =	vadd.f32 v22, v24;
	v25 =	vadd.f32 v29, v25;
	v42 =	vld [tilespmem:s11+$0x8630]  }
0xd2: {  	v26 =	vadd.f32 v44, v26;
	v27 =	vadd.f32 v45, v27;
	v22 =	vld [tilespmem:s11+$0x86B0]  }
0xd3: {  	v24 =	vadd.f32 v23, v24;
	v25 =	vadd.f32 v28, v25;
	v23 =	vld [tilespmem:s11+$0x8730]  }
0xd4: {  	v26 =	vadd.f32 v46, v26;
	v27 =	vadd.f32 v40, v27;
	v28 =	vld [tilespmem:s11+$0x86A0]  }
0xd5: {  	v24 =	vadd.f32 v30, v24;
	v25 =	vadd.f32 v31, v25;
	v29 =	vld [tilespmem:s11+$0x8720]  }
.Ltmp2:
0xd6: {  	v26 =	vadd.f32 v41, v26;
	v30 =	vld [tilespmem:s11+$0x8690];
	v27 =	vadd.f32 v42, v27;
	(pc) =	sbr.rel @p0 .LBB2_3-.Ltmp2, $4  }
0xd7: {  	v24 =	vadd.f32 v32, v24;
	v25 =	vadd.f32 v33, v25;
	v31 =	vld [tilespmem:s11+$0x8710]  }
0xd8: {  	v26 =	vadd.f32 v38, v26;
	v32 =	vld [tilespmem:s11+$0x8680];
	v27 =	vadd.f32 v39, v27  }
0xd9: {  	v24 =	vadd.f32 v34, v24;
	v25 =	vadd.f32 v35, v25;
	v33 =	vld [tilespmem:s11+$0x8700]  }
0xda: {  	s12 =	sadd.s32 $0x1000, s12;
	v26 =	vadd.f32 v36, v26;
	v34 =	vld [tilespmem:s11+$0x8780];
	v27 =	vadd.f32 v37, v27  }
0xdb: {  	v35 =	vld [tilespmem:s11+$0x8800]  }
0xdc: {  	v36 =	vld [tilespmem:s11+$0x8790]  }
0xdd: {  	v37 =	vld [tilespmem:s11+$0x8810]  }
0xde: {  	v38 =	vld [tilespmem:s11+$0x87A0]  }
0xdf: {  	v39 =	vld [tilespmem:s11+$0x8820]  }
0xe0: {  	v40 =	vld [tilespmem:s11+$0x87B0]  }
0xe1: {  	v41 =	vld [tilespmem:s11+$0x8830]  }
0xe2: {  	v42 =	vld [tilespmem:s11+$0x87C0]  }
0xe3: {  	v43 =	vld [tilespmem:s11+$0x8840]  }
0xe4: {  	v44 =	vld [tilespmem:s11+$0x87D0]  }
0xe5: {  	v45 =	vld [tilespmem:s11+$0x8850]  }
0xe6: {  	v46 =	vld [tilespmem:s11+$0x87E0]  }
0xe7: {  	v47 =	vld [tilespmem:s11+$0x8860]  }
0xe8: {  	v48 =	vld [tilespmem:s11+$0x87F0]  }
0xe9: {  	v49 =	vld [tilespmem:s11+$0x8870]  }
0xea: {  	v50 =	vld [tilespmem:$0x8090]  }
0xeb: {  	v51 =	vld [tilespmem:$0x8110]  }
0xec: {  	v52 =	vld [tilespmem:$0x8190]  }
0xed: {  	v53 =	vld [tilespmem:$0x8210]  }
0xee: {  	v54 =	vld [tilespmem:$0x8290]  }
0xef: {  	v55 =	vld [tilespmem:$0x8310]  }
0xf0: {  	v56 =	vld [tilespmem:$0x8390]  }
0xf1: {  	v57 =	vld [tilespmem:$0x8410]  }
0xf2: {  	v58 =	vld [tilespmem:$0x80A0]  }
0xf3: {  	v59 =	vld [tilespmem:$0x8120]  }
0xf4: {  	v60 =	vld [tilespmem:$0x81A0]  }
0xf5: {  	v61 =	vld [tilespmem:$0x8220]  }
0xf6: {  	v19 =	vadd.f32 v19, v24;
	v21 =	vadd.f32 v21, v25;
	v24 =	vld [tilespmem:$0x82A0]  }
0xf7: {  	v25 =	vld [tilespmem:$0x8320];
	v18 =	vadd.f32 v18, v26;
	v20 =	vadd.f32 v20, v27  }
0xf8: {  	v26 =	vld [tilespmem:$0x81B0];
	v12 =	vadd.f32 v12, v19;
	v13 =	vadd.f32 v13, v21  }
0xf9: {  	v27 =	vld [tilespmem:$0x8230];
	v10 =	vadd.f32 v32, v10;
	v14 =	vadd.f32 v14, v18  }
0xfa: {  	v19 =	vld [tilespmem:$0x83A0];
	v15 =	vadd.f32 v15, v20;
	v11 =	vadd.f32 v33, v11  }
0xfb: {  	v21 =	vld [tilespmem:$0x8130];
	v8 =	vadd.f32 v34, v8;
	v10 =	vadd.f32 v30, v10  }
0xfc: {  	v18 =	vld [tilespmem:$0x8420];
	v9 =	vadd.f32 v35, v9;
	v11 =	vadd.f32 v31, v11  }
0xfd: {  	v20 =	vld [tilespmem:$0x80B0];
	v12 =	vadd.f32 v50, v12;
	v13 =	vadd.f32 v51, v13  }
0xfe: {  	v30 =	vld [tilespmem:$0x80D0];
	v14 =	vadd.f32 v52, v14;
	v15 =	vadd.f32 v53, v15  }
0xff: {  	v31 =	vld [tilespmem:$0x8150];
	v8 =	vadd.f32 v36, v8;
	v10 =	vadd.f32 v28, v10  }
0x100: {  	v28 =	vld [tilespmem:$0x82B0];
	v9 =	vadd.f32 v37, v9;
	v11 =	vadd.f32 v29, v11  }
0x101: {  	v29 =	vld [tilespmem:$0x8330];
	v12 =	vadd.f32 v58, v12;
	v13 =	vadd.f32 v59, v13  }
0x102: {  	v59 =	vld [tilespmem:$0x82D0];
	v14 =	vadd.f32 v60, v14;
	v15 =	vadd.f32 v61, v15  }
0x103: {  	v61 =	vld [tilespmem:$0x8350];
	v8 =	vadd.f32 v38, v8;
	v10 =	vadd.f32 v22, v10  }
0x104: {  	v22 =	vld [tilespmem:$0x83B0];
	v9 =	vadd.f32 v39, v9;
	v11 =	vadd.f32 v23, v11  }
0x105: {  	v23 =	vld [tilespmem:$0x8430];
	v12 =	vadd.f32 v20, v12;
	v13 =	vadd.f32 v21, v13  }
0x106: {  	v14 =	vadd.f32 v26, v14;
	v15 =	vadd.f32 v27, v15;
	v20 =	vld [tilespmem:$0x8160]  }
0x107: {  	v21 =	vld [tilespmem:$0x81E0];
	v8 =	vadd.f32 v40, v8;
	v10 =	vadd.f32 v16, v10  }
0x108: {  	v16 =	vld [tilespmem:$0x80C0];
	v9 =	vadd.f32 v41, v9;
	v11 =	vadd.f32 v17, v11  }
0x109: {  	v17 =	vld [tilespmem:$0x8140];
	v8 =	vadd.f32 v42, v8;
	v6 =	vadd.f32 v6, v10  }
0x10a: {  	v10 =	vld [tilespmem:$0x81C0];
	v9 =	vadd.f32 v43, v9;
	v7 =	vadd.f32 v7, v11  }
0x10b: {  	v11 =	vld [tilespmem:$0x8240];
	v8 =	vadd.f32 v44, v8;
	v4 =	vadd.f32 v4, v6  }
0x10c: {  	v6 =	vld [tilespmem:$0x82C0];
	v9 =	vadd.f32 v45, v9;
	v5 =	vadd.f32 v5, v7  }
0x10d: {  	v12 =	vadd.f32 v16, v12;
	v16 =	vld [tilespmem:$0x82E0];
	v7 =	vadd.f32 v46, v8  }
0x10e: {  	v2 =	vadd.f32 v2, v4;
	v4 =	vld [tilespmem:$0x83C0];
	v13 =	vadd.f32 v17, v13  }
0x10f: {  	v17 =	vld [tilespmem:$0x8270];
	v8 =	vadd.f32 v47, v9;
	v3 =	vadd.f32 v3, v5  }
0x110: {  	v9 =	vld [tilespmem:$0x8340];
	v10 =	vadd.f32 v10, v14;
	v5 =	vadd.f32 v48, v7  }
0x111: {  	v14 =	vld [tilespmem:$0x8360];
	v2 =	vadd.f32 v54, v2;
	v11 =	vadd.f32 v11, v15  }
0x112: {  	v15 =	vld [tilespmem:$0x81F0];
	v7 =	vadd.f32 v49, v8;
	v3 =	vadd.f32 v55, v3  }
0x113: {  	v55 =	vld [tilespmem:$0x81D0];
	v5 =	vadd.f32 v56, v5;
	v2 =	vadd.f32 v24, v2  }
0x114: {  	v8 =	vld [tilespmem:$0x8440];
	v7 =	vadd.f32 v57, v7;
	v3 =	vadd.f32 v25, v3  }
0x115: {  	v57 =	vld [tilespmem:$0x8250];
	v5 =	vadd.f32 v19, v5;
	v2 =	vadd.f32 v28, v2  }
0x116: {  	v24 =	vld [tilespmem:$0x83D0];
	v7 =	vadd.f32 v18, v7;
	v3 =	vadd.f32 v29, v3  }
0x117: {  	v19 =	vld [tilespmem:$0x80E0];
	v5 =	vadd.f32 v22, v5;
	v2 =	vadd.f32 v6, v2  }
0x118: {  	v18 =	vld [tilespmem:$0x8450];
	v10 =	vadd.f32 v55, v10;
	v7 =	vadd.f32 v23, v7  }
0x119: {  	v22 =	vld [tilespmem:$0x8260];
	v3 =	vadd.f32 v9, v3;
	v9 =	vadd.f32 v31, v13  }
0x11a: {  	v13 =	vld [tilespmem:$0x8170];
	v4 =	vadd.f32 v4, v5;
	v11 =	vadd.f32 v57, v11  }
0x11b: {  	v5 =	vadd.f32 v8, v7;
	v8 =	vadd.f32 v30, v12;
	v12 =	vld [tilespmem:$0x80F0]  }
0x11c: {  	v6 =	vld [tilespmem:$0x83E0];
	v2 =	vadd.f32 v59, v2;
	v10 =	vadd.f32 v21, v10  }
0x11d: {  	v7 =	vld [tilespmem:$0x8460];
	v9 =	vadd.f32 v20, v9;
	v4 =	vadd.f32 v24, v4  }
0x11e: {  	v8 =	vadd.f32 v19, v8;
	v5 =	vadd.f32 v18, v5;
	v18 =	vld [tilespmem:$0x82F0]  }
0x11f: {  	v10 =	vadd.f32 v15, v10;
	v9 =	vadd.f32 v13, v9;
	v13 =	vld [tilespmem:$0x83F0]  }
0x120: {  	v15 =	vld [tilespmem:$0x8470];
	v11 =	vadd.f32 v22, v11;
	v8 =	vadd.f32 v12, v8  }
0x121: {  	v3 =	vadd.f32 v61, v3;
	v2 =	vadd.f32 v16, v2;
	[tilespmem:$0x18180] =	vst v10;
	v12 =	vld [tilespmem:$0x8370]  }
0x122: {  	v4 =	vadd.f32 v6, v4;
	[tilespmem:$0x18080] =	vst v8;
	v8 =	vadd.f32 v17, v11  }
0x123: {  	[tilespmem:$0x18100] =	vst v9;
	v5 =	vadd.f32 v7, v5;
	v2 =	vadd.f32 v18, v2  }
0x124: {  	v3 =	vadd.f32 v14, v3;
	v4 =	vadd.f32 v13, v4;
	[tilespmem:$0x18200] =	vst v8  }
0x125: {  	[tilespmem:$0x18280] =	vst v2;
	v2 =	vadd.f32 v15, v5  }
0x126: {  	v3 =	vadd.f32 v12, v3;
	[tilespmem:$0x18380] =	vst v4  }
0x127: {  	s14 =	sshll.u32 s10, $0x8;
	[tilespmem:$0x18400] =	vst v2  }
0x128: {  	s11 =	sadd.s32 s14, s24;
	[tilespmem:$0x18300] =	vst v3  }
0x129: {  	[hbm4b:s11+s3] =	stream.linear.scatter [tilespmem:s7], [sflag:$0x4], $0x400, $0x38;
	[tilespmem:$0x18500] =	vst v63  }
0x12a: {  	p0 =	seq.s32 s10, $0x7;
	s11 =	sshll.u32 s10, $0x4  }
0x12b: {  	_ =	swait.ge [sflag:s31], $0x400;
	s12 =	sadd.s32 @!p0 s11, s29  }
0x12c: {  	s13 =	simm.s32 @!p0 $0x0;
	[sflag:s31] =	ssyncset.done $0x0;
	s12 =	sshll.u32 @!p0 s12, $0x9  }
0x12d: {  	s14 =	simm.s32 @!p0 $0x8080;
	[sflag:s31] =	ssyncadd.s32 $0xFFFFFC00;
	s12 =	sadd.s32 @!p0 s1, s12  }
0x12e: {  	[tilespmem:s14], [sflag:$0x2] =	stream.linear.gather @!p0 [hbm4b:s12+s13], $0x8000, $0x38;
	[tilespmem:$0x18500] =	vst v63  }
0x12f: {  	_ =	swait.ge [sflag:s8], $0x8000  }
0x130: {  	[sflag:s8] =	ssyncset.done $0x0  }
0x131: {  	[sflag:s8] =	ssyncadd.s32 $0xFFFF8000  }
0x132: {  	v22 =	vld [tilespmem:$0x10080]  }
0x133: {  	v23 =	vld [tilespmem:$0x10100]  }
0x134: {  	v24 =	vld [tilespmem:$0x10180]  }
0x135: {  	v25 =	vld [tilespmem:$0x10200]  }
0x136: {  	v10 =	vld [tilespmem:$0x10280]  }
0x137: {  	v11 =	vld [tilespmem:$0x10300]  }
0x138: {  	v8 =	vld [tilespmem:$0x10380]  }
0x139: {  	s12 =	simm.s32 $0x0;
	v9 =	vld [tilespmem:$0x10400]  }
0x13a: {  	v12 =	vld [tilespmem:s12+$0x104F0]  }
0x13b: {  	v13 =	vld [tilespmem:s12+$0x10570]  }
0x13c: {  	v14 =	vld [tilespmem:s12+$0x105F0]  }
0x13d: {  	v15 =	vld [tilespmem:s12+$0x10670]  }
0x13e: {  	v2 =	vld [tilespmem:s12+$0x106F0]  }
0x13f: {  	v3 =	vld [tilespmem:s12+$0x10770]  }
0x140: {  	v19 =	vld [tilespmem:s12+$0x104E0]  }
0x141: {  	v21 =	vld [tilespmem:s12+$0x10560]  }
0x142: {  	v18 =	vld [tilespmem:s12+$0x105E0]  }
0x143: {  	v20 =	vld [tilespmem:s12+$0x10660]  }
0x144: {  	v4 =	vld [tilespmem:s12+$0x106E0]  }
0x145: {  	v5 =	vld [tilespmem:s12+$0x10760]  }
0x146: {  	v26 =	vld [tilespmem:s12+$0x104D0]  }
0x147: {  	v27 =	vld [tilespmem:s12+$0x10550]  }
0x148: {  	v35 =	vld [tilespmem:s12+$0x105D0]  }
0x149: {  	v36 =	vld [tilespmem:s12+$0x10650]  }
0x14a: {  	v6 =	vld [tilespmem:s12+$0x106D0]  }
0x14b: {  	v7 =	vld [tilespmem:s12+$0x10750]  }
0x14c: {  	v32 =	vld [tilespmem:s12+$0x104C0]  }
0x14d: {  	v62 =	vld [tilespmem:s12+$0x10540]  }
0x14e: {  	v63 =	vld [tilespmem:s12+$0x105C0]  }
0x14f: {  	v37 =	vld [tilespmem:s12+$0x10640]  }
0x150: {  	v16 =	vld [tilespmem:s12+$0x106C0]  }
0x151: {  	v17 =	vld [tilespmem:s12+$0x10740]  }
0x152: {  	v30 =	vld [tilespmem:s12+$0x104B0]  }
0x153: {  	v31 =	vld [tilespmem:s12+$0x10530]  }
0x154: {  	v28 =	vld [tilespmem:s12+$0x104A0]  }
0x155: {  	v29 =	vld [tilespmem:s12+$0x10520]  }
0x156: {  	v48 =	vld [tilespmem:s12+$0x10490]  }
0x157: {  	v49 =	vld [tilespmem:s12+$0x10510]  }
0x158: {  	v50 =	vld [tilespmem:s12+$0x10480]  }
0x159: {  	v51 =	vld [tilespmem:s12+$0x10500]  }
0x15a: {  	v52 =	vld [tilespmem:s12+$0x10580]  }
0x15b: {  	v53 =	vld [tilespmem:s12+$0x10600]  }
0x15c: {  	v54 =	vld [tilespmem:s12+$0x10590]  }
0x15d: {  	v55 =	vld [tilespmem:s12+$0x10610]  }
0x15e: {  	v56 =	vld [tilespmem:s12+$0x105A0]  }
0x15f: {  	v57 =	vld [tilespmem:s12+$0x10620];
	v22 =	vadd.f32 v50, v22;
	v23 =	vadd.f32 v51, v23  }
0x160: {  	v58 =	vld [tilespmem:s12+$0x105B0];
	v24 =	vadd.f32 v52, v24;
	v25 =	vadd.f32 v53, v25  }
0x161: {  	v59 =	vld [tilespmem:s12+$0x10630];
	v38 =	vadd.f32 v48, v22;
	v23 =	vadd.f32 v49, v23  }
0x162: {  	v33 =	vld [tilespmem:s12+$0x10700];
	v24 =	vadd.f32 v54, v24;
	v25 =	vadd.f32 v55, v25  }
0x163: {  	v34 =	vld [tilespmem:s12+$0x10780];
	v38 =	vadd.f32 v28, v38;
	v60 =	vadd.f32 v29, v23  }
0x164: {  	v22 =	vld [tilespmem:s12+$0x106B0];
	v24 =	vadd.f32 v56, v24;
	v25 =	vadd.f32 v57, v25  }
0x165: {  	v23 =	vld [tilespmem:s12+$0x10730];
	v38 =	vadd.f32 v30, v38;
	v61 =	vadd.f32 v31, v60  }
0x166: {  	v28 =	vld [tilespmem:s12+$0x106A0];
	v24 =	vadd.f32 v58, v24;
	v25 =	vadd.f32 v59, v25  }
0x167: {  	v29 =	vld [tilespmem:s12+$0x10720];
	v38 =	vadd.f32 v32, v38;
	v62 =	vadd.f32 v62, v61  }
0x168: {  	v30 =	vld [tilespmem:s12+$0x10690];
	v63 =	vadd.f32 v63, v24;
	v37 =	vadd.f32 v37, v25  }
0x169: {  	v31 =	vld [tilespmem:s12+$0x10710];
	v24 =	vadd.f32 v26, v38;
	v25 =	vadd.f32 v27, v62  }
0x16a: {  	s13 =	simm.s32 $0x1000;
	v32 =	vld [tilespmem:s12+$0x10680];
	v26 =	vadd.f32 v35, v63;
	v27 =	vadd.f32 v36, v37  }
.LBB2_5:
0x16b: {  	p1 =	sne.s32 s13, $0x1E000;
	v35 =	vld [tilespmem:s12+$0x10800];
	v19 =	vadd.f32 v19, v24;
	v21 =	vadd.f32 v21, v25  }
0x16c: {  	v36 =	vld [tilespmem:s12+$0x10790];
	v18 =	vadd.f32 v18, v26;
	v20 =	vadd.f32 v20, v27  }
0x16d: {  	v37 =	vld [tilespmem:s12+$0x10810];
	v24 =	vadd.f32 v12, v19;
	v25 =	vadd.f32 v13, v21  }
0x16e: {  	v12 =	vld [tilespmem:s12+$0x107A0];
	v26 =	vadd.f32 v14, v18;
	v27 =	vadd.f32 v15, v20  }
0x16f: {  	v10 =	vadd.f32 v32, v10;
	v11 =	vadd.f32 v33, v11;
	v13 =	vld [tilespmem:s12+$0x10820]  }
0x170: {  	v8 =	vadd.f32 v34, v8;
	v9 =	vadd.f32 v35, v9;
	v14 =	vld [tilespmem:s12+$0x107B0]  }
0x171: {  	v10 =	vadd.f32 v30, v10;
	v11 =	vadd.f32 v31, v11;
	v15 =	vld [tilespmem:s12+$0x10830]  }
0x172: {  	v8 =	vadd.f32 v36, v8;
	v9 =	vadd.f32 v37, v9;
	v18 =	vld [tilespmem:s12+$0x107C0]  }
0x173: {  	v10 =	vadd.f32 v28, v10;
	v11 =	vadd.f32 v29, v11;
	v19 =	vld [tilespmem:s12+$0x10840]  }
0x174: {  	v8 =	vadd.f32 v12, v8;
	v9 =	vadd.f32 v13, v9;
	v13 =	vld [tilespmem:s12+$0x107D0]  }
0x175: {  	v10 =	vadd.f32 v22, v10;
	v11 =	vadd.f32 v23, v11;
	v20 =	vld [tilespmem:s12+$0x10850]  }
0x176: {  	v8 =	vadd.f32 v14, v8;
	v9 =	vadd.f32 v15, v9;
	v15 =	vld [tilespmem:s12+$0x107E0]  }
0x177: {  	v10 =	vadd.f32 v16, v10;
	v11 =	vadd.f32 v17, v11;
	v16 =	vld [tilespmem:s12+$0x10860]  }
0x178: {  	v8 =	vadd.f32 v18, v8;
	v9 =	vadd.f32 v19, v9;
	v17 =	vld [tilespmem:s12+$0x107F0]  }
0x179: {  	v6 =	vadd.f32 v6, v10;
	v7 =	vadd.f32 v7, v11;
	v18 =	vld [tilespmem:s12+$0x10870];
	s12 =	sshra.s32 s13, $0x2  }
0x17a: {  	v8 =	vadd.f32 v13, v8;
	v12 =	vld [tilespmem:s12+$0x104F0];
	v9 =	vadd.f32 v20, v9  }
0x17b: {  	v4 =	vadd.f32 v4, v6;
	v5 =	vadd.f32 v5, v7;
	v13 =	vld [tilespmem:s12+$0x10570]  }
0x17c: {  	v6 =	vadd.f32 v15, v8;
	v14 =	vld [tilespmem:s12+$0x105F0];
	v7 =	vadd.f32 v16, v9  }
0x17d: {  	v10 =	vadd.f32 v2, v4;
	v11 =	vadd.f32 v3, v5;
	v15 =	vld [tilespmem:s12+$0x10670]  }
0x17e: {  	v8 =	vadd.f32 v17, v6;
	v2 =	vld [tilespmem:s12+$0x106F0];
	v9 =	vadd.f32 v18, v7  }
0x17f: {  	v3 =	vld [tilespmem:s12+$0x10770]  }
0x180: {  	v19 =	vld [tilespmem:s12+$0x104E0]  }
0x181: {  	v21 =	vld [tilespmem:s12+$0x10560]  }
0x182: {  	v18 =	vld [tilespmem:s12+$0x105E0]  }
0x183: {  	v20 =	vld [tilespmem:s12+$0x10660]  }
0x184: {  	v4 =	vld [tilespmem:s12+$0x106E0]  }
0x185: {  	v5 =	vld [tilespmem:s12+$0x10760]  }
0x186: {  	v34 =	vld [tilespmem:s12+$0x104D0]  }
0x187: {  	v35 =	vld [tilespmem:s12+$0x10550]  }
0x188: {  	v36 =	vld [tilespmem:s12+$0x105D0]  }
0x189: {  	v37 =	vld [tilespmem:s12+$0x10650]  }
0x18a: {  	v6 =	vld [tilespmem:s12+$0x106D0]  }
0x18b: {  	v7 =	vld [tilespmem:s12+$0x10750]  }
0x18c: {  	v32 =	vld [tilespmem:s12+$0x104C0]  }
0x18d: {  	v33 =	vld [tilespmem:s12+$0x10540]  }
0x18e: {  	v38 =	vld [tilespmem:s12+$0x105C0]  }
0x18f: {  	v39 =	vld [tilespmem:s12+$0x10640]  }
0x190: {  	v16 =	vld [tilespmem:s12+$0x106C0]  }
0x191: {  	v17 =	vld [tilespmem:s12+$0x10740]  }
0x192: {  	v30 =	vld [tilespmem:s12+$0x104B0]  }
0x193: {  	v31 =	vld [tilespmem:s12+$0x10530]  }
0x194: {  	v23 =	vld [tilespmem:s12+$0x104A0]  }
0x195: {  	v28 =	vld [tilespmem:s12+$0x10520]  }
0x196: {  	v22 =	vld [tilespmem:s12+$0x10490]  }
0x197: {  	v29 =	vld [tilespmem:s12+$0x10510]  }
0x198: {  	v40 =	vld [tilespmem:s12+$0x10480]  }
0x199: {  	v41 =	vld [tilespmem:s12+$0x10500]  }
0x19a: {  	v42 =	vld [tilespmem:s12+$0x10580]  }
0x19b: {  	v43 =	vld [tilespmem:s12+$0x10600]  }
0x19c: {  	v44 =	vld [tilespmem:s12+$0x10590]  }
0x19d: {  	v45 =	vld [tilespmem:s12+$0x10610]  }
0x19e: {  	v46 =	vld [tilespmem:s12+$0x105A0]  }
0x19f: {  	v24 =	vadd.f32 v40, v24;
	v25 =	vadd.f32 v41, v25;
	v40 =	vld [tilespmem:s12+$0x10620]  }
0x1a0: {  	v26 =	vadd.f32 v42, v26;
	v27 =	vadd.f32 v43, v27;
	v41 =	vld [tilespmem:s12+$0x105B0]  }
0x1a1: {  	v24 =	vadd.f32 v22, v24;
	v25 =	vadd.f32 v29, v25;
	v42 =	vld [tilespmem:s12+$0x10630]  }
0x1a2: {  	v26 =	vadd.f32 v44, v26;
	v27 =	vadd.f32 v45, v27;
	v22 =	vld [tilespmem:s12+$0x106B0]  }
0x1a3: {  	v24 =	vadd.f32 v23, v24;
	v25 =	vadd.f32 v28, v25;
	v23 =	vld [tilespmem:s12+$0x10730]  }
0x1a4: {  	v26 =	vadd.f32 v46, v26;
	v27 =	vadd.f32 v40, v27;
	v28 =	vld [tilespmem:s12+$0x106A0]  }
0x1a5: {  	v24 =	vadd.f32 v30, v24;
	v25 =	vadd.f32 v31, v25;
	v29 =	vld [tilespmem:s12+$0x10720]  }
.Ltmp3:
0x1a6: {  	v26 =	vadd.f32 v41, v26;
	v30 =	vld [tilespmem:s12+$0x10690];
	v27 =	vadd.f32 v42, v27;
	(pc) =	sbr.rel @p1 .LBB2_5-.Ltmp3, $4  }
0x1a7: {  	v24 =	vadd.f32 v32, v24;
	v25 =	vadd.f32 v33, v25;
	v31 =	vld [tilespmem:s12+$0x10710]  }
0x1a8: {  	v26 =	vadd.f32 v38, v26;
	v32 =	vld [tilespmem:s12+$0x10680];
	v27 =	vadd.f32 v39, v27  }
0x1a9: {  	v24 =	vadd.f32 v34, v24;
	v25 =	vadd.f32 v35, v25;
	v33 =	vld [tilespmem:s12+$0x10700]  }
0x1aa: {  	s13 =	sadd.s32 $0x1000, s13;
	v26 =	vadd.f32 v36, v26;
	v34 =	vld [tilespmem:s12+$0x10780];
	v27 =	vadd.f32 v37, v27  }
0x1ab: {  	v35 =	vld [tilespmem:s12+$0x10800]  }
0x1ac: {  	v36 =	vld [tilespmem:s12+$0x10790]  }
0x1ad: {  	v37 =	vld [tilespmem:s12+$0x10810]  }
0x1ae: {  	v38 =	vld [tilespmem:s12+$0x107A0]  }
0x1af: {  	v39 =	vld [tilespmem:s12+$0x10820]  }
0x1b0: {  	v40 =	vld [tilespmem:s12+$0x107B0]  }
0x1b1: {  	v41 =	vld [tilespmem:s12+$0x10830]  }
0x1b2: {  	v42 =	vld [tilespmem:s12+$0x107C0]  }
0x1b3: {  	v43 =	vld [tilespmem:s12+$0x10840]  }
0x1b4: {  	v44 =	vld [tilespmem:s12+$0x107D0]  }
0x1b5: {  	v45 =	vld [tilespmem:s12+$0x10850]  }
0x1b6: {  	v46 =	vld [tilespmem:s12+$0x107E0]  }
0x1b7: {  	v47 =	vld [tilespmem:s12+$0x10860]  }
0x1b8: {  	v48 =	vld [tilespmem:s12+$0x107F0]  }
0x1b9: {  	v49 =	vld [tilespmem:s12+$0x10870]  }
0x1ba: {  	v50 =	vld [tilespmem:$0x10090]  }
0x1bb: {  	v51 =	vld [tilespmem:$0x10110]  }
0x1bc: {  	v52 =	vld [tilespmem:$0x10190]  }
0x1bd: {  	v53 =	vld [tilespmem:$0x10210]  }
0x1be: {  	v54 =	vld [tilespmem:$0x10290]  }
0x1bf: {  	v55 =	vld [tilespmem:$0x10310]  }
0x1c0: {  	v56 =	vld [tilespmem:$0x10390]  }
0x1c1: {  	v57 =	vld [tilespmem:$0x10410]  }
0x1c2: {  	v58 =	vld [tilespmem:$0x100A0]  }
0x1c3: {  	v59 =	vld [tilespmem:$0x10120]  }
0x1c4: {  	v60 =	vld [tilespmem:$0x101A0]  }
0x1c5: {  	v61 =	vld [tilespmem:$0x10220]  }
0x1c6: {  	v19 =	vadd.f32 v19, v24;
	v21 =	vadd.f32 v21, v25;
	v24 =	vld [tilespmem:$0x102A0]  }
0x1c7: {  	v25 =	vld [tilespmem:$0x10320];
	v18 =	vadd.f32 v18, v26;
	v20 =	vadd.f32 v20, v27  }
0x1c8: {  	v63 =	vld [tilespmem:$0x10440];
	v12 =	vadd.f32 v12, v19;
	v13 =	vadd.f32 v13, v21  }
0x1c9: {  	v26 =	vld [tilespmem:$0x101B0];
	v10 =	vadd.f32 v32, v10;
	v14 =	vadd.f32 v14, v18  }
0x1ca: {  	v27 =	vld [tilespmem:$0x10230];
	v15 =	vadd.f32 v15, v20;
	v11 =	vadd.f32 v33, v11  }
0x1cb: {  	v19 =	vld [tilespmem:$0x103A0];
	v8 =	vadd.f32 v34, v8;
	v10 =	vadd.f32 v30, v10  }
0x1cc: {  	v21 =	vld [tilespmem:$0x10130];
	v9 =	vadd.f32 v35, v9;
	v11 =	vadd.f32 v31, v11  }
0x1cd: {  	v18 =	vld [tilespmem:$0x10420];
	v12 =	vadd.f32 v50, v12;
	v13 =	vadd.f32 v51, v13  }
0x1ce: {  	v20 =	vld [tilespmem:$0x100B0];
	v14 =	vadd.f32 v52, v14;
	v15 =	vadd.f32 v53, v15  }
0x1cf: {  	v50 =	vld [tilespmem:$0x103E0];
	v8 =	vadd.f32 v36, v8;
	v10 =	vadd.f32 v28, v10  }
0x1d0: {  	v52 =	vld [tilespmem:$0x10460];
	v9 =	vadd.f32 v37, v9;
	v11 =	vadd.f32 v29, v11  }
0x1d1: {  	v28 =	vld [tilespmem:$0x102B0];
	v12 =	vadd.f32 v58, v12;
	v13 =	vadd.f32 v59, v13  }
0x1d2: {  	v36 =	vld [tilespmem:$0x100D0];
	v14 =	vadd.f32 v60, v14;
	v15 =	vadd.f32 v61, v15  }
0x1d3: {  	v29 =	vld [tilespmem:$0x10330];
	v8 =	vadd.f32 v38, v8;
	v10 =	vadd.f32 v22, v10  }
0x1d4: {  	v37 =	vld [tilespmem:$0x10150];
	v9 =	vadd.f32 v39, v9;
	v11 =	vadd.f32 v23, v11  }
0x1d5: {  	v58 =	vld [tilespmem:$0x10270];
	v12 =	vadd.f32 v20, v12;
	v13 =	vadd.f32 v21, v13  }
0x1d6: {  	v22 =	vld [tilespmem:$0x103B0];
	v14 =	vadd.f32 v26, v14;
	v15 =	vadd.f32 v27, v15  }
0x1d7: {  	v38 =	vld [tilespmem:$0x101D0];
	v8 =	vadd.f32 v40, v8;
	v10 =	vadd.f32 v16, v10  }
0x1d8: {  	v16 =	vld [tilespmem:$0x100C0];
	v9 =	vadd.f32 v41, v9;
	v11 =	vadd.f32 v17, v11  }
0x1d9: {  	v17 =	vld [tilespmem:$0x10140];
	v8 =	vadd.f32 v42, v8;
	v6 =	vadd.f32 v6, v10  }
0x1da: {  	v23 =	vld [tilespmem:$0x10430];
	v9 =	vadd.f32 v43, v9;
	v7 =	vadd.f32 v7, v11  }
0x1db: {  	v10 =	vld [tilespmem:$0x101C0];
	v8 =	vadd.f32 v44, v8;
	v4 =	vadd.f32 v4, v6  }
0x1dc: {  	v39 =	vld [tilespmem:$0x10250];
	v9 =	vadd.f32 v45, v9;
	v5 =	vadd.f32 v5, v7  }
0x1dd: {  	v11 =	vld [tilespmem:$0x10240];
	v12 =	vadd.f32 v16, v12;
	v46 =	vadd.f32 v46, v8  }
0x1de: {  	v40 =	vld [tilespmem:$0x102D0];
	v2 =	vadd.f32 v2, v4;
	v13 =	vadd.f32 v17, v13  }
0x1df: {  	v44 =	vld [tilespmem:$0x100E0];
	v47 =	vadd.f32 v47, v9;
	v3 =	vadd.f32 v3, v5  }
0x1e0: {  	v41 =	vld [tilespmem:$0x10350];
	v10 =	vadd.f32 v10, v14;
	v53 =	vadd.f32 v36, v12  }
0x1e1: {  	v42 =	vld [tilespmem:$0x103D0];
	v48 =	vadd.f32 v48, v46;
	v2 =	vadd.f32 v54, v2  }
0x1e2: {  	v6 =	vld [tilespmem:$0x102C0];
	v11 =	vadd.f32 v11, v15;
	v54 =	vadd.f32 v37, v13  }
0x1e3: {  	v45 =	vld [tilespmem:$0x10160];
	v62 =	vadd.f32 v49, v47;
	v3 =	vadd.f32 v55, v3  }
0x1e4: {  	v46 =	vld [tilespmem:$0x101E0];
	v10 =	vadd.f32 v38, v10;
	v8 =	vadd.f32 v44, v53  }
0x1e5: {  	v47 =	vld [tilespmem:$0x10260];
	v5 =	vadd.f32 v56, v48;
	v2 =	vadd.f32 v24, v2  }
0x1e6: {  	v55 =	vld [tilespmem:$0x100F0];
	v11 =	vadd.f32 v39, v11;
	v7 =	vadd.f32 v57, v62  }
0x1e7: {  	v9 =	vld [tilespmem:$0x10340];
	v3 =	vadd.f32 v25, v3;
	v5 =	vadd.f32 v19, v5  }
0x1e8: {  	v4 =	vld [tilespmem:$0x103C0];
	v2 =	vadd.f32 v28, v2;
	v7 =	vadd.f32 v18, v7  }
0x1e9: {  	v57 =	vld [tilespmem:$0x101F0];
	v3 =	vadd.f32 v29, v3;
	v10 =	vadd.f32 v46, v10  }
0x1ea: {  	v43 =	vld [tilespmem:$0x10450];
	v5 =	vadd.f32 v22, v5;
	v2 =	vadd.f32 v6, v2  }
0x1eb: {  	v56 =	vld [tilespmem:$0x10170];
	v8 =	vadd.f32 v55, v8;
	v11 =	vadd.f32 v47, v11  }
0x1ec: {  	v48 =	vld [tilespmem:$0x102E0];
	v7 =	vadd.f32 v23, v7;
	v3 =	vadd.f32 v9, v3  }
0x1ed: {  	v49 =	vld [tilespmem:$0x10360];
	v9 =	vadd.f32 v45, v54;
	v4 =	vadd.f32 v4, v5  }
0x1ee: {  	v59 =	vld [tilespmem:$0x102F0];
	v2 =	vadd.f32 v40, v2;
	v10 =	vadd.f32 v57, v10  }
0x1ef: {  	v60 =	vld [tilespmem:$0x10370];
	v51 =	vadd.f32 v63, v7;
	v3 =	vadd.f32 v41, v3  }
0x1f0: {  	v61 =	vld [tilespmem:$0x103F0];
	v9 =	vadd.f32 v56, v9;
	v63 =	vadd.f32 v58, v11  }
0x1f1: {  	v62 =	vld [tilespmem:$0x10470];
	[tilespmem:$0x18080] =	vst v8;
	v4 =	vadd.f32 v42, v4;
	v2 =	vadd.f32 v48, v2  }
0x1f2: {  	[tilespmem:$0x18180] =	vst v10;
	v5 =	vadd.f32 v43, v51;
	v3 =	vadd.f32 v49, v3  }
0x1f3: {  	[tilespmem:$0x18100] =	vst v9;
	v4 =	vadd.f32 v50, v4;
	v2 =	vadd.f32 v59, v2  }
0x1f4: {  	[tilespmem:$0x18200] =	vst v63;
	v5 =	vadd.f32 v52, v5;
	v3 =	vadd.f32 v60, v3  }
0x1f5: {  	s14 =	sadd.s32 s11, s4;
	v4 =	vadd.f32 v61, v4;
	[tilespmem:$0x18280] =	vst v2  }
0x1f6: {  	s12 =	sshll.u32 s14, $0x4;
	v2 =	vadd.f32 v62, v5;
	[tilespmem:$0x18300] =	vst v3  }
0x1f7: {  	s12 =	sadd.s32 s6, s12;
	[tilespmem:$0x18380] =	vst v4  }
.Ltmp4:
0x1f8: {  	s12 =	sadd.s32 $0x80, s12;
	[tilespmem:$0x18400] =	vst v2;
	(pc) =	sbr.rel @p0 .LBB2_8-.Ltmp4, $4  }
0x1f9: {  	[hbm4b:s12+s3] =	stream.linear.scatter [tilespmem:s7], [sflag:$0x4], $0x400, $0x38;
	[tilespmem:$0x18500] =	vst v63  }
0x1fa: {  	_ =	swait.ge [sflag:s31], $0x400  }
0x1fb: {  	[sflag:s31] =	ssyncset.done $0x0  }
0x1fc: {  	[sflag:s31] =	ssyncadd.s32 $0xFFFFFC00  }
.Ltmp5:
0x1fd: {  	(pc) =	sbr.rel .LBB2_2-.Ltmp5, $4  }
0x1fe: {  	s11 =	sadd.s32 s11, s30  }
0x1ff: {  	s11 =	sshll.u32 s11, $0x9  }
0x200: {  	s10 =	sadd.s32 $0x1, s10;
	s11 =	sadd.s32 s1, s11  }
0x201: {  	[tilespmem:s2], [sflag:$0x3] =	stream.linear.gather [hbm4b:s11+s3], $0x8000, $0x38;
	[tilespmem:$0x18500] =	vst v63  }
.LBB2_9:
0x202: {  	_ =	sfence.sel $0x180000  }
0x203: {  	[bflag:$0x0] =	sbarrier.arrive $0xFFFF  }
0x204: {  	_ =	strace $0x90000047  }
0x205: {  	s0 =	stileid.u32;
	[bflag:$0x2] =	sbarrier.arrive $0xFFFF  }
0x206: {  	p0 =	sne.s32 s0, $0x0;
	s0 =	rddreg [dreg:$0x2]  }
0x207: {  	s0 =	sadd.s32 @!p0 $0x100000, s0  }
0x208: {  	[sflag:s0] =	ssyncadd.tile.s32 @!p0 $0x1;
	_ =	shalt  }
.Lfunc_end2:
_tile_overlayer_lowered:
.L_overlay_start_2:
0x209: {  	(tag) =	ssettag $0x2  }
0x20a: {  	s0 =	rddreg [dreg:$0x0];
	s2 =	stileid.u32  }
0x20b: {  	s1 =	rddreg [dreg:$0x1];
	p0 =	sne.s32 s2, $0x0  }
0x20c: {  	s3 =	rddreg [dreg:$0x2];
	[bflag:$0x3] =	sbarrier.arrive $0xFFFF;
	s2 =	simm.s32 @!p0 $0x1C04  }
0x20d: {  	[timem:s3], [sflag:s2] =	dma.local @!p0 [hbm:s0], s1  }
0x20e: {  	s0 =	simm.s32 @!p0 $0x4  }
0x20f: {  	_ =	swait.ge @!p0 [sflag:s0], s1  }
0x210: {  	s1 =	ssub.s32 @!p0 $0x0, s1;
	[sflag:s0] =	ssyncset.done @!p0 $0x0  }
0x211: {  	[sflag:s0] =	ssyncadd.s32 @!p0 s1  }
0x212: {  	[bflag:$0x3] =	sbarrier.arrive $0xFFFF  }
0x213: {  	_ =	shalt  }

</sc_bundles>
